<compile_context>
chip_gen: v7x
topology: tpu7x:2x2x1
jax: 0.10.2.dev20260603
libtpu: 0.0.44.dev20260713+nightly
codegen_flags: <defaults>
</compile_context>

<pallas_src>
import functools

import jax
import jax.numpy as jnp
from jax import lax
from jax.experimental import pallas as pl
from jax.experimental.pallas import tpu as pltpu
from jax.experimental.pallas import tpu_sc as plsc

B, H, D = 16384, 50, 16
V = 1000000
N = B * H
NC, NS = 2, 16
NW = NC * NS

_mesh = plsc.VectorSubcoreMesh(
    core_axis_name="c", subcore_axis_name="s", num_cores=NC, num_subcores=NS
)

ROWS_PER_W = N // NW
K = 8
C = K * 128
STEPS = ROWS_PER_W // C
IDX_ROWS_PER_W = ROWS_PER_W // 128
BT = B // 128


@functools.partial(
    pl.kernel,
    out_type=jax.ShapeDtypeStruct((N * D,), jnp.float32),
    mesh=_mesh,
    compiler_params=pltpu.CompilerParams(
        use_tc_tiling_on_sc=False, needs_layout_passes=False
    ),
    scratch_types=[
        pltpu.VMEM((K, 128), jnp.int32),
        pltpu.VMEM((C, D), jnp.float32),
        pltpu.VMEM((D // 8, K * 8 * 128), jnp.float32),
        pltpu.SemaphoreType.DMA,
    ],
)
def _encode(table_hbm, idx_hbm, out_hbm, idx_v, rows_v, tblk_v, sem):
    wid = lax.axis_index("s") * NC + lax.axis_index("c")
    row0 = wid * IDX_ROWS_PER_W
    riota = jax.lax.iota(jnp.int32, 16)
    cf = [jnp.full((16,), f, jnp.int32) for f in range(D)]

    @pl.loop(0, STEPS)
    def _step(s):
        r0 = row0 + s * K
        h = r0 // 128
        c1 = r0 % 128
        pltpu.sync_copy(idx_hbm.at[pl.ds(r0, K)], idx_v)
        cps = [
            pltpu.async_copy(
                table_hbm.at[idx_v.at[j]], rows_v.at[pl.ds(j * 128, 128)], sem
            )
            for j in range(K)
        ]
        for cp in cps:
            cp.wait()

        @pl.loop(0, K)
        def _tr(j):
            for bg in range(8):
                ridx = j * 128 + bg * 16 + riota
                for f in range(D):
                    col = plsc.load_gather(rows_v, [ridx, cf[f]])
                    off = (j * 8 + (f % 8)) * 128 + bg * 16
                    plsc.store_scatter(tblk_v.at[f // 8], [off + riota], col)

        base0 = ((h * 2 + 0) * 128 + c1) * 1024
        base1 = ((h * 2 + 1) * 128 + c1) * 1024
        pltpu.sync_copy(tblk_v.at[0], out_hbm.at[pl.ds(base0, K * 1024)])
        pltpu.sync_copy(tblk_v.at[1], out_hbm.at[pl.ds(base1, K * 1024)])


def kernel(batch_data, item_table, ent_table):
    idx = batch_data.T.reshape(N // 128, 128).astype(jnp.int32)
    summed = item_table + ent_table
    flat = _encode(summed, idx)
    out5 = flat.reshape(H, D // 8, BT, 8, 128)
    return out5.transpose(2, 4, 0, 1, 3).reshape(B, H, D)

# --- scband reference (transcript-rebuilt; emitter-appended) ---
"""Pipeline reference for scband-ktupitem-encoder-62337155334229 (READ-ONLY COPY).

The authoritative reference and input builder live on the scoring server;
editing this copy changes nothing except your own understanding.
"""

import jax, jax.numpy as jnp
import numpy as np

VOCAB = 1000000
DIM = 16
BATCH = 16384
HIST = 50

def setup_inputs(seed: int = 0) -> dict:
    key = jax.random.key(seed)
    k_idx, k_item, k_ent = jax.random.split(key, 3)
    batch_data = jax.random.randint(k_idx, (BATCH, HIST), 0, VOCAB, dtype=jnp.int64 if jax.config.jax_enable_x64 else jnp.int32)
    item_table = jax.random.normal(k_item, (VOCAB, DIM), dtype=jnp.float32) * 0.02
    ent_table = jax.random.normal(k_ent, (VOCAB, DIM), dtype=jnp.float32) * 0.02
    return {"batch_data": batch_data, "item_table": item_table, "ent_table": ent_table}

def reference(batch_data, item_table, ent_table):
    # KTUPItemEncoder.forward: item_embeddings(batch_data) + ent_embeddings(batch_data)
    item_emb = jnp.take(item_table, batch_data, axis=0)
    ent_emb = jnp.take(ent_table, batch_data, axis=0)
    return item_emb + ent_emb

if __name__ == "__main__":
    import jax
    _d = setup_inputs()
    print(jax.jit(kernel)(*tuple(_d.values())))

</pallas_src>

<mosaic_0001>
#map = affine_map<(d0, d1) -> (0, 0)>
#map1 = affine_map<(d0, d1) -> (0)>
module attributes {stable_mosaic.version = 14 : i64} {
  func.func @_encode(%arg0: i32, %arg1: i32, %arg2: memref<1000000x16xf32, #tpu.memory_space<hbm>>, %arg3: memref<6400x128xi32, #tpu.memory_space<hbm>>, %arg4: memref<13107200xf32, #tpu.memory_space<hbm>>, %arg5: memref<8x128xi32, #tpu.memory_space<vmem>>, %arg6: memref<1024x16xf32, #tpu.memory_space<vmem>>, %arg7: memref<2x8192xf32, #tpu.memory_space<vmem>>, %arg8: memref<!tpu.dma_semaphore, #tpu.memory_space<semaphore_mem>>) attributes {dimension_semantics = [#tpu.dimension_semantics<core_parallel>, #tpu.dimension_semantics<subcore_parallel>], iteration_bounds = array<i64: 2, 16>, scalar_prefetch = 0 : i64, scratch_operands = 4 : i64, tpu.core_type = #tpu.core_type<sc_vector_subcore>, window_params = [{transform_indices = #map}, {transform_indices = #map}, {transform_indices = #map1}]} {
    %mul3A = arith.constant 2 : i32
    %mul3A_0 = arith.muli %arg1, %mul3A : i32
    %add3A = arith.addi %mul3A_0, %arg0 : i32
    %mul3A_1 = arith.constant 200 : i32
    %mul3A_2 = arith.muli %add3A, %mul3A_1 : i32
    %iota3A = tpu.iota {dimensions = array<i32: 0>} : vector<16xi32>
    %broadcast_in_dim3A = arith.constant 0 : i32
    %broadcast_in_dim3A_3 = vector.broadcast %broadcast_in_dim3A : i32 to vector<16xi32>
    %broadcast_in_dim3A_4 = arith.constant 1 : i32
    %broadcast_in_dim3A_5 = vector.broadcast %broadcast_in_dim3A_4 : i32 to vector<16xi32>
    %broadcast_in_dim3A_6 = arith.constant 2 : i32
    %broadcast_in_dim3A_7 = vector.broadcast %broadcast_in_dim3A_6 : i32 to vector<16xi32>
    %broadcast_in_dim3A_8 = arith.constant 3 : i32
    %broadcast_in_dim3A_9 = vector.broadcast %broadcast_in_dim3A_8 : i32 to vector<16xi32>
    %broadcast_in_dim3A_10 = arith.constant 4 : i32
    %broadcast_in_dim3A_11 = vector.broadcast %broadcast_in_dim3A_10 : i32 to vector<16xi32>
    %broadcast_in_dim3A_12 = arith.constant 5 : i32
    %broadcast_in_dim3A_13 = vector.broadcast %broadcast_in_dim3A_12 : i32 to vector<16xi32>
    %broadcast_in_dim3A_14 = arith.constant 6 : i32
    %broadcast_in_dim3A_15 = vector.broadcast %broadcast_in_dim3A_14 : i32 to vector<16xi32>
    %broadcast_in_dim3A_16 = arith.constant 7 : i32
    %broadcast_in_dim3A_17 = vector.broadcast %broadcast_in_dim3A_16 : i32 to vector<16xi32>
    %broadcast_in_dim3A_18 = arith.constant 8 : i32
    %broadcast_in_dim3A_19 = vector.broadcast %broadcast_in_dim3A_18 : i32 to vector<16xi32>
    %broadcast_in_dim3A_20 = arith.constant 9 : i32
    %broadcast_in_dim3A_21 = vector.broadcast %broadcast_in_dim3A_20 : i32 to vector<16xi32>
    %broadcast_in_dim3A_22 = arith.constant 10 : i32
    %broadcast_in_dim3A_23 = vector.broadcast %broadcast_in_dim3A_22 : i32 to vector<16xi32>
    %broadcast_in_dim3A_24 = arith.constant 11 : i32
    %broadcast_in_dim3A_25 = vector.broadcast %broadcast_in_dim3A_24 : i32 to vector<16xi32>
    %broadcast_in_dim3A_26 = arith.constant 12 : i32
    %broadcast_in_dim3A_27 = vector.broadcast %broadcast_in_dim3A_26 : i32 to vector<16xi32>
    %broadcast_in_dim3A_28 = arith.constant 13 : i32
    %broadcast_in_dim3A_29 = vector.broadcast %broadcast_in_dim3A_28 : i32 to vector<16xi32>
    %broadcast_in_dim3A_30 = arith.constant 14 : i32
    %broadcast_in_dim3A_31 = vector.broadcast %broadcast_in_dim3A_30 : i32 to vector<16xi32>
    %broadcast_in_dim3A_32 = arith.constant 15 : i32
    %broadcast_in_dim3A_33 = vector.broadcast %broadcast_in_dim3A_32 : i32 to vector<16xi32>
    %scan3A = arith.constant 0 : i32
    %scan3A_34 = arith.constant 25 : i32
    %scan3A_35 = arith.addi %scan3A, %scan3A_34 : i32
    %scan3A_36 = arith.constant 1 : i32
    scf.for %scan3A_38 = %scan3A to %scan3A_35 step %scan3A_36  : i32 {
      %mul3A_39 = arith.constant 1 : i32
      %mul3A_40 = arith.muli %scan3A_38, %mul3A_39 : i32
      %add3A_41 = arith.constant 0 : i32
      %add3A_42 = arith.addi %add3A_41, %mul3A_40 : i32
      %mul3A_43 = arith.constant 8 : i32
      %mul3A_44 = arith.muli %add3A_42, %mul3A_43 : i32
      %add3A_45 = arith.addi %mul3A_2, %mul3A_44 : i32
      %jit3A = arith.constant 128 : i32
      %div3A = arith.divsi %add3A_45, %jit3A : i32
      %sign3A = arith.constant 0 : i32
      %sign3A_46 = arith.cmpi sgt, %add3A_45, %sign3A : i32
      %sign3A_47 = arith.extui %sign3A_46 : i1 to i32
      %sign3A_48 = arith.constant 0 : i32
      %sign3A_49 = arith.cmpi slt, %add3A_45, %sign3A_48 : i32
      %sign3A_50 = arith.extui %sign3A_49 : i1 to i32
      %sign3A_51 = arith.subi %sign3A_47, %sign3A_50 : i32
      %sign3A_52 = arith.constant 0 : i32
      %sign3A_53 = arith.cmpi sgt, %jit3A, %sign3A_52 : i32
      %sign3A_54 = arith.extui %sign3A_53 : i1 to i32
      %sign3A_55 = arith.constant 0 : i32
      %sign3A_56 = arith.cmpi slt, %jit3A, %sign3A_55 : i32
      %sign3A_57 = arith.extui %sign3A_56 : i1 to i32
      %sign3A_58 = arith.subi %sign3A_54, %sign3A_57 : i32
      %ne3A = arith.cmpi ne, %sign3A_51, %sign3A_58 : i32
      %rem3A = arith.remsi %add3A_45, %jit3A : i32
      %ne3A_59 = arith.constant 0 : i32
      %ne3A_60 = arith.cmpi ne, %rem3A, %ne3A_59 : i32
      %and3A = arith.andi %ne3A, %ne3A_60 : i1
      %sub3A = arith.constant 1 : i32
      %sub3A_61 = arith.subi %div3A, %sub3A : i32
      %select_n3A = arith.select %and3A, %sub3A_61, %div3A : i32
      %jit3A_62 = arith.constant 128 : i32
      %eq3A = arith.constant 0 : i32
      %eq3A_63 = arith.cmpi eq, %jit3A_62, %eq3A : i32
      %jit3A_64 = arith.constant 1 : i32
      %select_n3A_65 = arith.select %eq3A_63, %jit3A_64, %jit3A_62 : i32
      %rem3A_66 = arith.remsi %add3A_45, %select_n3A_65 : i32
      %ne3A_67 = arith.constant 0 : i32
      %ne3A_68 = arith.cmpi ne, %rem3A_66, %ne3A_67 : i32
      %lt3A = arith.constant 0 : i32
      %lt3A_69 = arith.cmpi slt, %rem3A_66, %lt3A : i32
      %lt3A_70 = arith.constant 0 : i32
      %lt3A_71 = arith.cmpi slt, %select_n3A_65, %lt3A_70 : i32
      %ne3A_72 = arith.xori %lt3A_69, %lt3A_71 : i1
      %and3A_73 = arith.andi %ne3A_72, %ne3A_68 : i1
      %add3A_74 = arith.addi %rem3A_66, %select_n3A_65 : i32
      %select_n3A_75 = arith.select %and3A_73, %add3A_74, %rem3A_66 : i32
      "tpu.region"() ({
        %run_scoped3A_258 = tpu.sem_alloc : memref<!tpu.dma_semaphore, #tpu.memory_space<semaphore_mem>>
        %dma_start3A_259 = arith.constant 0 : i32
        %dma_start3A_260 = tpu.memref_slice %arg3[%add3A_45, %dma_start3A_259] : memref<6400x128xi32, #tpu.memory_space<hbm>> -> memref<8x128xi32, #tpu.memory_space<hbm>>
        %dma_start3A_261 = arith.constant 0 : i32
        %dma_start3A_262 = tpu.memref_slice %arg3[%add3A_45, %dma_start3A_261] : memref<6400x128xi32, #tpu.memory_space<hbm>> -> memref<8x128xi32, #tpu.memory_space<hbm>>
        tpu.enqueue_dma source(%dma_start3A_262 : memref<8x128xi32, #tpu.memory_space<hbm>>) target(%arg5 : memref<8x128xi32, #tpu.memory_space<vmem>>) target_semaphore(%run_scoped3A_258 : memref<!tpu.dma_semaphore, #tpu.memory_space<semaphore_mem>>)
        %dma_wait3A_263 = arith.constant 0 : i32
        %dma_wait3A_264 = tpu.memref_slice %arg3[%add3A_45, %dma_wait3A_263] : memref<6400x128xi32, #tpu.memory_space<hbm>> -> memref<8x128xi32, #tpu.memory_space<hbm>>
        %dma_wait3A_265 = arith.constant 0 : i32
        %dma_wait3A_266 = tpu.memref_slice %arg3[%add3A_45, %dma_wait3A_265] : memref<6400x128xi32, #tpu.memory_space<hbm>> -> memref<8x128xi32, #tpu.memory_space<hbm>>
        tpu.wait_dma2 semaphore(%run_scoped3A_258 : memref<!tpu.dma_semaphore, #tpu.memory_space<semaphore_mem>>) src(%dma_wait3A_266 : memref<8x128xi32, #tpu.memory_space<hbm>>) dst(%arg5 : memref<8x128xi32, #tpu.memory_space<vmem>>)
        tpu.yield
      }) : () -> ()
      %dma_start3A = arith.constant 0 : i32
      %dma_start3A_76 = arith.constant 0 : i32
      %dma_start3A_77 = arith.constant 0 : i32
      %dma_start3A_78 = tpu.memref_slice %arg6[%dma_start3A_76, %dma_start3A_77] : memref<1024x16xf32, #tpu.memory_space<vmem>> -> memref<128x16xf32, #tpu.memory_space<vmem>>
      %dma_start3A_79 = arith.constant 0 : i32
      %dma_start3A_80 = tpu.memref_slice %arg5[%dma_start3A, %dma_start3A_79] : memref<8x128xi32, #tpu.memory_space<vmem>> -> memref<1x128xi32, #tpu.memory_space<vmem>>
      %dma_start3A_81 = tpu.memref_squeeze %dma_start3A_80 : memref<1x128xi32, #tpu.memory_space<vmem>> -> memref<128xi32, #tpu.memory_space<vmem>>
      %dma_start3A_82 = arith.constant 0 : i32
      %dma_start3A_83 = arith.constant 0 : i32
      %dma_start3A_84 = tpu.memref_slice %arg2[%dma_start3A_82, %dma_start3A_83] : memref<1000000x16xf32, #tpu.memory_space<hbm>> -> memref<1000000x16xf32, #tpu.memory_space<hbm>>
      tpu.enqueue_indirect_dma source(%dma_start3A_84 : memref<1000000x16xf32, #tpu.memory_space<hbm>>) target(%dma_start3A_78 : memref<128x16xf32, #tpu.memory_space<vmem>>) offsets(%dma_start3A_81 : memref<128xi32, #tpu.memory_space<vmem>>) semaphore(%arg8 : memref<!tpu.dma_semaphore, #tpu.memory_space<semaphore_mem>>)
      %dma_start3A_85 = arith.constant 1 : i32
      %dma_start3A_86 = arith.constant 128 : i32
      %dma_start3A_87 = arith.constant 0 : i32
      %dma_start3A_88 = tpu.memref_slice %arg6[%dma_start3A_86, %dma_start3A_87] : memref<1024x16xf32, #tpu.memory_space<vmem>> -> memref<128x16xf32, #tpu.memory_space<vmem>>
      %dma_start3A_89 = arith.constant 0 : i32
      %dma_start3A_90 = tpu.memref_slice %arg5[%dma_start3A_85, %dma_start3A_89] : memref<8x128xi32, #tpu.memory_space<vmem>> -> memref<1x128xi32, #tpu.memory_space<vmem>>
      %dma_start3A_91 = tpu.memref_squeeze %dma_start3A_90 : memref<1x128xi32, #tpu.memory_space<vmem>> -> memref<128xi32, #tpu.memory_space<vmem>>
      %dma_start3A_92 = arith.constant 0 : i32
      %dma_start3A_93 = arith.constant 0 : i32
      %dma_start3A_94 = tpu.memref_slice %arg2[%dma_start3A_92, %dma_start3A_93] : memref<1000000x16xf32, #tpu.memory_space<hbm>> -> memref<1000000x16xf32, #tpu.memory_space<hbm>>
      tpu.enqueue_indirect_dma source(%dma_start3A_94 : memref<1000000x16xf32, #tpu.memory_space<hbm>>) target(%dma_start3A_88 : memref<128x16xf32, #tpu.memory_space<vmem>>) offsets(%dma_start3A_91 : memref<128xi32, #tpu.memory_space<vmem>>) semaphore(%arg8 : memref<!tpu.dma_semaphore, #tpu.memory_space<semaphore_mem>>)
      %dma_start3A_95 = arith.constant 2 : i32
      %dma_start3A_96 = arith.constant 256 : i32
      %dma_start3A_97 = arith.constant 0 : i32
      %dma_start3A_98 = tpu.memref_slice %arg6[%dma_start3A_96, %dma_start3A_97] : memref<1024x16xf32, #tpu.memory_space<vmem>> -> memref<128x16xf32, #tpu.memory_space<vmem>>
      %dma_start3A_99 = arith.constant 0 : i32
      %dma_start3A_100 = tpu.memref_slice %arg5[%dma_start3A_95, %dma_start3A_99] : memref<8x128xi32, #tpu.memory_space<vmem>> -> memref<1x128xi32, #tpu.memory_space<vmem>>
      %dma_start3A_101 = tpu.memref_squeeze %dma_start3A_100 : memref<1x128xi32, #tpu.memory_space<vmem>> -> memref<128xi32, #tpu.memory_space<vmem>>
      %dma_start3A_102 = arith.constant 0 : i32
      %dma_start3A_103 = arith.constant 0 : i32
      %dma_start3A_104 = tpu.memref_slice %arg2[%dma_start3A_102, %dma_start3A_103] : memref<1000000x16xf32, #tpu.memory_space<hbm>> -> memref<1000000x16xf32, #tpu.memory_space<hbm>>
      tpu.enqueue_indirect_dma source(%dma_start3A_104 : memref<1000000x16xf32, #tpu.memory_space<hbm>>) target(%dma_start3A_98 : memref<128x16xf32, #tpu.memory_space<vmem>>) offsets(%dma_start3A_101 : memref<128xi32, #tpu.memory_space<vmem>>) semaphore(%arg8 : memref<!tpu.dma_semaphore, #tpu.memory_space<semaphore_mem>>)
      %dma_start3A_105 = arith.constant 3 : i32
      %dma_start3A_106 = arith.constant 384 : i32
      %dma_start3A_107 = arith.constant 0 : i32
      %dma_start3A_108 = tpu.memref_slice %arg6[%dma_start3A_106, %dma_start3A_107] : memref<1024x16xf32, #tpu.memory_space<vmem>> -> memref<128x16xf32, #tpu.memory_space<vmem>>
      %dma_start3A_109 = arith.constant 0 : i32
      %dma_start3A_110 = tpu.memref_slice %arg5[%dma_start3A_105, %dma_start3A_109] : memref<8x128xi32, #tpu.memory_space<vmem>> -> memref<1x128xi32, #tpu.memory_space<vmem>>
      %dma_start3A_111 = tpu.memref_squeeze %dma_start3A_110 : memref<1x128xi32, #tpu.memory_space<vmem>> -> memref<128xi32, #tpu.memory_space<vmem>>
      %dma_start3A_112 = arith.constant 0 : i32
      %dma_start3A_113 = arith.constant 0 : i32
      %dma_start3A_114 = tpu.memref_slice %arg2[%dma_start3A_112, %dma_start3A_113] : memref<1000000x16xf32, #tpu.memory_space<hbm>> -> memref<1000000x16xf32, #tpu.memory_space<hbm>>
      tpu.enqueue_indirect_dma source(%dma_start3A_114 : memref<1000000x16xf32, #tpu.memory_space<hbm>>) target(%dma_start3A_108 : memref<128x16xf32, #tpu.memory_space<vmem>>) offsets(%dma_start3A_111 : memref<128xi32, #tpu.memory_space<vmem>>) semaphore(%arg8 : memref<!tpu.dma_semaphore, #tpu.memory_space<semaphore_mem>>)
      %dma_start3A_115 = arith.constant 4 : i32
      %dma_start3A_116 = arith.constant 512 : i32
      %dma_start3A_117 = arith.constant 0 : i32
      %dma_start3A_118 = tpu.memref_slice %arg6[%dma_start3A_116, %dma_start3A_117] : memref<1024x16xf32, #tpu.memory_space<vmem>> -> memref<128x16xf32, #tpu.memory_space<vmem>>
      %dma_start3A_119 = arith.constant 0 : i32
      %dma_start3A_120 = tpu.memref_slice %arg5[%dma_start3A_115, %dma_start3A_119] : memref<8x128xi32, #tpu.memory_space<vmem>> -> memref<1x128xi32, #tpu.memory_space<vmem>>
      %dma_start3A_121 = tpu.memref_squeeze %dma_start3A_120 : memref<1x128xi32, #tpu.memory_space<vmem>> -> memref<128xi32, #tpu.memory_space<vmem>>
      %dma_start3A_122 = arith.constant 0 : i32
      %dma_start3A_123 = arith.constant 0 : i32
      %dma_start3A_124 = tpu.memref_slice %arg2[%dma_start3A_122, %dma_start3A_123] : memref<1000000x16xf32, #tpu.memory_space<hbm>> -> memref<1000000x16xf32, #tpu.memory_space<hbm>>
      tpu.enqueue_indirect_dma source(%dma_start3A_124 : memref<1000000x16xf32, #tpu.memory_space<hbm>>) target(%dma_start3A_118 : memref<128x16xf32, #tpu.memory_space<vmem>>) offsets(%dma_start3A_121 : memref<128xi32, #tpu.memory_space<vmem>>) semaphore(%arg8 : memref<!tpu.dma_semaphore, #tpu.memory_space<semaphore_mem>>)
      %dma_start3A_125 = arith.constant 5 : i32
      %dma_start3A_126 = arith.constant 640 : i32
      %dma_start3A_127 = arith.constant 0 : i32
      %dma_start3A_128 = tpu.memref_slice %arg6[%dma_start3A_126, %dma_start3A_127] : memref<1024x16xf32, #tpu.memory_space<vmem>> -> memref<128x16xf32, #tpu.memory_space<vmem>>
      %dma_start3A_129 = arith.constant 0 : i32
      %dma_start3A_130 = tpu.memref_slice %arg5[%dma_start3A_125, %dma_start3A_129] : memref<8x128xi32, #tpu.memory_space<vmem>> -> memref<1x128xi32, #tpu.memory_space<vmem>>
      %dma_start3A_131 = tpu.memref_squeeze %dma_start3A_130 : memref<1x128xi32, #tpu.memory_space<vmem>> -> memref<128xi32, #tpu.memory_space<vmem>>
      %dma_start3A_132 = arith.constant 0 : i32
      %dma_start3A_133 = arith.constant 0 : i32
      %dma_start3A_134 = tpu.memref_slice %arg2[%dma_start3A_132, %dma_start3A_133] : memref<1000000x16xf32, #tpu.memory_space<hbm>> -> memref<1000000x16xf32, #tpu.memory_space<hbm>>
      tpu.enqueue_indirect_dma source(%dma_start3A_134 : memref<1000000x16xf32, #tpu.memory_space<hbm>>) target(%dma_start3A_128 : memref<128x16xf32, #tpu.memory_space<vmem>>) offsets(%dma_start3A_131 : memref<128xi32, #tpu.memory_space<vmem>>) semaphore(%arg8 : memref<!tpu.dma_semaphore, #tpu.memory_space<semaphore_mem>>)
      %dma_start3A_135 = arith.constant 6 : i32
      %dma_start3A_136 = arith.constant 768 : i32
      %dma_start3A_137 = arith.constant 0 : i32
      %dma_start3A_138 = tpu.memref_slice %arg6[%dma_start3A_136, %dma_start3A_137] : memref<1024x16xf32, #tpu.memory_space<vmem>> -> memref<128x16xf32, #tpu.memory_space<vmem>>
      %dma_start3A_139 = arith.constant 0 : i32
      %dma_start3A_140 = tpu.memref_slice %arg5[%dma_start3A_135, %dma_start3A_139] : memref<8x128xi32, #tpu.memory_space<vmem>> -> memref<1x128xi32, #tpu.memory_space<vmem>>
      %dma_start3A_141 = tpu.memref_squeeze %dma_start3A_140 : memref<1x128xi32, #tpu.memory_space<vmem>> -> memref<128xi32, #tpu.memory_space<vmem>>
      %dma_start3A_142 = arith.constant 0 : i32
      %dma_start3A_143 = arith.constant 0 : i32
      %dma_start3A_144 = tpu.memref_slice %arg2[%dma_start3A_142, %dma_start3A_143] : memref<1000000x16xf32, #tpu.memory_space<hbm>> -> memref<1000000x16xf32, #tpu.memory_space<hbm>>
      tpu.enqueue_indirect_dma source(%dma_start3A_144 : memref<1000000x16xf32, #tpu.memory_space<hbm>>) target(%dma_start3A_138 : memref<128x16xf32, #tpu.memory_space<vmem>>) offsets(%dma_start3A_141 : memref<128xi32, #tpu.memory_space<vmem>>) semaphore(%arg8 : memref<!tpu.dma_semaphore, #tpu.memory_space<semaphore_mem>>)
      %dma_start3A_145 = arith.constant 7 : i32
      %dma_start3A_146 = arith.constant 896 : i32
      %dma_start3A_147 = arith.constant 0 : i32
      %dma_start3A_148 = tpu.memref_slice %arg6[%dma_start3A_146, %dma_start3A_147] : memref<1024x16xf32, #tpu.memory_space<vmem>> -> memref<128x16xf32, #tpu.memory_space<vmem>>
      %dma_start3A_149 = arith.constant 0 : i32
      %dma_start3A_150 = tpu.memref_slice %arg5[%dma_start3A_145, %dma_start3A_149] : memref<8x128xi32, #tpu.memory_space<vmem>> -> memref<1x128xi32, #tpu.memory_space<vmem>>
      %dma_start3A_151 = tpu.memref_squeeze %dma_start3A_150 : memref<1x128xi32, #tpu.memory_space<vmem>> -> memref<128xi32, #tpu.memory_space<vmem>>
      %dma_start3A_152 = arith.constant 0 : i32
      %dma_start3A_153 = arith.constant 0 : i32
      %dma_start3A_154 = tpu.memref_slice %arg2[%dma_start3A_152, %dma_start3A_153] : memref<1000000x16xf32, #tpu.memory_space<hbm>> -> memref<1000000x16xf32, #tpu.memory_space<hbm>>
      tpu.enqueue_indirect_dma source(%dma_start3A_154 : memref<1000000x16xf32, #tpu.memory_space<hbm>>) target(%dma_start3A_148 : memref<128x16xf32, #tpu.memory_space<vmem>>) offsets(%dma_start3A_151 : memref<128xi32, #tpu.memory_space<vmem>>) semaphore(%arg8 : memref<!tpu.dma_semaphore, #tpu.memory_space<semaphore_mem>>)
      %dma_wait3A = arith.constant 0 : i32
      %dma_wait3A_155 = arith.constant 0 : i32
      %dma_wait3A_156 = arith.constant 0 : i32
      %dma_wait3A_157 = tpu.memref_slice %arg6[%dma_wait3A_155, %dma_wait3A_156] : memref<1024x16xf32, #tpu.memory_space<vmem>> -> memref<128x16xf32, #tpu.memory_space<vmem>>
      %dma_wait3A_158 = arith.constant 0 : i32
      %dma_wait3A_159 = tpu.memref_slice %arg5[%dma_wait3A, %dma_wait3A_158] : memref<8x128xi32, #tpu.memory_space<vmem>> -> memref<1x128xi32, #tpu.memory_space<vmem>>
      %dma_wait3A_160 = tpu.memref_squeeze %dma_wait3A_159 : memref<1x128xi32, #tpu.memory_space<vmem>> -> memref<128xi32, #tpu.memory_space<vmem>>
      %dma_wait3A_161 = arith.constant 0 : i32
      %dma_wait3A_162 = arith.constant 0 : i32
      %dma_wait3A_163 = tpu.memref_slice %arg2[%dma_wait3A_161, %dma_wait3A_162] : memref<1000000x16xf32, #tpu.memory_space<hbm>> -> memref<1000000x16xf32, #tpu.memory_space<hbm>>
      tpu.wait_indirect_dma semaphore(%arg8 : memref<!tpu.dma_semaphore, #tpu.memory_space<semaphore_mem>>) src(%dma_wait3A_163 : memref<1000000x16xf32, #tpu.memory_space<hbm>>) dst(%dma_wait3A_157 : memref<128x16xf32, #tpu.memory_space<vmem>>)
      %dma_wait3A_164 = arith.constant 1 : i32
      %dma_wait3A_165 = arith.constant 128 : i32
      %dma_wait3A_166 = arith.constant 0 : i32
      %dma_wait3A_167 = tpu.memref_slice %arg6[%dma_wait3A_165, %dma_wait3A_166] : memref<1024x16xf32, #tpu.memory_space<vmem>> -> memref<128x16xf32, #tpu.memory_space<vmem>>
      %dma_wait3A_168 = arith.constant 0 : i32
      %dma_wait3A_169 = tpu.memref_slice %arg5[%dma_wait3A_164, %dma_wait3A_168] : memref<8x128xi32, #tpu.memory_space<vmem>> -> memref<1x128xi32, #tpu.memory_space<vmem>>
      %dma_wait3A_170 = tpu.memref_squeeze %dma_wait3A_169 : memref<1x128xi32, #tpu.memory_space<vmem>> -> memref<128xi32, #tpu.memory_space<vmem>>
      %dma_wait3A_171 = arith.constant 0 : i32
      %dma_wait3A_172 = arith.constant 0 : i32
      %dma_wait3A_173 = tpu.memref_slice %arg2[%dma_wait3A_171, %dma_wait3A_172] : memref<1000000x16xf32, #tpu.memory_space<hbm>> -> memref<1000000x16xf32, #tpu.memory_space<hbm>>
      tpu.wait_indirect_dma semaphore(%arg8 : memref<!tpu.dma_semaphore, #tpu.memory_space<semaphore_mem>>) src(%dma_wait3A_173 : memref<1000000x16xf32, #tpu.memory_space<hbm>>) dst(%dma_wait3A_167 : memref<128x16xf32, #tpu.memory_space<vmem>>)
      %dma_wait3A_174 = arith.constant 2 : i32
      %dma_wait3A_175 = arith.constant 256 : i32
      %dma_wait3A_176 = arith.constant 0 : i32
      %dma_wait3A_177 = tpu.memref_slice %arg6[%dma_wait3A_175, %dma_wait3A_176] : memref<1024x16xf32, #tpu.memory_space<vmem>> -> memref<128x16xf32, #tpu.memory_space<vmem>>
      %dma_wait3A_178 = arith.constant 0 : i32
      %dma_wait3A_179 = tpu.memref_slice %arg5[%dma_wait3A_174, %dma_wait3A_178] : memref<8x128xi32, #tpu.memory_space<vmem>> -> memref<1x128xi32, #tpu.memory_space<vmem>>
      %dma_wait3A_180 = tpu.memref_squeeze %dma_wait3A_179 : memref<1x128xi32, #tpu.memory_space<vmem>> -> memref<128xi32, #tpu.memory_space<vmem>>
      %dma_wait3A_181 = arith.constant 0 : i32
      %dma_wait3A_182 = arith.constant 0 : i32
      %dma_wait3A_183 = tpu.memref_slice %arg2[%dma_wait3A_181, %dma_wait3A_182] : memref<1000000x16xf32, #tpu.memory_space<hbm>> -> memref<1000000x16xf32, #tpu.memory_space<hbm>>
      tpu.wait_indirect_dma semaphore(%arg8 : memref<!tpu.dma_semaphore, #tpu.memory_space<semaphore_mem>>) src(%dma_wait3A_183 : memref<1000000x16xf32, #tpu.memory_space<hbm>>) dst(%dma_wait3A_177 : memref<128x16xf32, #tpu.memory_space<vmem>>)
      %dma_wait3A_184 = arith.constant 3 : i32
      %dma_wait3A_185 = arith.constant 384 : i32
      %dma_wait3A_186 = arith.constant 0 : i32
      %dma_wait3A_187 = tpu.memref_slice %arg6[%dma_wait3A_185, %dma_wait3A_186] : memref<1024x16xf32, #tpu.memory_space<vmem>> -> memref<128x16xf32, #tpu.memory_space<vmem>>
      %dma_wait3A_188 = arith.constant 0 : i32
      %dma_wait3A_189 = tpu.memref_slice %arg5[%dma_wait3A_184, %dma_wait3A_188] : memref<8x128xi32, #tpu.memory_space<vmem>> -> memref<1x128xi32, #tpu.memory_space<vmem>>
      %dma_wait3A_190 = tpu.memref_squeeze %dma_wait3A_189 : memref<1x128xi32, #tpu.memory_space<vmem>> -> memref<128xi32, #tpu.memory_space<vmem>>
      %dma_wait3A_191 = arith.constant 0 : i32
      %dma_wait3A_192 = arith.constant 0 : i32
      %dma_wait3A_193 = tpu.memref_slice %arg2[%dma_wait3A_191, %dma_wait3A_192] : memref<1000000x16xf32, #tpu.memory_space<hbm>> -> memref<1000000x16xf32, #tpu.memory_space<hbm>>
      tpu.wait_indirect_dma semaphore(%arg8 : memref<!tpu.dma_semaphore, #tpu.memory_space<semaphore_mem>>) src(%dma_wait3A_193 : memref<1000000x16xf32, #tpu.memory_space<hbm>>) dst(%dma_wait3A_187 : memref<128x16xf32, #tpu.memory_space<vmem>>)
      %dma_wait3A_194 = arith.constant 4 : i32
      %dma_wait3A_195 = arith.constant 512 : i32
      %dma_wait3A_196 = arith.constant 0 : i32
      %dma_wait3A_197 = tpu.memref_slice %arg6[%dma_wait3A_195, %dma_wait3A_196] : memref<1024x16xf32, #tpu.memory_space<vmem>> -> memref<128x16xf32, #tpu.memory_space<vmem>>
      %dma_wait3A_198 = arith.constant 0 : i32
      %dma_wait3A_199 = tpu.memref_slice %arg5[%dma_wait3A_194, %dma_wait3A_198] : memref<8x128xi32, #tpu.memory_space<vmem>> -> memref<1x128xi32, #tpu.memory_space<vmem>>
      %dma_wait3A_200 = tpu.memref_squeeze %dma_wait3A_199 : memref<1x128xi32, #tpu.memory_space<vmem>> -> memref<128xi32, #tpu.memory_space<vmem>>
      %dma_wait3A_201 = arith.constant 0 : i32
      %dma_wait3A_202 = arith.constant 0 : i32
      %dma_wait3A_203 = tpu.memref_slice %arg2[%dma_wait3A_201, %dma_wait3A_202] : memref<1000000x16xf32, #tpu.memory_space<hbm>> -> memref<1000000x16xf32, #tpu.memory_space<hbm>>
      tpu.wait_indirect_dma semaphore(%arg8 : memref<!tpu.dma_semaphore, #tpu.memory_space<semaphore_mem>>) src(%dma_wait3A_203 : memref<1000000x16xf32, #tpu.memory_space<hbm>>) dst(%dma_wait3A_197 : memref<128x16xf32, #tpu.memory_space<vmem>>)
      %dma_wait3A_204 = arith.constant 5 : i32
      %dma_wait3A_205 = arith.constant 640 : i32
      %dma_wait3A_206 = arith.constant 0 : i32
      %dma_wait3A_207 = tpu.memref_slice %arg6[%dma_wait3A_205, %dma_wait3A_206] : memref<1024x16xf32, #tpu.memory_space<vmem>> -> memref<128x16xf32, #tpu.memory_space<vmem>>
      %dma_wait3A_208 = arith.constant 0 : i32
      %dma_wait3A_209 = tpu.memref_slice %arg5[%dma_wait3A_204, %dma_wait3A_208] : memref<8x128xi32, #tpu.memory_space<vmem>> -> memref<1x128xi32, #tpu.memory_space<vmem>>
      %dma_wait3A_210 = tpu.memref_squeeze %dma_wait3A_209 : memref<1x128xi32, #tpu.memory_space<vmem>> -> memref<128xi32, #tpu.memory_space<vmem>>
      %dma_wait3A_211 = arith.constant 0 : i32
      %dma_wait3A_212 = arith.constant 0 : i32
      %dma_wait3A_213 = tpu.memref_slice %arg2[%dma_wait3A_211, %dma_wait3A_212] : memref<1000000x16xf32, #tpu.memory_space<hbm>> -> memref<1000000x16xf32, #tpu.memory_space<hbm>>
      tpu.wait_indirect_dma semaphore(%arg8 : memref<!tpu.dma_semaphore, #tpu.memory_space<semaphore_mem>>) src(%dma_wait3A_213 : memref<1000000x16xf32, #tpu.memory_space<hbm>>) dst(%dma_wait3A_207 : memref<128x16xf32, #tpu.memory_space<vmem>>)
      %dma_wait3A_214 = arith.constant 6 : i32
      %dma_wait3A_215 = arith.constant 768 : i32
      %dma_wait3A_216 = arith.constant 0 : i32
      %dma_wait3A_217 = tpu.memref_slice %arg6[%dma_wait3A_215, %dma_wait3A_216] : memref<1024x16xf32, #tpu.memory_space<vmem>> -> memref<128x16xf32, #tpu.memory_space<vmem>>
      %dma_wait3A_218 = arith.constant 0 : i32
      %dma_wait3A_219 = tpu.memref_slice %arg5[%dma_wait3A_214, %dma_wait3A_218] : memref<8x128xi32, #tpu.memory_space<vmem>> -> memref<1x128xi32, #tpu.memory_space<vmem>>
      %dma_wait3A_220 = tpu.memref_squeeze %dma_wait3A_219 : memref<1x128xi32, #tpu.memory_space<vmem>> -> memref<128xi32, #tpu.memory_space<vmem>>
      %dma_wait3A_221 = arith.constant 0 : i32
      %dma_wait3A_222 = arith.constant 0 : i32
      %dma_wait3A_223 = tpu.memref_slice %arg2[%dma_wait3A_221, %dma_wait3A_222] : memref<1000000x16xf32, #tpu.memory_space<hbm>> -> memref<1000000x16xf32, #tpu.memory_space<hbm>>
      tpu.wait_indirect_dma semaphore(%arg8 : memref<!tpu.dma_semaphore, #tpu.memory_space<semaphore_mem>>) src(%dma_wait3A_223 : memref<1000000x16xf32, #tpu.memory_space<hbm>>) dst(%dma_wait3A_217 : memref<128x16xf32, #tpu.memory_space<vmem>>)
      %dma_wait3A_224 = arith.constant 7 : i32
      %dma_wait3A_225 = arith.constant 896 : i32
      %dma_wait3A_226 = arith.constant 0 : i32
      %dma_wait3A_227 = tpu.memref_slice %arg6[%dma_wait3A_225, %dma_wait3A_226] : memref<1024x16xf32, #tpu.memory_space<vmem>> -> memref<128x16xf32, #tpu.memory_space<vmem>>
      %dma_wait3A_228 = arith.constant 0 : i32
      %dma_wait3A_229 = tpu.memref_slice %arg5[%dma_wait3A_224, %dma_wait3A_228] : memref<8x128xi32, #tpu.memory_space<vmem>> -> memref<1x128xi32, #tpu.memory_space<vmem>>
      %dma_wait3A_230 = tpu.memref_squeeze %dma_wait3A_229 : memref<1x128xi32, #tpu.memory_space<vmem>> -> memref<128xi32, #tpu.memory_space<vmem>>
      %dma_wait3A_231 = arith.constant 0 : i32
      %dma_wait3A_232 = arith.constant 0 : i32
      %dma_wait3A_233 = tpu.memref_slice %arg2[%dma_wait3A_231, %dma_wait3A_232] : memref<1000000x16xf32, #tpu.memory_space<hbm>> -> memref<1000000x16xf32, #tpu.memory_space<hbm>>
      tpu.wait_indirect_dma semaphore(%arg8 : memref<!tpu.dma_semaphore, #tpu.memory_space<semaphore_mem>>) src(%dma_wait3A_233 : memref<1000000x16xf32, #tpu.memory_space<hbm>>) dst(%dma_wait3A_227 : memref<128x16xf32, #tpu.memory_space<vmem>>)
      %scan3A_234 = arith.constant 0 : i32
      %scan3A_235 = arith.constant 8 : i32
      %scan3A_236 = arith.addi %scan3A_234, %scan3A_235 : i32
      %scan3A_237 = arith.constant 1 : i32
      scf.for %scan3A_258 = %scan3A_234 to %scan3A_236 step %scan3A_237  : i32 {
        %mul3A_259 = arith.constant 1 : i32
        %mul3A_260 = arith.muli %scan3A_258, %mul3A_259 : i32
        %add3A_261 = arith.constant 0 : i32
        %add3A_262 = arith.addi %add3A_261, %mul3A_260 : i32
        %mul3A_263 = arith.constant 128 : i32
        %mul3A_264 = arith.muli %add3A_262, %mul3A_263 : i32
        %add3A_265 = arith.constant 0 : i32
        %add3A_266 = arith.addi %mul3A_264, %add3A_265 : i32
        %add3A_267 = vector.broadcast %add3A_266 : i32 to vector<16xi32>
        %add3A_268 = arith.addi %add3A_267, %iota3A : vector<16xi32>
        %gather3A = tpu.vector_load_idx %arg6[%add3A_268, %broadcast_in_dim3A_3] : memref<1024x16xf32, #tpu.memory_space<vmem>>[vector<16xi32>, vector<16xi32>], vector<16xf32>,
        %mul3A_269 = arith.constant 8 : i32
        %mul3A_270 = arith.muli %add3A_262, %mul3A_269 : i32
        %add3A_271 = arith.constant 0 : i32
        %add3A_272 = arith.addi %mul3A_270, %add3A_271 : i32
        %mul3A_273 = arith.constant 128 : i32
        %mul3A_274 = arith.muli %add3A_272, %mul3A_273 : i32
        %add3A_275 = arith.constant 0 : i32
        %add3A_276 = arith.addi %mul3A_274, %add3A_275 : i32
        %add3A_277 = vector.broadcast %add3A_276 : i32 to vector<16xi32>
        %add3A_278 = arith.addi %add3A_277, %iota3A : vector<16xi32>
        %scatter3A = arith.constant 0 : i32
        %scatter3A_279 = arith.constant 0 : i32
        %scatter3A_280 = tpu.memref_slice %arg7[%scatter3A, %scatter3A_279] : memref<2x8192xf32, #tpu.memory_space<vmem>> -> memref<1x8192xf32, #tpu.memory_space<vmem>>
        %scatter3A_281 = tpu.memref_squeeze %scatter3A_280 : memref<1x8192xf32, #tpu.memory_space<vmem>> -> memref<8192xf32, #tpu.memory_space<vmem>>
        tpu.vector_store_idx %scatter3A_281[%add3A_278], %gather3A : memref<8192xf32, #tpu.memory_space<vmem>>[vector<16xi32>], vector<16xf32>,
        %gather3A_282 = tpu.vector_load_idx %arg6[%add3A_268, %broadcast_in_dim3A_5] : memref<1024x16xf32, #tpu.memory_space<vmem>>[vector<16xi32>, vector<16xi32>], vector<16xf32>,
        %mul3A_283 = arith.constant 8 : i32
        %mul3A_284 = arith.muli %add3A_262, %mul3A_283 : i32
        %add3A_285 = arith.constant 1 : i32
        %add3A_286 = arith.addi %mul3A_284, %add3A_285 : i32
        %mul3A_287 = arith.constant 128 : i32
        %mul3A_288 = arith.muli %add3A_286, %mul3A_287 : i32
        %add3A_289 = arith.constant 0 : i32
        %add3A_290 = arith.addi %mul3A_288, %add3A_289 : i32
        %add3A_291 = vector.broadcast %add3A_290 : i32 to vector<16xi32>
        %add3A_292 = arith.addi %add3A_291, %iota3A : vector<16xi32>
        %scatter3A_293 = arith.constant 0 : i32
        %scatter3A_294 = arith.constant 0 : i32
        %scatter3A_295 = tpu.memref_slice %arg7[%scatter3A_293, %scatter3A_294] : memref<2x8192xf32, #tpu.memory_space<vmem>> -> memref<1x8192xf32, #tpu.memory_space<vmem>>
        %scatter3A_296 = tpu.memref_squeeze %scatter3A_295 : memref<1x8192xf32, #tpu.memory_space<vmem>> -> memref<8192xf32, #tpu.memory_space<vmem>>
        tpu.vector_store_idx %scatter3A_296[%add3A_292], %gather3A_282 : memref<8192xf32, #tpu.memory_space<vmem>>[vector<16xi32>], vector<16xf32>,
        %gather3A_297 = tpu.vector_load_idx %arg6[%add3A_268, %broadcast_in_dim3A_7] : memref<1024x16xf32, #tpu.memory_space<vmem>>[vector<16xi32>, vector<16xi32>], vector<16xf32>,
        %mul3A_298 = arith.constant 8 : i32
        %mul3A_299 = arith.muli %add3A_262, %mul3A_298 : i32
        %add3A_300 = arith.constant 2 : i32
        %add3A_301 = arith.addi %mul3A_299, %add3A_300 : i32
        %mul3A_302 = arith.constant 128 : i32
        %mul3A_303 = arith.muli %add3A_301, %mul3A_302 : i32
        %add3A_304 = arith.constant 0 : i32
        %add3A_305 = arith.addi %mul3A_303, %add3A_304 : i32
        %add3A_306 = vector.broadcast %add3A_305 : i32 to vector<16xi32>
        %add3A_307 = arith.addi %add3A_306, %iota3A : vector<16xi32>
        %scatter3A_308 = arith.constant 0 : i32
        %scatter3A_309 = arith.constant 0 : i32
        %scatter3A_310 = tpu.memref_slice %arg7[%scatter3A_308, %scatter3A_309] : memref<2x8192xf32, #tpu.memory_space<vmem>> -> memref<1x8192xf32, #tpu.memory_space<vmem>>
        %scatter3A_311 = tpu.memref_squeeze %scatter3A_310 : memref<1x8192xf32, #tpu.memory_space<vmem>> -> memref<8192xf32, #tpu.memory_space<vmem>>
        tpu.vector_store_idx %scatter3A_311[%add3A_307], %gather3A_297 : memref<8192xf32, #tpu.memory_space<vmem>>[vector<16xi32>], vector<16xf32>,
        %gather3A_312 = tpu.vector_load_idx %arg6[%add3A_268, %broadcast_in_dim3A_9] : memref<1024x16xf32, #tpu.memory_space<vmem>>[vector<16xi32>, vector<16xi32>], vector<16xf32>,
        %mul3A_313 = arith.constant 8 : i32
        %mul3A_314 = arith.muli %add3A_262, %mul3A_313 : i32
        %add3A_315 = arith.constant 3 : i32
        %add3A_316 = arith.addi %mul3A_314, %add3A_315 : i32
        %mul3A_317 = arith.constant 128 : i32
        %mul3A_318 = arith.muli %add3A_316, %mul3A_317 : i32
        %add3A_319 = arith.constant 0 : i32
        %add3A_320 = arith.addi %mul3A_318, %add3A_319 : i32
        %add3A_321 = vector.broadcast %add3A_320 : i32 to vector<16xi32>
        %add3A_322 = arith.addi %add3A_321, %iota3A : vector<16xi32>
        %scatter3A_323 = arith.constant 0 : i32
        %scatter3A_324 = arith.constant 0 : i32
        %scatter3A_325 = tpu.memref_slice %arg7[%scatter3A_323, %scatter3A_324] : memref<2x8192xf32, #tpu.memory_space<vmem>> -> memref<1x8192xf32, #tpu.memory_space<vmem>>
        %scatter3A_326 = tpu.memref_squeeze %scatter3A_325 : memref<1x8192xf32, #tpu.memory_space<vmem>> -> memref<8192xf32, #tpu.memory_space<vmem>>
        tpu.vector_store_idx %scatter3A_326[%add3A_322], %gather3A_312 : memref<8192xf32, #tpu.memory_space<vmem>>[vector<16xi32>], vector<16xf32>,
        %gather3A_327 = tpu.vector_load_idx %arg6[%add3A_268, %broadcast_in_dim3A_11] : memref<1024x16xf32, #tpu.memory_space<vmem>>[vector<16xi32>, vector<16xi32>], vector<16xf32>,
        %mul3A_328 = arith.constant 8 : i32
        %mul3A_329 = arith.muli %add3A_262, %mul3A_328 : i32
        %add3A_330 = arith.constant 4 : i32
        %add3A_331 = arith.addi %mul3A_329, %add3A_330 : i32
        %mul3A_332 = arith.constant 128 : i32
        %mul3A_333 = arith.muli %add3A_331, %mul3A_332 : i32
        %add3A_334 = arith.constant 0 : i32
        %add3A_335 = arith.addi %mul3A_333, %add3A_334 : i32
        %add3A_336 = vector.broadcast %add3A_335 : i32 to vector<16xi32>
        %add3A_337 = arith.addi %add3A_336, %iota3A : vector<16xi32>
        %scatter3A_338 = arith.constant 0 : i32
        %scatter3A_339 = arith.constant 0 : i32
        %scatter3A_340 = tpu.memref_slice %arg7[%scatter3A_338, %scatter3A_339] : memref<2x8192xf32, #tpu.memory_space<vmem>> -> memref<1x8192xf32, #tpu.memory_space<vmem>>
        %scatter3A_341 = tpu.memref_squeeze %scatter3A_340 : memref<1x8192xf32, #tpu.memory_space<vmem>> -> memref<8192xf32, #tpu.memory_space<vmem>>
        tpu.vector_store_idx %scatter3A_341[%add3A_337], %gather3A_327 : memref<8192xf32, #tpu.memory_space<vmem>>[vector<16xi32>], vector<16xf32>,
        %gather3A_342 = tpu.vector_load_idx %arg6[%add3A_268, %broadcast_in_dim3A_13] : memref<1024x16xf32, #tpu.memory_space<vmem>>[vector<16xi32>, vector<16xi32>], vector<16xf32>,
        %mul3A_343 = arith.constant 8 : i32
        %mul3A_344 = arith.muli %add3A_262, %mul3A_343 : i32
        %add3A_345 = arith.constant 5 : i32
        %add3A_346 = arith.addi %mul3A_344, %add3A_345 : i32
        %mul3A_347 = arith.constant 128 : i32
        %mul3A_348 = arith.muli %add3A_346, %mul3A_347 : i32
        %add3A_349 = arith.constant 0 : i32
        %add3A_350 = arith.addi %mul3A_348, %add3A_349 : i32
        %add3A_351 = vector.broadcast %add3A_350 : i32 to vector<16xi32>
        %add3A_352 = arith.addi %add3A_351, %iota3A : vector<16xi32>
        %scatter3A_353 = arith.constant 0 : i32
        %scatter3A_354 = arith.constant 0 : i32
        %scatter3A_355 = tpu.memref_slice %arg7[%scatter3A_353, %scatter3A_354] : memref<2x8192xf32, #tpu.memory_space<vmem>> -> memref<1x8192xf32, #tpu.memory_space<vmem>>
        %scatter3A_356 = tpu.memref_squeeze %scatter3A_355 : memref<1x8192xf32, #tpu.memory_space<vmem>> -> memref<8192xf32, #tpu.memory_space<vmem>>
        tpu.vector_store_idx %scatter3A_356[%add3A_352], %gather3A_342 : memref<8192xf32, #tpu.memory_space<vmem>>[vector<16xi32>], vector<16xf32>,
        %gather3A_357 = tpu.vector_load_idx %arg6[%add3A_268, %broadcast_in_dim3A_15] : memref<1024x16xf32, #tpu.memory_space<vmem>>[vector<16xi32>, vector<16xi32>], vector<16xf32>,
        %mul3A_358 = arith.constant 8 : i32
        %mul3A_359 = arith.muli %add3A_262, %mul3A_358 : i32
        %add3A_360 = arith.constant 6 : i32
        %add3A_361 = arith.addi %mul3A_359, %add3A_360 : i32
        %mul3A_362 = arith.constant 128 : i32
        %mul3A_363 = arith.muli %add3A_361, %mul3A_362 : i32
        %add3A_364 = arith.constant 0 : i32
        %add3A_365 = arith.addi %mul3A_363, %add3A_364 : i32
        %add3A_366 = vector.broadcast %add3A_365 : i32 to vector<16xi32>
        %add3A_367 = arith.addi %add3A_366, %iota3A : vector<16xi32>
        %scatter3A_368 = arith.constant 0 : i32
        %scatter3A_369 = arith.constant 0 : i32
        %scatter3A_370 = tpu.memref_slice %arg7[%scatter3A_368, %scatter3A_369] : memref<2x8192xf32, #tpu.memory_space<vmem>> -> memref<1x8192xf32, #tpu.memory_space<vmem>>
        %scatter3A_371 = tpu.memref_squeeze %scatter3A_370 : memref<1x8192xf32, #tpu.memory_space<vmem>> -> memref<8192xf32, #tpu.memory_space<vmem>>
        tpu.vector_store_idx %scatter3A_371[%add3A_367], %gather3A_357 : memref<8192xf32, #tpu.memory_space<vmem>>[vector<16xi32>], vector<16xf32>,
        %gather3A_372 = tpu.vector_load_idx %arg6[%add3A_268, %broadcast_in_dim3A_17] : memref<1024x16xf32, #tpu.memory_space<vmem>>[vector<16xi32>, vector<16xi32>], vector<16xf32>,
        %mul3A_373 = arith.constant 8 : i32
        %mul3A_374 = arith.muli %add3A_262, %mul3A_373 : i32
        %add3A_375 = arith.constant 7 : i32
        %add3A_376 = arith.addi %mul3A_374, %add3A_375 : i32
        %mul3A_377 = arith.constant 128 : i32
        %mul3A_378 = arith.muli %add3A_376, %mul3A_377 : i32
        %add3A_379 = arith.constant 0 : i32
        %add3A_380 = arith.addi %mul3A_378, %add3A_379 : i32
        %add3A_381 = vector.broadcast %add3A_380 : i32 to vector<16xi32>
        %add3A_382 = arith.addi %add3A_381, %iota3A : vector<16xi32>
        %scatter3A_383 = arith.constant 0 : i32
        %scatter3A_384 = arith.constant 0 : i32
        %scatter3A_385 = tpu.memref_slice %arg7[%scatter3A_383, %scatter3A_384] : memref<2x8192xf32, #tpu.memory_space<vmem>> -> memref<1x8192xf32, #tpu.memory_space<vmem>>
        %scatter3A_386 = tpu.memref_squeeze %scatter3A_385 : memref<1x8192xf32, #tpu.memory_space<vmem>> -> memref<8192xf32, #tpu.memory_space<vmem>>
        tpu.vector_store_idx %scatter3A_386[%add3A_382], %gather3A_372 : memref<8192xf32, #tpu.memory_space<vmem>>[vector<16xi32>], vector<16xf32>,
        %gather3A_387 = tpu.vector_load_idx %arg6[%add3A_268, %broadcast_in_dim3A_19] : memref<1024x16xf32, #tpu.memory_space<vmem>>[vector<16xi32>, vector<16xi32>], vector<16xf32>,
        %mul3A_388 = arith.constant 8 : i32
        %mul3A_389 = arith.muli %add3A_262, %mul3A_388 : i32
        %add3A_390 = arith.constant 0 : i32
        %add3A_391 = arith.addi %mul3A_389, %add3A_390 : i32
        %mul3A_392 = arith.constant 128 : i32
        %mul3A_393 = arith.muli %add3A_391, %mul3A_392 : i32
        %add3A_394 = arith.constant 0 : i32
        %add3A_395 = arith.addi %mul3A_393, %add3A_394 : i32
        %add3A_396 = vector.broadcast %add3A_395 : i32 to vector<16xi32>
        %add3A_397 = arith.addi %add3A_396, %iota3A : vector<16xi32>
        %scatter3A_398 = arith.constant 1 : i32
        %scatter3A_399 = arith.constant 0 : i32
        %scatter3A_400 = tpu.memref_slice %arg7[%scatter3A_398, %scatter3A_399] : memref<2x8192xf32, #tpu.memory_space<vmem>> -> memref<1x8192xf32, #tpu.memory_space<vmem>>
        %scatter3A_401 = tpu.memref_squeeze %scatter3A_400 : memref<1x8192xf32, #tpu.memory_space<vmem>> -> memref<8192xf32, #tpu.memory_space<vmem>>
        tpu.vector_store_idx %scatter3A_401[%add3A_397], %gather3A_387 : memref<8192xf32, #tpu.memory_space<vmem>>[vector<16xi32>], vector<16xf32>,
        %gather3A_402 = tpu.vector_load_idx %arg6[%add3A_268, %broadcast_in_dim3A_21] : memref<1024x16xf32, #tpu.memory_space<vmem>>[vector<16xi32>, vector<16xi32>], vector<16xf32>,
        %mul3A_403 = arith.constant 8 : i32
        %mul3A_404 = arith.muli %add3A_262, %mul3A_403 : i32
        %add3A_405 = arith.constant 1 : i32
        %add3A_406 = arith.addi %mul3A_404, %add3A_405 : i32
        %mul3A_407 = arith.constant 128 : i32
        %mul3A_408 = arith.muli %add3A_406, %mul3A_407 : i32
        %add3A_409 = arith.constant 0 : i32
        %add3A_410 = arith.addi %mul3A_408, %add3A_409 : i32
        %add3A_411 = vector.broadcast %add3A_410 : i32 to vector<16xi32>
        %add3A_412 = arith.addi %add3A_411, %iota3A : vector<16xi32>
        %scatter3A_413 = arith.constant 1 : i32
        %scatter3A_414 = arith.constant 0 : i32
        %scatter3A_415 = tpu.memref_slice %arg7[%scatter3A_413, %scatter3A_414] : memref<2x8192xf32, #tpu.memory_space<vmem>> -> memref<1x8192xf32, #tpu.memory_space<vmem>>
        %scatter3A_416 = tpu.memref_squeeze %scatter3A_415 : memref<1x8192xf32, #tpu.memory_space<vmem>> -> memref<8192xf32, #tpu.memory_space<vmem>>
        tpu.vector_store_idx %scatter3A_416[%add3A_412], %gather3A_402 : memref<8192xf32, #tpu.memory_space<vmem>>[vector<16xi32>], vector<16xf32>,
        %gather3A_417 = tpu.vector_load_idx %arg6[%add3A_268, %broadcast_in_dim3A_23] : memref<1024x16xf32, #tpu.memory_space<vmem>>[vector<16xi32>, vector<16xi32>], vector<16xf32>,
        %mul3A_418 = arith.constant 8 : i32
        %mul3A_419 = arith.muli %add3A_262, %mul3A_418 : i32
        %add3A_420 = arith.constant 2 : i32
        %add3A_421 = arith.addi %mul3A_419, %add3A_420 : i32
        %mul3A_422 = arith.constant 128 : i32
        %mul3A_423 = arith.muli %add3A_421, %mul3A_422 : i32
        %add3A_424 = arith.constant 0 : i32
        %add3A_425 = arith.addi %mul3A_423, %add3A_424 : i32
        %add3A_426 = vector.broadcast %add3A_425 : i32 to vector<16xi32>
        %add3A_427 = arith.addi %add3A_426, %iota3A : vector<16xi32>
        %scatter3A_428 = arith.constant 1 : i32
        %scatter3A_429 = arith.constant 0 : i32
        %scatter3A_430 = tpu.memref_slice %arg7[%scatter3A_428, %scatter3A_429] : memref<2x8192xf32, #tpu.memory_space<vmem>> -> memref<1x8192xf32, #tpu.memory_space<vmem>>
        %scatter3A_431 = tpu.memref_squeeze %scatter3A_430 : memref<1x8192xf32, #tpu.memory_space<vmem>> -> memref<8192xf32, #tpu.memory_space<vmem>>
        tpu.vector_store_idx %scatter3A_431[%add3A_427], %gather3A_417 : memref<8192xf32, #tpu.memory_space<vmem>>[vector<16xi32>], vector<16xf32>,
        %gather3A_432 = tpu.vector_load_idx %arg6[%add3A_268, %broadcast_in_dim3A_25] : memref<1024x16xf32, #tpu.memory_space<vmem>>[vector<16xi32>, vector<16xi32>], vector<16xf32>,
        %mul3A_433 = arith.constant 8 : i32
        %mul3A_434 = arith.muli %add3A_262, %mul3A_433 : i32
        %add3A_435 = arith.constant 3 : i32
        %add3A_436 = arith.addi %mul3A_434, %add3A_435 : i32
        %mul3A_437 = arith.constant 128 : i32
        %mul3A_438 = arith.muli %add3A_436, %mul3A_437 : i32
        %add3A_439 = arith.constant 0 : i32
        %add3A_440 = arith.addi %mul3A_438, %add3A_439 : i32
        %add3A_441 = vector.broadcast %add3A_440 : i32 to vector<16xi32>
        %add3A_442 = arith.addi %add3A_441, %iota3A : vector<16xi32>
        %scatter3A_443 = arith.constant 1 : i32
        %scatter3A_444 = arith.constant 0 : i32
        %scatter3A_445 = tpu.memref_slice %arg7[%scatter3A_443, %scatter3A_444] : memref<2x8192xf32, #tpu.memory_space<vmem>> -> memref<1x8192xf32, #tpu.memory_space<vmem>>
        %scatter3A_446 = tpu.memref_squeeze %scatter3A_445 : memref<1x8192xf32, #tpu.memory_space<vmem>> -> memref<8192xf32, #tpu.memory_space<vmem>>
        tpu.vector_store_idx %scatter3A_446[%add3A_442], %gather3A_432 : memref<8192xf32, #tpu.memory_space<vmem>>[vector<16xi32>], vector<16xf32>,
        %gather3A_447 = tpu.vector_load_idx %arg6[%add3A_268, %broadcast_in_dim3A_27] : memref<1024x16xf32, #tpu.memory_space<vmem>>[vector<16xi32>, vector<16xi32>], vector<16xf32>,
        %mul3A_448 = arith.constant 8 : i32
        %mul3A_449 = arith.muli %add3A_262, %mul3A_448 : i32
        %add3A_450 = arith.constant 4 : i32
        %add3A_451 = arith.addi %mul3A_449, %add3A_450 : i32
        %mul3A_452 = arith.constant 128 : i32
        %mul3A_453 = arith.muli %add3A_451, %mul3A_452 : i32
        %add3A_454 = arith.constant 0 : i32
        %add3A_455 = arith.addi %mul3A_453, %add3A_454 : i32
        %add3A_456 = vector.broadcast %add3A_455 : i32 to vector<16xi32>
        %add3A_457 = arith.addi %add3A_456, %iota3A : vector<16xi32>
        %scatter3A_458 = arith.constant 1 : i32
        %scatter3A_459 = arith.constant 0 : i32
        %scatter3A_460 = tpu.memref_slice %arg7[%scatter3A_458, %scatter3A_459] : memref<2x8192xf32, #tpu.memory_space<vmem>> -> memref<1x8192xf32, #tpu.memory_space<vmem>>
        %scatter3A_461 = tpu.memref_squeeze %scatter3A_460 : memref<1x8192xf32, #tpu.memory_space<vmem>> -> memref<8192xf32, #tpu.memory_space<vmem>>
        tpu.vector_store_idx %scatter3A_461[%add3A_457], %gather3A_447 : memref<8192xf32, #tpu.memory_space<vmem>>[vector<16xi32>], vector<16xf32>,
        %gather3A_462 = tpu.vector_load_idx %arg6[%add3A_268, %broadcast_in_dim3A_29] : memref<1024x16xf32, #tpu.memory_space<vmem>>[vector<16xi32>, vector<16xi32>], vector<16xf32>,
        %mul3A_463 = arith.constant 8 : i32
        %mul3A_464 = arith.muli %add3A_262, %mul3A_463 : i32
        %add3A_465 = arith.constant 5 : i32
        %add3A_466 = arith.addi %mul3A_464, %add3A_465 : i32
        %mul3A_467 = arith.constant 128 : i32
        %mul3A_468 = arith.muli %add3A_466, %mul3A_467 : i32
        %add3A_469 = arith.constant 0 : i32
        %add3A_470 = arith.addi %mul3A_468, %add3A_469 : i32
        %add3A_471 = vector.broadcast %add3A_470 : i32 to vector<16xi32>
        %add3A_472 = arith.addi %add3A_471, %iota3A : vector<16xi32>
        %scatter3A_473 = arith.constant 1 : i32
        %scatter3A_474 = arith.constant 0 : i32
        %scatter3A_475 = tpu.memref_slice %arg7[%scatter3A_473, %scatter3A_474] : memref<2x8192xf32, #tpu.memory_space<vmem>> -> memref<1x8192xf32, #tpu.memory_space<vmem>>
        %scatter3A_476 = tpu.memref_squeeze %scatter3A_475 : memref<1x8192xf32, #tpu.memory_space<vmem>> -> memref<8192xf32, #tpu.memory_space<vmem>>
        tpu.vector_store_idx %scatter3A_476[%add3A_472], %gather3A_462 : memref<8192xf32, #tpu.memory_space<vmem>>[vector<16xi32>], vector<16xf32>,
        %gather3A_477 = tpu.vector_load_idx %arg6[%add3A_268, %broadcast_in_dim3A_31] : memref<1024x16xf32, #tpu.memory_space<vmem>>[vector<16xi32>, vector<16xi32>], vector<16xf32>,
        %mul3A_478 = arith.constant 8 : i32
        %mul3A_479 = arith.muli %add3A_262, %mul3A_478 : i32
        %add3A_480 = arith.constant 6 : i32
        %add3A_481 = arith.addi %mul3A_479, %add3A_480 : i32
        %mul3A_482 = arith.constant 128 : i32
        %mul3A_483 = arith.muli %add3A_481, %mul3A_482 : i32
        %add3A_484 = arith.constant 0 : i32
        %add3A_485 = arith.addi %mul3A_483, %add3A_484 : i32
        %add3A_486 = vector.broadcast %add3A_485 : i32 to vector<16xi32>
        %add3A_487 = arith.addi %add3A_486, %iota3A : vector<16xi32>
        %scatter3A_488 = arith.constant 1 : i32
        %scatter3A_489 = arith.constant 0 : i32
        %scatter3A_490 = tpu.memref_slice %arg7[%scatter3A_488, %scatter3A_489] : memref<2x8192xf32, #tpu.memory_space<vmem>> -> memref<1x8192xf32, #tpu.memory_space<vmem>>
        %scatter3A_491 = tpu.memref_squeeze %scatter3A_490 : memref<1x8192xf32, #tpu.memory_space<vmem>> -> memref<8192xf32, #tpu.memory_space<vmem>>
        tpu.vector_store_idx %scatter3A_491[%add3A_487], %gather3A_477 : memref<8192xf32, #tpu.memory_space<vmem>>[vector<16xi32>], vector<16xf32>,
        %gather3A_492 = tpu.vector_load_idx %arg6[%add3A_268, %broadcast_in_dim3A_33] : memref<1024x16xf32, #tpu.memory_space<vmem>>[vector<16xi32>, vector<16xi32>], vector<16xf32>,
        %mul3A_493 = arith.constant 8 : i32
        %mul3A_494 = arith.muli %add3A_262, %mul3A_493 : i32
        %add3A_495 = arith.constant 7 : i32
        %add3A_496 = arith.addi %mul3A_494, %add3A_495 : i32
        %mul3A_497 = arith.constant 128 : i32
        %mul3A_498 = arith.muli %add3A_496, %mul3A_497 : i32
        %add3A_499 = arith.constant 0 : i32
        %add3A_500 = arith.addi %mul3A_498, %add3A_499 : i32
        %add3A_501 = vector.broadcast %add3A_500 : i32 to vector<16xi32>
        %add3A_502 = arith.addi %add3A_501, %iota3A : vector<16xi32>
        %scatter3A_503 = arith.constant 1 : i32
        %scatter3A_504 = arith.constant 0 : i32
        %scatter3A_505 = tpu.memref_slice %arg7[%scatter3A_503, %scatter3A_504] : memref<2x8192xf32, #tpu.memory_space<vmem>> -> memref<1x8192xf32, #tpu.memory_space<vmem>>
        %scatter3A_506 = tpu.memref_squeeze %scatter3A_505 : memref<1x8192xf32, #tpu.memory_space<vmem>> -> memref<8192xf32, #tpu.memory_space<vmem>>
        tpu.vector_store_idx %scatter3A_506[%add3A_502], %gather3A_492 : memref<8192xf32, #tpu.memory_space<vmem>>[vector<16xi32>], vector<16xf32>,
        %mul3A_507 = arith.constant 128 : i32
        %mul3A_508 = arith.muli %add3A_262, %mul3A_507 : i32
        %add3A_509 = arith.constant 16 : i32
        %add3A_510 = arith.addi %mul3A_508, %add3A_509 : i32
        %add3A_511 = vector.broadcast %add3A_510 : i32 to vector<16xi32>
        %add3A_512 = arith.addi %add3A_511, %iota3A : vector<16xi32>
        %gather3A_513 = tpu.vector_load_idx %arg6[%add3A_512, %broadcast_in_dim3A_3] : memref<1024x16xf32, #tpu.memory_space<vmem>>[vector<16xi32>, vector<16xi32>], vector<16xf32>,
        %mul3A_514 = arith.constant 8 : i32
        %mul3A_515 = arith.muli %add3A_262, %mul3A_514 : i32
        %add3A_516 = arith.constant 0 : i32
        %add3A_517 = arith.addi %mul3A_515, %add3A_516 : i32
        %mul3A_518 = arith.constant 128 : i32
        %mul3A_519 = arith.muli %add3A_517, %mul3A_518 : i32
        %add3A_520 = arith.constant 16 : i32
        %add3A_521 = arith.addi %mul3A_519, %add3A_520 : i32
        %add3A_522 = vector.broadcast %add3A_521 : i32 to vector<16xi32>
        %add3A_523 = arith.addi %add3A_522, %iota3A : vector<16xi32>
        %scatter3A_524 = arith.constant 0 : i32
        %scatter3A_525 = arith.constant 0 : i32
        %scatter3A_526 = tpu.memref_slice %arg7[%scatter3A_524, %scatter3A_525] : memref<2x8192xf32, #tpu.memory_space<vmem>> -> memref<1x8192xf32, #tpu.memory_space<vmem>>
        %scatter3A_527 = tpu.memref_squeeze %scatter3A_526 : memref<1x8192xf32, #tpu.memory_space<vmem>> -> memref<8192xf32, #tpu.memory_space<vmem>>
        tpu.vector_store_idx %scatter3A_527[%add3A_523], %gather3A_513 : memref<8192xf32, #tpu.memory_space<vmem>>[vector<16xi32>], vector<16xf32>,
        %gather3A_528 = tpu.vector_load_idx %arg6[%add3A_512, %broadcast_in_dim3A_5] : memref<1024x16xf32, #tpu.memory_space<vmem>>[vector<16xi32>, vector<16xi32>], vector<16xf32>,
        %mul3A_529 = arith.constant 8 : i32
        %mul3A_530 = arith.muli %add3A_262, %mul3A_529 : i32
        %add3A_531 = arith.constant 1 : i32
        %add3A_532 = arith.addi %mul3A_530, %add3A_531 : i32
        %mul3A_533 = arith.constant 128 : i32
        %mul3A_534 = arith.muli %add3A_532, %mul3A_533 : i32
        %add3A_535 = arith.constant 16 : i32
        %add3A_536 = arith.addi %mul3A_534, %add3A_535 : i32
        %add3A_537 = vector.broadcast %add3A_536 : i32 to vector<16xi32>
        %add3A_538 = arith.addi %add3A_537, %iota3A : vector<16xi32>
        %scatter3A_539 = arith.constant 0 : i32
        %scatter3A_540 = arith.constant 0 : i32
        %scatter3A_541 = tpu.memref_slice %arg7[%scatter3A_539, %scatter3A_540] : memref<2x8192xf32, #tpu.memory_space<vmem>> -> memref<1x8192xf32, #tpu.memory_space<vmem>>
        %scatter3A_542 = tpu.memref_squeeze %scatter3A_541 : memref<1x8192xf32, #tpu.memory_space<vmem>> -> memref<8192xf32, #tpu.memory_space<vmem>>
        tpu.vector_store_idx %scatter3A_542[%add3A_538], %gather3A_528 : memref<8192xf32, #tpu.memory_space<vmem>>[vector<16xi32>], vector<16xf32>,
        %gather3A_543 = tpu.vector_load_idx %arg6[%add3A_512, %broadcast_in_dim3A_7] : memref<1024x16xf32, #tpu.memory_space<vmem>>[vector<16xi32>, vector<16xi32>], vector<16xf32>,
        %mul3A_544 = arith.constant 8 : i32
        %mul3A_545 = arith.muli %add3A_262, %mul3A_544 : i32
        %add3A_546 = arith.constant 2 : i32
        %add3A_547 = arith.addi %mul3A_545, %add3A_546 : i32
        %mul3A_548 = arith.constant 128 : i32
        %mul3A_549 = arith.muli %add3A_547, %mul3A_548 : i32
        %add3A_550 = arith.constant 16 : i32
        %add3A_551 = arith.addi %mul3A_549, %add3A_550 : i32
        %add3A_552 = vector.broadcast %add3A_551 : i32 to vector<16xi32>
        %add3A_553 = arith.addi %add3A_552, %iota3A : vector<16xi32>
        %scatter3A_554 = arith.constant 0 : i32
        %scatter3A_555 = arith.constant 0 : i32
        %scatter3A_556 = tpu.memref_slice %arg7[%scatter3A_554, %scatter3A_555] : memref<2x8192xf32, #tpu.memory_space<vmem>> -> memref<1x8192xf32, #tpu.memory_space<vmem>>
        %scatter3A_557 = tpu.memref_squeeze %scatter3A_556 : memref<1x8192xf32, #tpu.memory_space<vmem>> -> memref<8192xf32, #tpu.memory_space<vmem>>
        tpu.vector_store_idx %scatter3A_557[%add3A_553], %gather3A_543 : memref<8192xf32, #tpu.memory_space<vmem>>[vector<16xi32>], vector<16xf32>,
        %gather3A_558 = tpu.vector_load_idx %arg6[%add3A_512, %broadcast_in_dim3A_9] : memref<1024x16xf32, #tpu.memory_space<vmem>>[vector<16xi32>, vector<16xi32>], vector<16xf32>,
        %mul3A_559 = arith.constant 8 : i32
        %mul3A_560 = arith.muli %add3A_262, %mul3A_559 : i32
        %add3A_561 = arith.constant 3 : i32
        %add3A_562 = arith.addi %mul3A_560, %add3A_561 : i32
        %mul3A_563 = arith.constant 128 : i32
        %mul3A_564 = arith.muli %add3A_562, %mul3A_563 : i32
        %add3A_565 = arith.constant 16 : i32
        %add3A_566 = arith.addi %mul3A_564, %add3A_565 : i32
        %add3A_567 = vector.broadcast %add3A_566 : i32 to vector<16xi32>
        %add3A_568 = arith.addi %add3A_567, %iota3A : vector<16xi32>
        %scatter3A_569 = arith.constant 0 : i32
        %scatter3A_570 = arith.constant 0 : i32
        %scatter3A_571 = tpu.memref_slice %arg7[%scatter3A_569, %scatter3A_570] : memref<2x8192xf32, #tpu.memory_space<vmem>> -> memref<1x8192xf32, #tpu.memory_space<vmem>>
        %scatter3A_572 = tpu.memref_squeeze %scatter3A_571 : memref<1x8192xf32, #tpu.memory_space<vmem>> -> memref<8192xf32, #tpu.memory_space<vmem>>
        tpu.vector_store_idx %scatter3A_572[%add3A_568], %gather3A_558 : memref<8192xf32, #tpu.memory_space<vmem>>[vector<16xi32>], vector<16xf32>,
        %gather3A_573 = tpu.vector_load_idx %arg6[%add3A_512, %broadcast_in_dim3A_11] : memref<1024x16xf32, #tpu.memory_space<vmem>>[vector<16xi32>, vector<16xi32>], vector<16xf32>,
        %mul3A_574 = arith.constant 8 : i32
        %mul3A_575 = arith.muli %add3A_262, %mul3A_574 : i32
        %add3A_576 = arith.constant 4 : i32
        %add3A_577 = arith.addi %mul3A_575, %add3A_576 : i32
        %mul3A_578 = arith.constant 128 : i32
        %mul3A_579 = arith.muli %add3A_577, %mul3A_578 : i32
        %add3A_580 = arith.constant 16 : i32
        %add3A_581 = arith.addi %mul3A_579, %add3A_580 : i32
        %add3A_582 = vector.broadcast %add3A_581 : i32 to vector<16xi32>
        %add3A_583 = arith.addi %add3A_582, %iota3A : vector<16xi32>
        %scatter3A_584 = arith.constant 0 : i32
        %scatter3A_585 = arith.constant 0 : i32
        %scatter3A_586 = tpu.memref_slice %arg7[%scatter3A_584, %scatter3A_585] : memref<2x8192xf32, #tpu.memory_space<vmem>> -> memref<1x8192xf32, #tpu.memory_space<vmem>>
        %scatter3A_587 = tpu.memref_squeeze %scatter3A_586 : memref<1x8192xf32, #tpu.memory_space<vmem>> -> memref<8192xf32, #tpu.memory_space<vmem>>
        tpu.vector_store_idx %scatter3A_587[%add3A_583], %gather3A_573 : memref<8192xf32, #tpu.memory_space<vmem>>[vector<16xi32>], vector<16xf32>,
        %gather3A_588 = tpu.vector_load_idx %arg6[%add3A_512, %broadcast_in_dim3A_13] : memref<1024x16xf32, #tpu.memory_space<vmem>>[vector<16xi32>, vector<16xi32>], vector<16xf32>,
        %mul3A_589 = arith.constant 8 : i32
        %mul3A_590 = arith.muli %add3A_262, %mul3A_589 : i32
        %add3A_591 = arith.constant 5 : i32
        %add3A_592 = arith.addi %mul3A_590, %add3A_591 : i32
        %mul3A_593 = arith.constant 128 : i32
        %mul3A_594 = arith.muli %add3A_592, %mul3A_593 : i32
        %add3A_595 = arith.constant 16 : i32
        %add3A_596 = arith.addi %mul3A_594, %add3A_595 : i32
        %add3A_597 = vector.broadcast %add3A_596 : i32 to vector<16xi32>
        %add3A_598 = arith.addi %add3A_597, %iota3A : vector<16xi32>
        %scatter3A_599 = arith.constant 0 : i32
        %scatter3A_600 = arith.constant 0 : i32
        %scatter3A_601 = tpu.memref_slice %arg7[%scatter3A_599, %scatter3A_600] : memref<2x8192xf32, #tpu.memory_space<vmem>> -> memref<1x8192xf32, #tpu.memory_space<vmem>>
        %scatter3A_602 = tpu.memref_squeeze %scatter3A_601 : memref<1x8192xf32, #tpu.memory_space<vmem>> -> memref<8192xf32, #tpu.memory_space<vmem>>
        tpu.vector_store_idx %scatter3A_602[%add3A_598], %gather3A_588 : memref<8192xf32, #tpu.memory_space<vmem>>[vector<16xi32>], vector<16xf32>,
        %gather3A_603 = tpu.vector_load_idx %arg6[%add3A_512, %broadcast_in_dim3A_15] : memref<1024x16xf32, #tpu.memory_space<vmem>>[vector<16xi32>, vector<16xi32>], vector<16xf32>,
        %mul3A_604 = arith.constant 8 : i32
        %mul3A_605 = arith.muli %add3A_262, %mul3A_604 : i32
        %add3A_606 = arith.constant 6 : i32
        %add3A_607 = arith.addi %mul3A_605, %add3A_606 : i32
        %mul3A_608 = arith.constant 128 : i32
        %mul3A_609 = arith.muli %add3A_607, %mul3A_608 : i32
        %add3A_610 = arith.constant 16 : i32
        %add3A_611 = arith.addi %mul3A_609, %add3A_610 : i32
        %add3A_612 = vector.broadcast %add3A_611 : i32 to vector<16xi32>
        %add3A_613 = arith.addi %add3A_612, %iota3A : vector<16xi32>
        %scatter3A_614 = arith.constant 0 : i32
        %scatter3A_615 = arith.constant 0 : i32
        %scatter3A_616 = tpu.memref_slice %arg7[%scatter3A_614, %scatter3A_615] : memref<2x8192xf32, #tpu.memory_space<vmem>> -> memref<1x8192xf32, #tpu.memory_space<vmem>>
        %scatter3A_617 = tpu.memref_squeeze %scatter3A_616 : memref<1x8192xf32, #tpu.memory_space<vmem>> -> memref<8192xf32, #tpu.memory_space<vmem>>
        tpu.vector_store_idx %scatter3A_617[%add3A_613], %gather3A_603 : memref<8192xf32, #tpu.memory_space<vmem>>[vector<16xi32>], vector<16xf32>,
        %gather3A_618 = tpu.vector_load_idx %arg6[%add3A_512, %broadcast_in_dim3A_17] : memref<1024x16xf32, #tpu.memory_space<vmem>>[vector<16xi32>, vector<16xi32>], vector<16xf32>,
        %mul3A_619 = arith.constant 8 : i32
        %mul3A_620 = arith.muli %add3A_262, %mul3A_619 : i32
        %add3A_621 = arith.constant 7 : i32
        %add3A_622 = arith.addi %mul3A_620, %add3A_621 : i32
        %mul3A_623 = arith.constant 128 : i32
        %mul3A_624 = arith.muli %add3A_622, %mul3A_623 : i32
        %add3A_625 = arith.constant 16 : i32
        %add3A_626 = arith.addi %mul3A_624, %add3A_625 : i32
        %add3A_627 = vector.broadcast %add3A_626 : i32 to vector<16xi32>
        %add3A_628 = arith.addi %add3A_627, %iota3A : vector<16xi32>
        %scatter3A_629 = arith.constant 0 : i32
        %scatter3A_630 = arith.constant 0 : i32
        %scatter3A_631 = tpu.memref_slice %arg7[%scatter3A_629, %scatter3A_630] : memref<2x8192xf32, #tpu.memory_space<vmem>> -> memref<1x8192xf32, #tpu.memory_space<vmem>>
        %scatter3A_632 = tpu.memref_squeeze %scatter3A_631 : memref<1x8192xf32, #tpu.memory_space<vmem>> -> memref<8192xf32, #tpu.memory_space<vmem>>
        tpu.vector_store_idx %scatter3A_632[%add3A_628], %gather3A_618 : memref<8192xf32, #tpu.memory_space<vmem>>[vector<16xi32>], vector<16xf32>,
        %gather3A_633 = tpu.vector_load_idx %arg6[%add3A_512, %broadcast_in_dim3A_19] : memref<1024x16xf32, #tpu.memory_space<vmem>>[vector<16xi32>, vector<16xi32>], vector<16xf32>,
        %mul3A_634 = arith.constant 8 : i32
        %mul3A_635 = arith.muli %add3A_262, %mul3A_634 : i32
        %add3A_636 = arith.constant 0 : i32
        %add3A_637 = arith.addi %mul3A_635, %add3A_636 : i32
        %mul3A_638 = arith.constant 128 : i32
        %mul3A_639 = arith.muli %add3A_637, %mul3A_638 : i32
        %add3A_640 = arith.constant 16 : i32
        %add3A_641 = arith.addi %mul3A_639, %add3A_640 : i32
        %add3A_642 = vector.broadcast %add3A_641 : i32 to vector<16xi32>
        %add3A_643 = arith.addi %add3A_642, %iota3A : vector<16xi32>
        %scatter3A_644 = arith.constant 1 : i32
        %scatter3A_645 = arith.constant 0 : i32
        %scatter3A_646 = tpu.memref_slice %arg7[%scatter3A_644, %scatter3A_645] : memref<2x8192xf32, #tpu.memory_space<vmem>> -> memref<1x8192xf32, #tpu.memory_space<vmem>>
        %scatter3A_647 = tpu.memref_squeeze %scatter3A_646 : memref<1x8192xf32, #tpu.memory_space<vmem>> -> memref<8192xf32, #tpu.memory_space<vmem>>
        tpu.vector_store_idx %scatter3A_647[%add3A_643], %gather3A_633 : memref<8192xf32, #tpu.memory_space<vmem>>[vector<16xi32>], vector<16xf32>,
        %gather3A_648 = tpu.vector_load_idx %arg6[%add3A_512, %broadcast_in_dim3A_21] : memref<1024x16xf32, #tpu.memory_space<vmem>>[vector<16xi32>, vector<16xi32>], vector<16xf32>,
        %mul3A_649 = arith.constant 8 : i32
        %mul3A_650 = arith.muli %add3A_262, %mul3A_649 : i32
        %add3A_651 = arith.constant 1 : i32
        %add3A_652 = arith.addi %mul3A_650, %add3A_651 : i32
        %mul3A_653 = arith.constant 128 : i32
        %mul3A_654 = arith.muli %add3A_652, %mul3A_653 : i32
        %add3A_655 = arith.constant 16 : i32
        %add3A_656 = arith.addi %mul3A_654, %add3A_655 : i32
        %add3A_657 = vector.broadcast %add3A_656 : i32 to vector<16xi32>
        %add3A_658 = arith.addi %add3A_657, %iota3A : vector<16xi32>
        %scatter3A_659 = arith.constant 1 : i32
        %scatter3A_660 = arith.constant 0 : i32
        %scatter3A_661 = tpu.memref_slice %arg7[%scatter3A_659, %scatter3A_660] : memref<2x8192xf32, #tpu.memory_space<vmem>> -> memref<1x8192xf32, #tpu.memory_space<vmem>>
        %scatter3A_662 = tpu.memref_squeeze %scatter3A_661 : memref<1x8192xf32, #tpu.memory_space<vmem>> -> memref<8192xf32, #tpu.memory_space<vmem>>
        tpu.vector_store_idx %scatter3A_662[%add3A_658], %gather3A_648 : memref<8192xf32, #tpu.memory_space<vmem>>[vector<16xi32>], vector<16xf32>,
        %gather3A_663 = tpu.vector_load_idx %arg6[%add3A_512, %broadcast_in_dim3A_23] : memref<1024x16xf32, #tpu.memory_space<vmem>>[vector<16xi32>, vector<16xi32>], vector<16xf32>,
        %mul3A_664 = arith.constant 8 : i32
        %mul3A_665 = arith.muli %add3A_262, %mul3A_664 : i32
        %add3A_666 = arith.constant 2 : i32
        %add3A_667 = arith.addi %mul3A_665, %add3A_666 : i32
        %mul3A_668 = arith.constant 128 : i32
        %mul3A_669 = arith.muli %add3A_667, %mul3A_668 : i32
        %add3A_670 = arith.constant 16 : i32
        %add3A_671 = arith.addi %mul3A_669, %add3A_670 : i32
        %add3A_672 = vector.broadcast %add3A_671 : i32 to vector<16xi32>
        %add3A_673 = arith.addi %add3A_672, %iota3A : vector<16xi32>
        %scatter3A_674 = arith.constant 1 : i32
        %scatter3A_675 = arith.constant 0 : i32
        %scatter3A_676 = tpu.memref_slice %arg7[%scatter3A_674, %scatter3A_675] : memref<2x8192xf32, #tpu.memory_space<vmem>> -> memref<1x8192xf32, #tpu.memory_space<vmem>>
        %scatter3A_677 = tpu.memref_squeeze %scatter3A_676 : memref<1x8192xf32, #tpu.memory_space<vmem>> -> memref<8192xf32, #tpu.memory_space<vmem>>
        tpu.vector_store_idx %scatter3A_677[%add3A_673], %gather3A_663 : memref<8192xf32, #tpu.memory_space<vmem>>[vector<16xi32>], vector<16xf32>,
        %gather3A_678 = tpu.vector_load_idx %arg6[%add3A_512, %broadcast_in_dim3A_25] : memref<1024x16xf32, #tpu.memory_space<vmem>>[vector<16xi32>, vector<16xi32>], vector<16xf32>,
        %mul3A_679 = arith.constant 8 : i32
        %mul3A_680 = arith.muli %add3A_262, %mul3A_679 : i32
        %add3A_681 = arith.constant 3 : i32
        %add3A_682 = arith.addi %mul3A_680, %add3A_681 : i32
        %mul3A_683 = arith.constant 128 : i32
        %mul3A_684 = arith.muli %add3A_682, %mul3A_683 : i32
        %add3A_685 = arith.constant 16 : i32
        %add3A_686 = arith.addi %mul3A_684, %add3A_685 : i32
        %add3A_687 = vector.broadcast %add3A_686 : i32 to vector<16xi32>
        %add3A_688 = arith.addi %add3A_687, %iota3A : vector<16xi32>
        %scatter3A_689 = arith.constant 1 : i32
        %scatter3A_690 = arith.constant 0 : i32
        %scatter3A_691 = tpu.memref_slice %arg7[%scatter3A_689, %scatter3A_690] : memref<2x8192xf32, #tpu.memory_space<vmem>> -> memref<1x8192xf32, #tpu.memory_space<vmem>>
        %scatter3A_692 = tpu.memref_squeeze %scatter3A_691 : memref<1x8192xf32, #tpu.memory_space<vmem>> -> memref<8192xf32, #tpu.memory_space<vmem>>
        tpu.vector_store_idx %scatter3A_692[%add3A_688], %gather3A_678 : memref<8192xf32, #tpu.memory_space<vmem>>[vector<16xi32>], vector<16xf32>,
        %gather3A_693 = tpu.vector_load_idx %arg6[%add3A_512, %broadcast_in_dim3A_27] : memref<1024x16xf32, #tpu.memory_space<vmem>>[vector<16xi32>, vector<16xi32>], vector<16xf32>,
        %mul3A_694 = arith.constant 8 : i32
        %mul3A_695 = arith.muli %add3A_262, %mul3A_694 : i32
        %add3A_696 = arith.constant 4 : i32
        %add3A_697 = arith.addi %mul3A_695, %add3A_696 : i32
        %mul3A_698 = arith.constant 128 : i32
        %mul3A_699 = arith.muli %add3A_697, %mul3A_698 : i32
        %add3A_700 = arith.constant 16 : i32
        %add3A_701 = arith.addi %mul3A_699, %add3A_700 : i32
        %add3A_702 = vector.broadcast %add3A_701 : i32 to vector<16xi32>
        %add3A_703 = arith.addi %add3A_702, %iota3A : vector<16xi32>
        %scatter3A_704 = arith.constant 1 : i32
        %scatter3A_705 = arith.constant 0 : i32
        %scatter3A_706 = tpu.memref_slice %arg7[%scatter3A_704, %scatter3A_705] : memref<2x8192xf32, #tpu.memory_space<vmem>> -> memref<1x8192xf32, #tpu.memory_space<vmem>>
        %scatter3A_707 = tpu.memref_squeeze %scatter3A_706 : memref<1x8192xf32, #tpu.memory_space<vmem>> -> memref<8192xf32, #tpu.memory_space<vmem>>
        tpu.vector_store_idx %scatter3A_707[%add3A_703], %gather3A_693 : memref<8192xf32, #tpu.memory_space<vmem>>[vector<16xi32>], vector<16xf32>,
        %gather3A_708 = tpu.vector_load_idx %arg6[%add3A_512, %broadcast_in_dim3A_29] : memref<1024x16xf32, #tpu.memory_space<vmem>>[vector<16xi32>, vector<16xi32>], vector<16xf32>,
        %mul3A_709 = arith.constant 8 : i32
        %mul3A_710 = arith.muli %add3A_262, %mul3A_709 : i32
        %add3A_711 = arith.constant 5 : i32
        %add3A_712 = arith.addi %mul3A_710, %add3A_711 : i32
        %mul3A_713 = arith.constant 128 : i32
        %mul3A_714 = arith.muli %add3A_712, %mul3A_713 : i32
        %add3A_715 = arith.constant 16 : i32
        %add3A_716 = arith.addi %mul3A_714, %add3A_715 : i32
        %add3A_717 = vector.broadcast %add3A_716 : i32 to vector<16xi32>
        %add3A_718 = arith.addi %add3A_717, %iota3A : vector<16xi32>
        %scatter3A_719 = arith.constant 1 : i32
        %scatter3A_720 = arith.constant 0 : i32
        %scatter3A_721 = tpu.memref_slice %arg7[%scatter3A_719, %scatter3A_720] : memref<2x8192xf32, #tpu.memory_space<vmem>> -> memref<1x8192xf32, #tpu.memory_space<vmem>>
        %scatter3A_722 = tpu.memref_squeeze %scatter3A_721 : memref<1x8192xf32, #tpu.memory_space<vmem>> -> memref<8192xf32, #tpu.memory_space<vmem>>
        tpu.vector_store_idx %scatter3A_722[%add3A_718], %gather3A_708 : memref<8192xf32, #tpu.memory_space<vmem>>[vector<16xi32>], vector<16xf32>,
        %gather3A_723 = tpu.vector_load_idx %arg6[%add3A_512, %broadcast_in_dim3A_31] : memref<1024x16xf32, #tpu.memory_space<vmem>>[vector<16xi32>, vector<16xi32>], vector<16xf32>,
        %mul3A_724 = arith.constant 8 : i32
        %mul3A_725 = arith.muli %add3A_262, %mul3A_724 : i32
        %add3A_726 = arith.constant 6 : i32
        %add3A_727 = arith.addi %mul3A_725, %add3A_726 : i32
        %mul3A_728 = arith.constant 128 : i32
        %mul3A_729 = arith.muli %add3A_727, %mul3A_728 : i32
        %add3A_730 = arith.constant 16 : i32
        %add3A_731 = arith.addi %mul3A_729, %add3A_730 : i32
        %add3A_732 = vector.broadcast %add3A_731 : i32 to vector<16xi32>
        %add3A_733 = arith.addi %add3A_732, %iota3A : vector<16xi32>
        %scatter3A_734 = arith.constant 1 : i32
        %scatter3A_735 = arith.constant 0 : i32
        %scatter3A_736 = tpu.memref_slice %arg7[%scatter3A_734, %scatter3A_735] : memref<2x8192xf32, #tpu.memory_space<vmem>> -> memref<1x8192xf32, #tpu.memory_space<vmem>>
        %scatter3A_737 = tpu.memref_squeeze %scatter3A_736 : memref<1x8192xf32, #tpu.memory_space<vmem>> -> memref<8192xf32, #tpu.memory_space<vmem>>
        tpu.vector_store_idx %scatter3A_737[%add3A_733], %gather3A_723 : memref<8192xf32, #tpu.memory_space<vmem>>[vector<16xi32>], vector<16xf32>,
        %gather3A_738 = tpu.vector_load_idx %arg6[%add3A_512, %broadcast_in_dim3A_33] : memref<1024x16xf32, #tpu.memory_space<vmem>>[vector<16xi32>, vector<16xi32>], vector<16xf32>,
        %mul3A_739 = arith.constant 8 : i32
        %mul3A_740 = arith.muli %add3A_262, %mul3A_739 : i32
        %add3A_741 = arith.constant 7 : i32
        %add3A_742 = arith.addi %mul3A_740, %add3A_741 : i32
        %mul3A_743 = arith.constant 128 : i32
        %mul3A_744 = arith.muli %add3A_742, %mul3A_743 : i32
        %add3A_745 = arith.constant 16 : i32
        %add3A_746 = arith.addi %mul3A_744, %add3A_745 : i32
        %add3A_747 = vector.broadcast %add3A_746 : i32 to vector<16xi32>
        %add3A_748 = arith.addi %add3A_747, %iota3A : vector<16xi32>
        %scatter3A_749 = arith.constant 1 : i32
        %scatter3A_750 = arith.constant 0 : i32
        %scatter3A_751 = tpu.memref_slice %arg7[%scatter3A_749, %scatter3A_750] : memref<2x8192xf32, #tpu.memory_space<vmem>> -> memref<1x8192xf32, #tpu.memory_space<vmem>>
        %scatter3A_752 = tpu.memref_squeeze %scatter3A_751 : memref<1x8192xf32, #tpu.memory_space<vmem>> -> memref<8192xf32, #tpu.memory_space<vmem>>
        tpu.vector_store_idx %scatter3A_752[%add3A_748], %gather3A_738 : memref<8192xf32, #tpu.memory_space<vmem>>[vector<16xi32>], vector<16xf32>,
        %mul3A_753 = arith.constant 128 : i32
        %mul3A_754 = arith.muli %add3A_262, %mul3A_753 : i32
        %add3A_755 = arith.constant 32 : i32
        %add3A_756 = arith.addi %mul3A_754, %add3A_755 : i32
        %add3A_757 = vector.broadcast %add3A_756 : i32 to vector<16xi32>
        %add3A_758 = arith.addi %add3A_757, %iota3A : vector<16xi32>
        %gather3A_759 = tpu.vector_load_idx %arg6[%add3A_758, %broadcast_in_dim3A_3] : memref<1024x16xf32, #tpu.memory_space<vmem>>[vector<16xi32>, vector<16xi32>], vector<16xf32>,
        %mul3A_760 = arith.constant 8 : i32
        %mul3A_761 = arith.muli %add3A_262, %mul3A_760 : i32
        %add3A_762 = arith.constant 0 : i32
        %add3A_763 = arith.addi %mul3A_761, %add3A_762 : i32
        %mul3A_764 = arith.constant 128 : i32
        %mul3A_765 = arith.muli %add3A_763, %mul3A_764 : i32
        %add3A_766 = arith.constant 32 : i32
        %add3A_767 = arith.addi %mul3A_765, %add3A_766 : i32
        %add3A_768 = vector.broadcast %add3A_767 : i32 to vector<16xi32>
        %add3A_769 = arith.addi %add3A_768, %iota3A : vector<16xi32>
        %scatter3A_770 = arith.constant 0 : i32
        %scatter3A_771 = arith.constant 0 : i32
        %scatter3A_772 = tpu.memref_slice %arg7[%scatter3A_770, %scatter3A_771] : memref<2x8192xf32, #tpu.memory_space<vmem>> -> memref<1x8192xf32, #tpu.memory_space<vmem>>
        %scatter3A_773 = tpu.memref_squeeze %scatter3A_772 : memref<1x8192xf32, #tpu.memory_space<vmem>> -> memref<8192xf32, #tpu.memory_space<vmem>>
        tpu.vector_store_idx %scatter3A_773[%add3A_769], %gather3A_759 : memref<8192xf32, #tpu.memory_space<vmem>>[vector<16xi32>], vector<16xf32>,
        %gather3A_774 = tpu.vector_load_idx %arg6[%add3A_758, %broadcast_in_dim3A_5] : memref<1024x16xf32, #tpu.memory_space<vmem>>[vector<16xi32>, vector<16xi32>], vector<16xf32>,
        %mul3A_775 = arith.constant 8 : i32
        %mul3A_776 = arith.muli %add3A_262, %mul3A_775 : i32
        %add3A_777 = arith.constant 1 : i32
        %add3A_778 = arith.addi %mul3A_776, %add3A_777 : i32
        %mul3A_779 = arith.constant 128 : i32
        %mul3A_780 = arith.muli %add3A_778, %mul3A_779 : i32
        %add3A_781 = arith.constant 32 : i32
        %add3A_782 = arith.addi %mul3A_780, %add3A_781 : i32
        %add3A_783 = vector.broadcast %add3A_782 : i32 to vector<16xi32>
        %add3A_784 = arith.addi %add3A_783, %iota3A : vector<16xi32>
        %scatter3A_785 = arith.constant 0 : i32
        %scatter3A_786 = arith.constant 0 : i32
        %scatter3A_787 = tpu.memref_slice %arg7[%scatter3A_785, %scatter3A_786] : memref<2x8192xf32, #tpu.memory_space<vmem>> -> memref<1x8192xf32, #tpu.memory_space<vmem>>
        %scatter3A_788 = tpu.memref_squeeze %scatter3A_787 : memref<1x8192xf32, #tpu.memory_space<vmem>> -> memref<8192xf32, #tpu.memory_space<vmem>>
        tpu.vector_store_idx %scatter3A_788[%add3A_784], %gather3A_774 : memref<8192xf32, #tpu.memory_space<vmem>>[vector<16xi32>], vector<16xf32>,
        %gather3A_789 = tpu.vector_load_idx %arg6[%add3A_758, %broadcast_in_dim3A_7] : memref<1024x16xf32, #tpu.memory_space<vmem>>[vector<16xi32>, vector<16xi32>], vector<16xf32>,
        %mul3A_790 = arith.constant 8 : i32
        %mul3A_791 = arith.muli %add3A_262, %mul3A_790 : i32
        %add3A_792 = arith.constant 2 : i32
        %add3A_793 = arith.addi %mul3A_791, %add3A_792 : i32
        %mul3A_794 = arith.constant 128 : i32
        %mul3A_795 = arith.muli %add3A_793, %mul3A_794 : i32
        %add3A_796 = arith.constant 32 : i32
        %add3A_797 = arith.addi %mul3A_795, %add3A_796 : i32
        %add3A_798 = vector.broadcast %add3A_797 : i32 to vector<16xi32>
        %add3A_799 = arith.addi %add3A_798, %iota3A : vector<16xi32>
        %scatter3A_800 = arith.constant 0 : i32
        %scatter3A_801 = arith.constant 0 : i32
        %scatter3A_802 = tpu.memref_slice %arg7[%scatter3A_800, %scatter3A_801] : memref<2x8192xf32, #tpu.memory_space<vmem>> -> memref<1x8192xf32, #tpu.memory_space<vmem>>
        %scatter3A_803 = tpu.memref_squeeze %scatter3A_802 : memref<1x8192xf32, #tpu.memory_space<vmem>> -> memref<8192xf32, #tpu.memory_space<vmem>>
        tpu.vector_store_idx %scatter3A_803[%add3A_799], %gather3A_789 : memref<8192xf32, #tpu.memory_space<vmem>>[vector<16xi32>], vector<16xf32>,
        %gather3A_804 = tpu.vector_load_idx %arg6[%add3A_758, %broadcast_in_dim3A_9] : memref<1024x16xf32, #tpu.memory_space<vmem>>[vector<16xi32>, vector<16xi32>], vector<16xf32>,
        %mul3A_805 = arith.constant 8 : i32
        %mul3A_806 = arith.muli %add3A_262, %mul3A_805 : i32
        %add3A_807 = arith.constant 3 : i32
        %add3A_808 = arith.addi %mul3A_806, %add3A_807 : i32
        %mul3A_809 = arith.constant 128 : i32
        %mul3A_810 = arith.muli %add3A_808, %mul3A_809 : i32
        %add3A_811 = arith.constant 32 : i32
        %add3A_812 = arith.addi %mul3A_810, %add3A_811 : i32
        %add3A_813 = vector.broadcast %add3A_812 : i32 to vector<16xi32>
        %add3A_814 = arith.addi %add3A_813, %iota3A : vector<16xi32>
        %scatter3A_815 = arith.constant 0 : i32
        %scatter3A_816 = arith.constant 0 : i32
        %scatter3A_817 = tpu.memref_slice %arg7[%scatter3A_815, %scatter3A_816] : memref<2x8192xf32, #tpu.memory_space<vmem>> -> memref<1x8192xf32, #tpu.memory_space<vmem>>
        %scatter3A_818 = tpu.memref_squeeze %scatter3A_817 : memref<1x8192xf32, #tpu.memory_space<vmem>> -> memref<8192xf32, #tpu.memory_space<vmem>>
        tpu.vector_store_idx %scatter3A_818[%add3A_814], %gather3A_804 : memref<8192xf32, #tpu.memory_space<vmem>>[vector<16xi32>], vector<16xf32>,
        %gather3A_819 = tpu.vector_load_idx %arg6[%add3A_758, %broadcast_in_dim3A_11] : memref<1024x16xf32, #tpu.memory_space<vmem>>[vector<16xi32>, vector<16xi32>], vector<16xf32>,
        %mul3A_820 = arith.constant 8 : i32
        %mul3A_821 = arith.muli %add3A_262, %mul3A_820 : i32
        %add3A_822 = arith.constant 4 : i32
        %add3A_823 = arith.addi %mul3A_821, %add3A_822 : i32
        %mul3A_824 = arith.constant 128 : i32
        %mul3A_825 = arith.muli %add3A_823, %mul3A_824 : i32
        %add3A_826 = arith.constant 32 : i32
        %add3A_827 = arith.addi %mul3A_825, %add3A_826 : i32
        %add3A_828 = vector.broadcast %add3A_827 : i32 to vector<16xi32>
        %add3A_829 = arith.addi %add3A_828, %iota3A : vector<16xi32>
        %scatter3A_830 = arith.constant 0 : i32
        %scatter3A_831 = arith.constant 0 : i32
        %scatter3A_832 = tpu.memref_slice %arg7[%scatter3A_830, %scatter3A_831] : memref<2x8192xf32, #tpu.memory_space<vmem>> -> memref<1x8192xf32, #tpu.memory_space<vmem>>
        %scatter3A_833 = tpu.memref_squeeze %scatter3A_832 : memref<1x8192xf32, #tpu.memory_space<vmem>> -> memref<8192xf32, #tpu.memory_space<vmem>>
        tpu.vector_store_idx %scatter3A_833[%add3A_829], %gather3A_819 : memref<8192xf32, #tpu.memory_space<vmem>>[vector<16xi32>], vector<16xf32>,
        %gather3A_834 = tpu.vector_load_idx %arg6[%add3A_758, %broadcast_in_dim3A_13] : memref<1024x16xf32, #tpu.memory_space<vmem>>[vector<16xi32>, vector<16xi32>], vector<16xf32>,
        %mul3A_835 = arith.constant 8 : i32
        %mul3A_836 = arith.muli %add3A_262, %mul3A_835 : i32
        %add3A_837 = arith.constant 5 : i32
        %add3A_838 = arith.addi %mul3A_836, %add3A_837 : i32
        %mul3A_839 = arith.constant 128 : i32
        %mul3A_840 = arith.muli %add3A_838, %mul3A_839 : i32
        %add3A_841 = arith.constant 32 : i32
        %add3A_842 = arith.addi %mul3A_840, %add3A_841 : i32
        %add3A_843 = vector.broadcast %add3A_842 : i32 to vector<16xi32>
        %add3A_844 = arith.addi %add3A_843, %iota3A : vector<16xi32>
        %scatter3A_845 = arith.constant 0 : i32
        %scatter3A_846 = arith.constant 0 : i32
        %scatter3A_847 = tpu.memref_slice %arg7[%scatter3A_845, %scatter3A_846] : memref<2x8192xf32, #tpu.memory_space<vmem>> -> memref<1x8192xf32, #tpu.memory_space<vmem>>
        %scatter3A_848 = tpu.memref_squeeze %scatter3A_847 : memref<1x8192xf32, #tpu.memory_space<vmem>> -> memref<8192xf32, #tpu.memory_space<vmem>>
        tpu.vector_store_idx %scatter3A_848[%add3A_844], %gather3A_834 : memref<8192xf32, #tpu.memory_space<vmem>>[vector<16xi32>], vector<16xf32>,
        %gather3A_849 = tpu.vector_load_idx %arg6[%add3A_758, %broadcast_in_dim3A_15] : memref<1024x16xf32, #tpu.memory_space<vmem>>[vector<16xi32>, vector<16xi32>], vector<16xf32>,
        %mul3A_850 = arith.constant 8 : i32
        %mul3A_851 = arith.muli %add3A_262, %mul3A_850 : i32
        %add3A_852 = arith.constant 6 : i32
        %add3A_853 = arith.addi %mul3A_851, %add3A_852 : i32
        %mul3A_854 = arith.constant 128 : i32
        %mul3A_855 = arith.muli %add3A_853, %mul3A_854 : i32
        %add3A_856 = arith.constant 32 : i32
        %add3A_857 = arith.addi %mul3A_855, %add3A_856 : i32
        %add3A_858 = vector.broadcast %add3A_857 : i32 to vector<16xi32>
        %add3A_859 = arith.addi %add3A_858, %iota3A : vector<16xi32>
        %scatter3A_860 = arith.constant 0 : i32
        %scatter3A_861 = arith.constant 0 : i32
        %scatter3A_862 = tpu.memref_slice %arg7[%scatter3A_860, %scatter3A_861] : memref<2x8192xf32, #tpu.memory_space<vmem>> -> memref<1x8192xf32, #tpu.memory_space<vmem>>
        %scatter3A_863 = tpu.memref_squeeze %scatter3A_862 : memref<1x8192xf32, #tpu.memory_space<vmem>> -> memref<8192xf32, #tpu.memory_space<vmem>>
        tpu.vector_store_idx %scatter3A_863[%add3A_859], %gather3A_849 : memref<8192xf32, #tpu.memory_space<vmem>>[vector<16xi32>], vector<16xf32>,
        %gather3A_864 = tpu.vector_load_idx %arg6[%add3A_758, %broadcast_in_dim3A_17] : memref<1024x16xf32, #tpu.memory_space<vmem>>[vector<16xi32>, vector<16xi32>], vector<16xf32>,
        %mul3A_865 = arith.constant 8 : i32
        %mul3A_866 = arith.muli %add3A_262, %mul3A_865 : i32
        %add3A_867 = arith.constant 7 : i32
        %add3A_868 = arith.addi %mul3A_866, %add3A_867 : i32
        %mul3A_869 = arith.constant 128 : i32
        %mul3A_870 = arith.muli %add3A_868, %mul3A_869 : i32
        %add3A_871 = arith.constant 32 : i32
        %add3A_872 = arith.addi %mul3A_870, %add3A_871 : i32
        %add3A_873 = vector.broadcast %add3A_872 : i32 to vector<16xi32>
        %add3A_874 = arith.addi %add3A_873, %iota3A : vector<16xi32>
        %scatter3A_875 = arith.constant 0 : i32
        %scatter3A_876 = arith.constant 0 : i32
        %scatter3A_877 = tpu.memref_slice %arg7[%scatter3A_875, %scatter3A_876] : memref<2x8192xf32, #tpu.memory_space<vmem>> -> memref<1x8192xf32, #tpu.memory_space<vmem>>
        %scatter3A_878 = tpu.memref_squeeze %scatter3A_877 : memref<1x8192xf32, #tpu.memory_space<vmem>> -> memref<8192xf32, #tpu.memory_space<vmem>>
        tpu.vector_store_idx %scatter3A_878[%add3A_874], %gather3A_864 : memref<8192xf32, #tpu.memory_space<vmem>>[vector<16xi32>], vector<16xf32>,
        %gather3A_879 = tpu.vector_load_idx %arg6[%add3A_758, %broadcast_in_dim3A_19] : memref<1024x16xf32, #tpu.memory_space<vmem>>[vector<16xi32>, vector<16xi32>], vector<16xf32>,
        %mul3A_880 = arith.constant 8 : i32
        %mul3A_881 = arith.muli %add3A_262, %mul3A_880 : i32
        %add3A_882 = arith.constant 0 : i32
        %add3A_883 = arith.addi %mul3A_881, %add3A_882 : i32
        %mul3A_884 = arith.constant 128 : i32
        %mul3A_885 = arith.muli %add3A_883, %mul3A_884 : i32
        %add3A_886 = arith.constant 32 : i32
        %add3A_887 = arith.addi %mul3A_885, %add3A_886 : i32
        %add3A_888 = vector.broadcast %add3A_887 : i32 to vector<16xi32>
        %add3A_889 = arith.addi %add3A_888, %iota3A : vector<16xi32>
        %scatter3A_890 = arith.constant 1 : i32
        %scatter3A_891 = arith.constant 0 : i32
        %scatter3A_892 = tpu.memref_slice %arg7[%scatter3A_890, %scatter3A_891] : memref<2x8192xf32, #tpu.memory_space<vmem>> -> memref<1x8192xf32, #tpu.memory_space<vmem>>
        %scatter3A_893 = tpu.memref_squeeze %scatter3A_892 : memref<1x8192xf32, #tpu.memory_space<vmem>> -> memref<8192xf32, #tpu.memory_space<vmem>>
        tpu.vector_store_idx %scatter3A_893[%add3A_889], %gather3A_879 : memref<8192xf32, #tpu.memory_space<vmem>>[vector<16xi32>], vector<16xf32>,
        %gather3A_894 = tpu.vector_load_idx %arg6[%add3A_758, %broadcast_in_dim3A_21] : memref<1024x16xf32, #tpu.memory_space<vmem>>[vector<16xi32>, vector<16xi32>], vector<16xf32>,
        %mul3A_895 = arith.constant 8 : i32
        %mul3A_896 = arith.muli %add3A_262, %mul3A_895 : i32
        %add3A_897 = arith.constant 1 : i32
        %add3A_898 = arith.addi %mul3A_896, %add3A_897 : i32
        %mul3A_899 = arith.constant 128 : i32
        %mul3A_900 = arith.muli %add3A_898, %mul3A_899 : i32
        %add3A_901 = arith.constant 32 : i32
        %add3A_902 = arith.addi %mul3A_900, %add3A_901 : i32
        %add3A_903 = vector.broadcast %add3A_902 : i32 to vector<16xi32>
        %add3A_904 = arith.addi %add3A_903, %iota3A : vector<16xi32>
        %scatter3A_905 = arith.constant 1 : i32
        %scatter3A_906 = arith.constant 0 : i32
        %scatter3A_907 = tpu.memref_slice %arg7[%scatter3A_905, %scatter3A_906] : memref<2x8192xf32, #tpu.memory_space<vmem>> -> memref<1x8192xf32, #tpu.memory_space<vmem>>
        %scatter3A_908 = tpu.memref_squeeze %scatter3A_907 : memref<1x8192xf32, #tpu.memory_space<vmem>> -> memref<8192xf32, #tpu.memory_space<vmem>>
        tpu.vector_store_idx %scatter3A_908[%add3A_904], %gather3A_894 : memref<8192xf32, #tpu.memory_space<vmem>>[vector<16xi32>], vector<16xf32>,
        %gather3A_909 = tpu.vector_load_idx %arg6[%add3A_758, %broadcast_in_dim3A_23] : memref<1024x16xf32, #tpu.memory_space<vmem>>[vector<16xi32>, vector<16xi32>], vector<16xf32>,
        %mul3A_910 = arith.constant 8 : i32
        %mul3A_911 = arith.muli %add3A_262, %mul3A_910 : i32
        %add3A_912 = arith.constant 2 : i32
        %add3A_913 = arith.addi %mul3A_911, %add3A_912 : i32
        %mul3A_914 = arith.constant 128 : i32
        %mul3A_915 = arith.muli %add3A_913, %mul3A_914 : i32
        %add3A_916 = arith.constant 32 : i32
        %add3A_917 = arith.addi %mul3A_915, %add3A_916 : i32
        %add3A_918 = vector.broadcast %add3A_917 : i32 to vector<16xi32>
        %add3A_919 = arith.addi %add3A_918, %iota3A : vector<16xi32>
        %scatter3A_920 = arith.constant 1 : i32
        %scatter3A_921 = arith.constant 0 : i32
        %scatter3A_922 = tpu.memref_slice %arg7[%scatter3A_920, %scatter3A_921] : memref<2x8192xf32, #tpu.memory_space<vmem>> -> memref<1x8192xf32, #tpu.memory_space<vmem>>
        %scatter3A_923 = tpu.memref_squeeze %scatter3A_922 : memref<1x8192xf32, #tpu.memory_space<vmem>> -> memref<8192xf32, #tpu.memory_space<vmem>>
        tpu.vector_store_idx %scatter3A_923[%add3A_919], %gather3A_909 : memref<8192xf32, #tpu.memory_space<vmem>>[vector<16xi32>], vector<16xf32>,
        %gather3A_924 = tpu.vector_load_idx %arg6[%add3A_758, %broadcast_in_dim3A_25] : memref<1024x16xf32, #tpu.memory_space<vmem>>[vector<16xi32>, vector<16xi32>], vector<16xf32>,
        %mul3A_925 = arith.constant 8 : i32
        %mul3A_926 = arith.muli %add3A_262, %mul3A_925 : i32
        %add3A_927 = arith.constant 3 : i32
        %add3A_928 = arith.addi %mul3A_926, %add3A_927 : i32
        %mul3A_929 = arith.constant 128 : i32
        %mul3A_930 = arith.muli %add3A_928, %mul3A_929 : i32
        %add3A_931 = arith.constant 32 : i32
        %add3A_932 = arith.addi %mul3A_930, %add3A_931 : i32
        %add3A_933 = vector.broadcast %add3A_932 : i32 to vector<16xi32>
        %add3A_934 = arith.addi %add3A_933, %iota3A : vector<16xi32>
        %scatter3A_935 = arith.constant 1 : i32
        %scatter3A_936 = arith.constant 0 : i32
        %scatter3A_937 = tpu.memref_slice %arg7[%scatter3A_935, %scatter3A_936] : memref<2x8192xf32, #tpu.memory_space<vmem>> -> memref<1x8192xf32, #tpu.memory_space<vmem>>
        %scatter3A_938 = tpu.memref_squeeze %scatter3A_937 : memref<1x8192xf32, #tpu.memory_space<vmem>> -> memref<8192xf32, #tpu.memory_space<vmem>>
        tpu.vector_store_idx %scatter3A_938[%add3A_934], %gather3A_924 : memref<8192xf32, #tpu.memory_space<vmem>>[vector<16xi32>], vector<16xf32>,
        %gather3A_939 = tpu.vector_load_idx %arg6[%add3A_758, %broadcast_in_dim3A_27] : memref<1024x16xf32, #tpu.memory_space<vmem>>[vector<16xi32>, vector<16xi32>], vector<16xf32>,
        %mul3A_940 = arith.constant 8 : i32
        %mul3A_941 = arith.muli %add3A_262, %mul3A_940 : i32
        %add3A_942 = arith.constant 4 : i32
        %add3A_943 = arith.addi %mul3A_941, %add3A_942 : i32
        %mul3A_944 = arith.constant 128 : i32
        %mul3A_945 = arith.muli %add3A_943, %mul3A_944 : i32
        %add3A_946 = arith.constant 32 : i32
        %add3A_947 = arith.addi %mul3A_945, %add3A_946 : i32
        %add3A_948 = vector.broadcast %add3A_947 : i32 to vector<16xi32>
        %add3A_949 = arith.addi %add3A_948, %iota3A : vector<16xi32>
        %scatter3A_950 = arith.constant 1 : i32
        %scatter3A_951 = arith.constant 0 : i32
        %scatter3A_952 = tpu.memref_slice %arg7[%scatter3A_950, %scatter3A_951] : memref<2x8192xf32, #tpu.memory_space<vmem>> -> memref<1x8192xf32, #tpu.memory_space<vmem>>
        %scatter3A_953 = tpu.memref_squeeze %scatter3A_952 : memref<1x8192xf32, #tpu.memory_space<vmem>> -> memref<8192xf32, #tpu.memory_space<vmem>>
        tpu.vector_store_idx %scatter3A_953[%add3A_949], %gather3A_939 : memref<8192xf32, #tpu.memory_space<vmem>>[vector<16xi32>], vector<16xf32>,
        %gather3A_954 = tpu.vector_load_idx %arg6[%add3A_758, %broadcast_in_dim3A_29] : memref<1024x16xf32, #tpu.memory_space<vmem>>[vector<16xi32>, vector<16xi32>], vector<16xf32>,
        %mul3A_955 = arith.constant 8 : i32
        %mul3A_956 = arith.muli %add3A_262, %mul3A_955 : i32
        %add3A_957 = arith.constant 5 : i32
        %add3A_958 = arith.addi %mul3A_956, %add3A_957 : i32
        %mul3A_959 = arith.constant 128 : i32
        %mul3A_960 = arith.muli %add3A_958, %mul3A_959 : i32
        %add3A_961 = arith.constant 32 : i32
        %add3A_962 = arith.addi %mul3A_960, %add3A_961 : i32
        %add3A_963 = vector.broadcast %add3A_962 : i32 to vector<16xi32>
        %add3A_964 = arith.addi %add3A_963, %iota3A : vector<16xi32>
        %scatter3A_965 = arith.constant 1 : i32
        %scatter3A_966 = arith.constant 0 : i32
        %scatter3A_967 = tpu.memref_slice %arg7[%scatter3A_965, %scatter3A_966] : memref<2x8192xf32, #tpu.memory_space<vmem>> -> memref<1x8192xf32, #tpu.memory_space<vmem>>
        %scatter3A_968 = tpu.memref_squeeze %scatter3A_967 : memref<1x8192xf32, #tpu.memory_space<vmem>> -> memref<8192xf32, #tpu.memory_space<vmem>>
        tpu.vector_store_idx %scatter3A_968[%add3A_964], %gather3A_954 : memref<8192xf32, #tpu.memory_space<vmem>>[vector<16xi32>], vector<16xf32>,
        %gather3A_969 = tpu.vector_load_idx %arg6[%add3A_758, %broadcast_in_dim3A_31] : memref<1024x16xf32, #tpu.memory_space<vmem>>[vector<16xi32>, vector<16xi32>], vector<16xf32>,
        %mul3A_970 = arith.constant 8 : i32
        %mul3A_971 = arith.muli %add3A_262, %mul3A_970 : i32
        %add3A_972 = arith.constant 6 : i32
        %add3A_973 = arith.addi %mul3A_971, %add3A_972 : i32
        %mul3A_974 = arith.constant 128 : i32
        %mul3A_975 = arith.muli %add3A_973, %mul3A_974 : i32
        %add3A_976 = arith.constant 32 : i32
        %add3A_977 = arith.addi %mul3A_975, %add3A_976 : i32
        %add3A_978 = vector.broadcast %add3A_977 : i32 to vector<16xi32>
        %add3A_979 = arith.addi %add3A_978, %iota3A : vector<16xi32>
        %scatter3A_980 = arith.constant 1 : i32
        %scatter3A_981 = arith.constant 0 : i32
        %scatter3A_982 = tpu.memref_slice %arg7[%scatter3A_980, %scatter3A_981] : memref<2x8192xf32, #tpu.memory_space<vmem>> -> memref<1x8192xf32, #tpu.memory_space<vmem>>
        %scatter3A_983 = tpu.memref_squeeze %scatter3A_982 : memref<1x8192xf32, #tpu.memory_space<vmem>> -> memref<8192xf32, #tpu.memory_space<vmem>>
        tpu.vector_store_idx %scatter3A_983[%add3A_979], %gather3A_969 : memref<8192xf32, #tpu.memory_space<vmem>>[vector<16xi32>], vector<16xf32>,
        %gather3A_984 = tpu.vector_load_idx %arg6[%add3A_758, %broadcast_in_dim3A_33] : memref<1024x16xf32, #tpu.memory_space<vmem>>[vector<16xi32>, vector<16xi32>], vector<16xf32>,
        %mul3A_985 = arith.constant 8 : i32
        %mul3A_986 = arith.muli %add3A_262, %mul3A_985 : i32
        %add3A_987 = arith.constant 7 : i32
        %add3A_988 = arith.addi %mul3A_986, %add3A_987 : i32
        %mul3A_989 = arith.constant 128 : i32
        %mul3A_990 = arith.muli %add3A_988, %mul3A_989 : i32
        %add3A_991 = arith.constant 32 : i32
        %add3A_992 = arith.addi %mul3A_990, %add3A_991 : i32
        %add3A_993 = vector.broadcast %add3A_992 : i32 to vector<16xi32>
        %add3A_994 = arith.addi %add3A_993, %iota3A : vector<16xi32>
        %scatter3A_995 = arith.constant 1 : i32
        %scatter3A_996 = arith.constant 0 : i32
        %scatter3A_997 = tpu.memref_slice %arg7[%scatter3A_995, %scatter3A_996] : memref<2x8192xf32, #tpu.memory_space<vmem>> -> memref<1x8192xf32, #tpu.memory_space<vmem>>
        %scatter3A_998 = tpu.memref_squeeze %scatter3A_997 : memref<1x8192xf32, #tpu.memory_space<vmem>> -> memref<8192xf32, #tpu.memory_space<vmem>>
        tpu.vector_store_idx %scatter3A_998[%add3A_994], %gather3A_984 : memref<8192xf32, #tpu.memory_space<vmem>>[vector<16xi32>], vector<16xf32>,
        %mul3A_999 = arith.constant 128 : i32
        %mul3A_1000 = arith.muli %add3A_262, %mul3A_999 : i32
        %add3A_1001 = arith.constant 48 : i32
        %add3A_1002 = arith.addi %mul3A_1000, %add3A_1001 : i32
        %add3A_1003 = vector.broadcast %add3A_1002 : i32 to vector<16xi32>
        %add3A_1004 = arith.addi %add3A_1003, %iota3A : vector<16xi32>
        %gather3A_1005 = tpu.vector_load_idx %arg6[%add3A_1004, %broadcast_in_dim3A_3] : memref<1024x16xf32, #tpu.memory_space<vmem>>[vector<16xi32>, vector<16xi32>], vector<16xf32>,
        %mul3A_1006 = arith.constant 8 : i32
        %mul3A_1007 = arith.muli %add3A_262, %mul3A_1006 : i32
        %add3A_1008 = arith.constant 0 : i32
        %add3A_1009 = arith.addi %mul3A_1007, %add3A_1008 : i32
        %mul3A_1010 = arith.constant 128 : i32
        %mul3A_1011 = arith.muli %add3A_1009, %mul3A_1010 : i32
        %add3A_1012 = arith.constant 48 : i32
        %add3A_1013 = arith.addi %mul3A_1011, %add3A_1012 : i32
        %add3A_1014 = vector.broadcast %add3A_1013 : i32 to vector<16xi32>
        %add3A_1015 = arith.addi %add3A_1014, %iota3A : vector<16xi32>
        %scatter3A_1016 = arith.constant 0 : i32
        %scatter3A_1017 = arith.constant 0 : i32
        %scatter3A_1018 = tpu.memref_slice %arg7[%scatter3A_1016, %scatter3A_1017] : memref<2x8192xf32, #tpu.memory_space<vmem>> -> memref<1x8192xf32, #tpu.memory_space<vmem>>
        %scatter3A_1019 = tpu.memref_squeeze %scatter3A_1018 : memref<1x8192xf32, #tpu.memory_space<vmem>> -> memref<8192xf32, #tpu.memory_space<vmem>>
        tpu.vector_store_idx %scatter3A_1019[%add3A_1015], %gather3A_1005 : memref<8192xf32, #tpu.memory_space<vmem>>[vector<16xi32>], vector<16xf32>,
        %gather3A_1020 = tpu.vector_load_idx %arg6[%add3A_1004, %broadcast_in_dim3A_5] : memref<1024x16xf32, #tpu.memory_space<vmem>>[vector<16xi32>, vector<16xi32>], vector<16xf32>,
        %mul3A_1021 = arith.constant 8 : i32
        %mul3A_1022 = arith.muli %add3A_262, %mul3A_1021 : i32
        %add3A_1023 = arith.constant 1 : i32
        %add3A_1024 = arith.addi %mul3A_1022, %add3A_1023 : i32
        %mul3A_1025 = arith.constant 128 : i32
        %mul3A_1026 = arith.muli %add3A_1024, %mul3A_1025 : i32
        %add3A_1027 = arith.constant 48 : i32
        %add3A_1028 = arith.addi %mul3A_1026, %add3A_1027 : i32
        %add3A_1029 = vector.broadcast %add3A_1028 : i32 to vector<16xi32>
        %add3A_1030 = arith.addi %add3A_1029, %iota3A : vector<16xi32>
        %scatter3A_1031 = arith.constant 0 : i32
        %scatter3A_1032 = arith.constant 0 : i32
        %scatter3A_1033 = tpu.memref_slice %arg7[%scatter3A_1031, %scatter3A_1032] : memref<2x8192xf32, #tpu.memory_space<vmem>> -> memref<1x8192xf32, #tpu.memory_space<vmem>>
        %scatter3A_1034 = tpu.memref_squeeze %scatter3A_1033 : memref<1x8192xf32, #tpu.memory_space<vmem>> -> memref<8192xf32, #tpu.memory_space<vmem>>
        tpu.vector_store_idx %scatter3A_1034[%add3A_1030], %gather3A_1020 : memref<8192xf32, #tpu.memory_space<vmem>>[vector<16xi32>], vector<16xf32>,
        %gather3A_1035 = tpu.vector_load_idx %arg6[%add3A_1004, %broadcast_in_dim3A_7] : memref<1024x16xf32, #tpu.memory_space<vmem>>[vector<16xi32>, vector<16xi32>], vector<16xf32>,
        %mul3A_1036 = arith.constant 8 : i32
        %mul3A_1037 = arith.muli %add3A_262, %mul3A_1036 : i32
        %add3A_1038 = arith.constant 2 : i32
        %add3A_1039 = arith.addi %mul3A_1037, %add3A_1038 : i32
        %mul3A_1040 = arith.constant 128 : i32
        %mul3A_1041 = arith.muli %add3A_1039, %mul3A_1040 : i32
        %add3A_1042 = arith.constant 48 : i32
        %add3A_1043 = arith.addi %mul3A_1041, %add3A_1042 : i32
        %add3A_1044 = vector.broadcast %add3A_1043 : i32 to vector<16xi32>
        %add3A_1045 = arith.addi %add3A_1044, %iota3A : vector<16xi32>
        %scatter3A_1046 = arith.constant 0 : i32
        %scatter3A_1047 = arith.constant 0 : i32
        %scatter3A_1048 = tpu.memref_slice %arg7[%scatter3A_1046, %scatter3A_1047] : memref<2x8192xf32, #tpu.memory_space<vmem>> -> memref<1x8192xf32, #tpu.memory_space<vmem>>
        %scatter3A_1049 = tpu.memref_squeeze %scatter3A_1048 : memref<1x8192xf32, #tpu.memory_space<vmem>> -> memref<8192xf32, #tpu.memory_space<vmem>>
        tpu.vector_store_idx %scatter3A_1049[%add3A_1045], %gather3A_1035 : memref<8192xf32, #tpu.memory_space<vmem>>[vector<16xi32>], vector<16xf32>,
        %gather3A_1050 = tpu.vector_load_idx %arg6[%add3A_1004, %broadcast_in_dim3A_9] : memref<1024x16xf32, #tpu.memory_space<vmem>>[vector<16xi32>, vector<16xi32>], vector<16xf32>,
        %mul3A_1051 = arith.constant 8 : i32
        %mul3A_1052 = arith.muli %add3A_262, %mul3A_1051 : i32
        %add3A_1053 = arith.constant 3 : i32
        %add3A_1054 = arith.addi %mul3A_1052, %add3A_1053 : i32
        %mul3A_1055 = arith.constant 128 : i32
        %mul3A_1056 = arith.muli %add3A_1054, %mul3A_1055 : i32
        %add3A_1057 = arith.constant 48 : i32
        %add3A_1058 = arith.addi %mul3A_1056, %add3A_1057 : i32
        %add3A_1059 = vector.broadcast %add3A_1058 : i32 to vector<16xi32>
        %add3A_1060 = arith.addi %add3A_1059, %iota3A : vector<16xi32>
        %scatter3A_1061 = arith.constant 0 : i32
        %scatter3A_1062 = arith.constant 0 : i32
        %scatter3A_1063 = tpu.memref_slice %arg7[%scatter3A_1061, %scatter3A_1062] : memref<2x8192xf32, #tpu.memory_space<vmem>> -> memref<1x8192xf32, #tpu.memory_space<vmem>>
        %scatter3A_1064 = tpu.memref_squeeze %scatter3A_1063 : memref<1x8192xf32, #tpu.memory_space<vmem>> -> memref<8192xf32, #tpu.memory_space<vmem>>
        tpu.vector_store_idx %scatter3A_1064[%add3A_1060], %gather3A_1050 : memref<8192xf32, #tpu.memory_space<vmem>>[vector<16xi32>], vector<16xf32>,
        %gather3A_1065 = tpu.vector_load_idx %arg6[%add3A_1004, %broadcast_in_dim3A_11] : memref<1024x16xf32, #tpu.memory_space<vmem>>[vector<16xi32>, vector<16xi32>], vector<16xf32>,
        %mul3A_1066 = arith.constant 8 : i32
        %mul3A_1067 = arith.muli %add3A_262, %mul3A_1066 : i32
        %add3A_1068 = arith.constant 4 : i32
        %add3A_1069 = arith.addi %mul3A_1067, %add3A_1068 : i32
        %mul3A_1070 = arith.constant 128 : i32
        %mul3A_1071 = arith.muli %add3A_1069, %mul3A_1070 : i32
        %add3A_1072 = arith.constant 48 : i32
        %add3A_1073 = arith.addi %mul3A_1071, %add3A_1072 : i32
        %add3A_1074 = vector.broadcast %add3A_1073 : i32 to vector<16xi32>
        %add3A_1075 = arith.addi %add3A_1074, %iota3A : vector<16xi32>
        %scatter3A_1076 = arith.constant 0 : i32
        %scatter3A_1077 = arith.constant 0 : i32
        %scatter3A_1078 = tpu.memref_slice %arg7[%scatter3A_1076, %scatter3A_1077] : memref<2x8192xf32, #tpu.memory_space<vmem>> -> memref<1x8192xf32, #tpu.memory_space<vmem>>
        %scatter3A_1079 = tpu.memref_squeeze %scatter3A_1078 : memref<1x8192xf32, #tpu.memory_space<vmem>> -> memref<8192xf32, #tpu.memory_space<vmem>>
        tpu.vector_store_idx %scatter3A_1079[%add3A_1075], %gather3A_1065 : memref<8192xf32, #tpu.memory_space<vmem>>[vector<16xi32>], vector<16xf32>,
        %gather3A_1080 = tpu.vector_load_idx %arg6[%add3A_1004, %broadcast_in_dim3A_13] : memref<1024x16xf32, #tpu.memory_space<vmem>>[vector<16xi32>, vector<16xi32>], vector<16xf32>,
        %mul3A_1081 = arith.constant 8 : i32
        %mul3A_1082 = arith.muli %add3A_262, %mul3A_1081 : i32
        %add3A_1083 = arith.constant 5 : i32
        %add3A_1084 = arith.addi %mul3A_1082, %add3A_1083 : i32
        %mul3A_1085 = arith.constant 128 : i32
        %mul3A_1086 = arith.muli %add3A_1084, %mul3A_1085 : i32
        %add3A_1087 = arith.constant 48 : i32
        %add3A_1088 = arith.addi %mul3A_1086, %add3A_1087 : i32
        %add3A_1089 = vector.broadcast %add3A_1088 : i32 to vector<16xi32>
        %add3A_1090 = arith.addi %add3A_1089, %iota3A : vector<16xi32>
        %scatter3A_1091 = arith.constant 0 : i32
        %scatter3A_1092 = arith.constant 0 : i32
        %scatter3A_1093 = tpu.memref_slice %arg7[%scatter3A_1091, %scatter3A_1092] : memref<2x8192xf32, #tpu.memory_space<vmem>> -> memref<1x8192xf32, #tpu.memory_space<vmem>>
        %scatter3A_1094 = tpu.memref_squeeze %scatter3A_1093 : memref<1x8192xf32, #tpu.memory_space<vmem>> -> memref<8192xf32, #tpu.memory_space<vmem>>
        tpu.vector_store_idx %scatter3A_1094[%add3A_1090], %gather3A_1080 : memref<8192xf32, #tpu.memory_space<vmem>>[vector<16xi32>], vector<16xf32>,
        %gather3A_1095 = tpu.vector_load_idx %arg6[%add3A_1004, %broadcast_in_dim3A_15] : memref<1024x16xf32, #tpu.memory_space<vmem>>[vector<16xi32>, vector<16xi32>], vector<16xf32>,
        %mul3A_1096 = arith.constant 8 : i32
        %mul3A_1097 = arith.muli %add3A_262, %mul3A_1096 : i32
        %add3A_1098 = arith.constant 6 : i32
        %add3A_1099 = arith.addi %mul3A_1097, %add3A_1098 : i32
        %mul3A_1100 = arith.constant 128 : i32
        %mul3A_1101 = arith.muli %add3A_1099, %mul3A_1100 : i32
        %add3A_1102 = arith.constant 48 : i32
        %add3A_1103 = arith.addi %mul3A_1101, %add3A_1102 : i32
        %add3A_1104 = vector.broadcast %add3A_1103 : i32 to vector<16xi32>
        %add3A_1105 = arith.addi %add3A_1104, %iota3A : vector<16xi32>
        %scatter3A_1106 = arith.constant 0 : i32
        %scatter3A_1107 = arith.constant 0 : i32
        %scatter3A_1108 = tpu.memref_slice %arg7[%scatter3A_1106, %scatter3A_1107] : memref<2x8192xf32, #tpu.memory_space<vmem>> -> memref<1x8192xf32, #tpu.memory_space<vmem>>
        %scatter3A_1109 = tpu.memref_squeeze %scatter3A_1108 : memref<1x8192xf32, #tpu.memory_space<vmem>> -> memref<8192xf32, #tpu.memory_space<vmem>>
        tpu.vector_store_idx %scatter3A_1109[%add3A_1105], %gather3A_1095 : memref<8192xf32, #tpu.memory_space<vmem>>[vector<16xi32>], vector<16xf32>,
        %gather3A_1110 = tpu.vector_load_idx %arg6[%add3A_1004, %broadcast_in_dim3A_17] : memref<1024x16xf32, #tpu.memory_space<vmem>>[vector<16xi32>, vector<16xi32>], vector<16xf32>,
        %mul3A_1111 = arith.constant 8 : i32
        %mul3A_1112 = arith.muli %add3A_262, %mul3A_1111 : i32
        %add3A_1113 = arith.constant 7 : i32
        %add3A_1114 = arith.addi %mul3A_1112, %add3A_1113 : i32
        %mul3A_1115 = arith.constant 128 : i32
        %mul3A_1116 = arith.muli %add3A_1114, %mul3A_1115 : i32
        %add3A_1117 = arith.constant 48 : i32
        %add3A_1118 = arith.addi %mul3A_1116, %add3A_1117 : i32
        %add3A_1119 = vector.broadcast %add3A_1118 : i32 to vector<16xi32>
        %add3A_1120 = arith.addi %add3A_1119, %iota3A : vector<16xi32>
        %scatter3A_1121 = arith.constant 0 : i32
        %scatter3A_1122 = arith.constant 0 : i32
        %scatter3A_1123 = tpu.memref_slice %arg7[%scatter3A_1121, %scatter3A_1122] : memref<2x8192xf32, #tpu.memory_space<vmem>> -> memref<1x8192xf32, #tpu.memory_space<vmem>>
        %scatter3A_1124 = tpu.memref_squeeze %scatter3A_1123 : memref<1x8192xf32, #tpu.memory_space<vmem>> -> memref<8192xf32, #tpu.memory_space<vmem>>
        tpu.vector_store_idx %scatter3A_1124[%add3A_1120], %gather3A_1110 : memref<8192xf32, #tpu.memory_space<vmem>>[vector<16xi32>], vector<16xf32>,
        %gather3A_1125 = tpu.vector_load_idx %arg6[%add3A_1004, %broadcast_in_dim3A_19] : memref<1024x16xf32, #tpu.memory_space<vmem>>[vector<16xi32>, vector<16xi32>], vector<16xf32>,
        %mul3A_1126 = arith.constant 8 : i32
        %mul3A_1127 = arith.muli %add3A_262, %mul3A_1126 : i32
        %add3A_1128 = arith.constant 0 : i32
        %add3A_1129 = arith.addi %mul3A_1127, %add3A_1128 : i32
        %mul3A_1130 = arith.constant 128 : i32
        %mul3A_1131 = arith.muli %add3A_1129, %mul3A_1130 : i32
        %add3A_1132 = arith.constant 48 : i32
        %add3A_1133 = arith.addi %mul3A_1131, %add3A_1132 : i32
        %add3A_1134 = vector.broadcast %add3A_1133 : i32 to vector<16xi32>
        %add3A_1135 = arith.addi %add3A_1134, %iota3A : vector<16xi32>
        %scatter3A_1136 = arith.constant 1 : i32
        %scatter3A_1137 = arith.constant 0 : i32
        %scatter3A_1138 = tpu.memref_slice %arg7[%scatter3A_1136, %scatter3A_1137] : memref<2x8192xf32, #tpu.memory_space<vmem>> -> memref<1x8192xf32, #tpu.memory_space<vmem>>
        %scatter3A_1139 = tpu.memref_squeeze %scatter3A_1138 : memref<1x8192xf32, #tpu.memory_space<vmem>> -> memref<8192xf32, #tpu.memory_space<vmem>>
        tpu.vector_store_idx %scatter3A_1139[%add3A_1135], %gather3A_1125 : memref<8192xf32, #tpu.memory_space<vmem>>[vector<16xi32>], vector<16xf32>,
        %gather3A_1140 = tpu.vector_load_idx %arg6[%add3A_1004, %broadcast_in_dim3A_21] : memref<1024x16xf32, #tpu.memory_space<vmem>>[vector<16xi32>, vector<16xi32>], vector<16xf32>,
        %mul3A_1141 = arith.constant 8 : i32
        %mul3A_1142 = arith.muli %add3A_262, %mul3A_1141 : i32
        %add3A_1143 = arith.constant 1 : i32
        %add3A_1144 = arith.addi %mul3A_1142, %add3A_1143 : i32
        %mul3A_1145 = arith.constant 128 : i32
        %mul3A_1146 = arith.muli %add3A_1144, %mul3A_1145 : i32
        %add3A_1147 = arith.constant 48 : i32
        %add3A_1148 = arith.addi %mul3A_1146, %add3A_1147 : i32
        %add3A_1149 = vector.broadcast %add3A_1148 : i32 to vector<16xi32>
        %add3A_1150 = arith.addi %add3A_1149, %iota3A : vector<16xi32>
        %scatter3A_1151 = arith.constant 1 : i32
        %scatter3A_1152 = arith.constant 0 : i32
        %scatter3A_1153 = tpu.memref_slice %arg7[%scatter3A_1151, %scatter3A_1152] : memref<2x8192xf32, #tpu.memory_space<vmem>> -> memref<1x8192xf32, #tpu.memory_space<vmem>>
        %scatter3A_1154 = tpu.memref_squeeze %scatter3A_1153 : memref<1x8192xf32, #tpu.memory_space<vmem>> -> memref<8192xf32, #tpu.memory_space<vmem>>
        tpu.vector_store_idx %scatter3A_1154[%add3A_1150], %gather3A_1140 : memref<8192xf32, #tpu.memory_space<vmem>>[vector<16xi32>], vector<16xf32>,
        %gather3A_1155 = tpu.vector_load_idx %arg6[%add3A_1004, %broadcast_in_dim3A_23] : memref<1024x16xf32, #tpu.memory_space<vmem>>[vector<16xi32>, vector<16xi32>], vector<16xf32>,
        %mul3A_1156 = arith.constant 8 : i32
        %mul3A_1157 = arith.muli %add3A_262, %mul3A_1156 : i32
        %add3A_1158 = arith.constant 2 : i32
        %add3A_1159 = arith.addi %mul3A_1157, %add3A_1158 : i32
        %mul3A_1160 = arith.constant 128 : i32
        %mul3A_1161 = arith.muli %add3A_1159, %mul3A_1160 : i32
        %add3A_1162 = arith.constant 48 : i32
        %add3A_1163 = arith.addi %mul3A_1161, %add3A_1162 : i32
        %add3A_1164 = vector.broadcast %add3A_1163 : i32 to vector<16xi32>
        %add3A_1165 = arith.addi %add3A_1164, %iota3A : vector<16xi32>
        %scatter3A_1166 = arith.constant 1 : i32
        %scatter3A_1167 = arith.constant 0 : i32
        %scatter3A_1168 = tpu.memref_slice %arg7[%scatter3A_1166, %scatter3A_1167] : memref<2x8192xf32, #tpu.memory_space<vmem>> -> memref<1x8192xf32, #tpu.memory_space<vmem>>
        %scatter3A_1169 = tpu.memref_squeeze %scatter3A_1168 : memref<1x8192xf32, #tpu.memory_space<vmem>> -> memref<8192xf32, #tpu.memory_space<vmem>>
        tpu.vector_store_idx %scatter3A_1169[%add3A_1165], %gather3A_1155 : memref<8192xf32, #tpu.memory_space<vmem>>[vector<16xi32>], vector<16xf32>,
        %gather3A_1170 = tpu.vector_load_idx %arg6[%add3A_1004, %broadcast_in_dim3A_25] : memref<1024x16xf32, #tpu.memory_space<vmem>>[vector<16xi32>, vector<16xi32>], vector<16xf32>,
        %mul3A_1171 = arith.constant 8 : i32
        %mul3A_1172 = arith.muli %add3A_262, %mul3A_1171 : i32
        %add3A_1173 = arith.constant 3 : i32
        %add3A_1174 = arith.addi %mul3A_1172, %add3A_1173 : i32
        %mul3A_1175 = arith.constant 128 : i32
        %mul3A_1176 = arith.muli %add3A_1174, %mul3A_1175 : i32
        %add3A_1177 = arith.constant 48 : i32
        %add3A_1178 = arith.addi %mul3A_1176, %add3A_1177 : i32
        %add3A_1179 = vector.broadcast %add3A_1178 : i32 to vector<16xi32>
        %add3A_1180 = arith.addi %add3A_1179, %iota3A : vector<16xi32>
        %scatter3A_1181 = arith.constant 1 : i32
        %scatter3A_1182 = arith.constant 0 : i32
        %scatter3A_1183 = tpu.memref_slice %arg7[%scatter3A_1181, %scatter3A_1182] : memref<2x8192xf32, #tpu.memory_space<vmem>> -> memref<1x8192xf32, #tpu.memory_space<vmem>>
        %scatter3A_1184 = tpu.memref_squeeze %scatter3A_1183 : memref<1x8192xf32, #tpu.memory_space<vmem>> -> memref<8192xf32, #tpu.memory_space<vmem>>
        tpu.vector_store_idx %scatter3A_1184[%add3A_1180], %gather3A_1170 : memref<8192xf32, #tpu.memory_space<vmem>>[vector<16xi32>], vector<16xf32>,
        %gather3A_1185 = tpu.vector_load_idx %arg6[%add3A_1004, %broadcast_in_dim3A_27] : memref<1024x16xf32, #tpu.memory_space<vmem>>[vector<16xi32>, vector<16xi32>], vector<16xf32>,
        %mul3A_1186 = arith.constant 8 : i32
        %mul3A_1187 = arith.muli %add3A_262, %mul3A_1186 : i32
        %add3A_1188 = arith.constant 4 : i32
        %add3A_1189 = arith.addi %mul3A_1187, %add3A_1188 : i32
        %mul3A_1190 = arith.constant 128 : i32
        %mul3A_1191 = arith.muli %add3A_1189, %mul3A_1190 : i32
        %add3A_1192 = arith.constant 48 : i32
        %add3A_1193 = arith.addi %mul3A_1191, %add3A_1192 : i32
        %add3A_1194 = vector.broadcast %add3A_1193 : i32 to vector<16xi32>
        %add3A_1195 = arith.addi %add3A_1194, %iota3A : vector<16xi32>
        %scatter3A_1196 = arith.constant 1 : i32
        %scatter3A_1197 = arith.constant 0 : i32
        %scatter3A_1198 = tpu.memref_slice %arg7[%scatter3A_1196, %scatter3A_1197] : memref<2x8192xf32, #tpu.memory_space<vmem>> -> memref<1x8192xf32, #tpu.memory_space<vmem>>
        %scatter3A_1199 = tpu.memref_squeeze %scatter3A_1198 : memref<1x8192xf32, #tpu.memory_space<vmem>> -> memref<8192xf32, #tpu.memory_space<vmem>>
        tpu.vector_store_idx %scatter3A_1199[%add3A_1195], %gather3A_1185 : memref<8192xf32, #tpu.memory_space<vmem>>[vector<16xi32>], vector<16xf32>,
        %gather3A_1200 = tpu.vector_load_idx %arg6[%add3A_1004, %broadcast_in_dim3A_29] : memref<1024x16xf32, #tpu.memory_space<vmem>>[vector<16xi32>, vector<16xi32>], vector<16xf32>,
        %mul3A_1201 = arith.constant 8 : i32
        %mul3A_1202 = arith.muli %add3A_262, %mul3A_1201 : i32
        %add3A_1203 = arith.constant 5 : i32
        %add3A_1204 = arith.addi %mul3A_1202, %add3A_1203 : i32
        %mul3A_1205 = arith.constant 128 : i32
        %mul3A_1206 = arith.muli %add3A_1204, %mul3A_1205 : i32
        %add3A_1207 = arith.constant 48 : i32
        %add3A_1208 = arith.addi %mul3A_1206, %add3A_1207 : i32
        %add3A_1209 = vector.broadcast %add3A_1208 : i32 to vector<16xi32>
        %add3A_1210 = arith.addi %add3A_1209, %iota3A : vector<16xi32>
        %scatter3A_1211 = arith.constant 1 : i32
        %scatter3A_1212 = arith.constant 0 : i32
        %scatter3A_1213 = tpu.memref_slice %arg7[%scatter3A_1211, %scatter3A_1212] : memref<2x8192xf32, #tpu.memory_space<vmem>> -> memref<1x8192xf32, #tpu.memory_space<vmem>>
        %scatter3A_1214 = tpu.memref_squeeze %scatter3A_1213 : memref<1x8192xf32, #tpu.memory_space<vmem>> -> memref<8192xf32, #tpu.memory_space<vmem>>
        tpu.vector_store_idx %scatter3A_1214[%add3A_1210], %gather3A_1200 : memref<8192xf32, #tpu.memory_space<vmem>>[vector<16xi32>], vector<16xf32>,
        %gather3A_1215 = tpu.vector_load_idx %arg6[%add3A_1004, %broadcast_in_dim3A_31] : memref<1024x16xf32, #tpu.memory_space<vmem>>[vector<16xi32>, vector<16xi32>], vector<16xf32>,
        %mul3A_1216 = arith.constant 8 : i32
        %mul3A_1217 = arith.muli %add3A_262, %mul3A_1216 : i32
        %add3A_1218 = arith.constant 6 : i32
        %add3A_1219 = arith.addi %mul3A_1217, %add3A_1218 : i32
        %mul3A_1220 = arith.constant 128 : i32
        %mul3A_1221 = arith.muli %add3A_1219, %mul3A_1220 : i32
        %add3A_1222 = arith.constant 48 : i32
        %add3A_1223 = arith.addi %mul3A_1221, %add3A_1222 : i32
        %add3A_1224 = vector.broadcast %add3A_1223 : i32 to vector<16xi32>
        %add3A_1225 = arith.addi %add3A_1224, %iota3A : vector<16xi32>
        %scatter3A_1226 = arith.constant 1 : i32
        %scatter3A_1227 = arith.constant 0 : i32
        %scatter3A_1228 = tpu.memref_slice %arg7[%scatter3A_1226, %scatter3A_1227] : memref<2x8192xf32, #tpu.memory_space<vmem>> -> memref<1x8192xf32, #tpu.memory_space<vmem>>
        %scatter3A_1229 = tpu.memref_squeeze %scatter3A_1228 : memref<1x8192xf32, #tpu.memory_space<vmem>> -> memref<8192xf32, #tpu.memory_space<vmem>>
        tpu.vector_store_idx %scatter3A_1229[%add3A_1225], %gather3A_1215 : memref<8192xf32, #tpu.memory_space<vmem>>[vector<16xi32>], vector<16xf32>,
        %gather3A_1230 = tpu.vector_load_idx %arg6[%add3A_1004, %broadcast_in_dim3A_33] : memref<1024x16xf32, #tpu.memory_space<vmem>>[vector<16xi32>, vector<16xi32>], vector<16xf32>,
        %mul3A_1231 = arith.constant 8 : i32
        %mul3A_1232 = arith.muli %add3A_262, %mul3A_1231 : i32
        %add3A_1233 = arith.constant 7 : i32
        %add3A_1234 = arith.addi %mul3A_1232, %add3A_1233 : i32
        %mul3A_1235 = arith.constant 128 : i32
        %mul3A_1236 = arith.muli %add3A_1234, %mul3A_1235 : i32
        %add3A_1237 = arith.constant 48 : i32
        %add3A_1238 = arith.addi %mul3A_1236, %add3A_1237 : i32
        %add3A_1239 = vector.broadcast %add3A_1238 : i32 to vector<16xi32>
        %add3A_1240 = arith.addi %add3A_1239, %iota3A : vector<16xi32>
        %scatter3A_1241 = arith.constant 1 : i32
        %scatter3A_1242 = arith.constant 0 : i32
        %scatter3A_1243 = tpu.memref_slice %arg7[%scatter3A_1241, %scatter3A_1242] : memref<2x8192xf32, #tpu.memory_space<vmem>> -> memref<1x8192xf32, #tpu.memory_space<vmem>>
        %scatter3A_1244 = tpu.memref_squeeze %scatter3A_1243 : memref<1x8192xf32, #tpu.memory_space<vmem>> -> memref<8192xf32, #tpu.memory_space<vmem>>
        tpu.vector_store_idx %scatter3A_1244[%add3A_1240], %gather3A_1230 : memref<8192xf32, #tpu.memory_space<vmem>>[vector<16xi32>], vector<16xf32>,
        %mul3A_1245 = arith.constant 128 : i32
        %mul3A_1246 = arith.muli %add3A_262, %mul3A_1245 : i32
        %add3A_1247 = arith.constant 64 : i32
        %add3A_1248 = arith.addi %mul3A_1246, %add3A_1247 : i32
        %add3A_1249 = vector.broadcast %add3A_1248 : i32 to vector<16xi32>
        %add3A_1250 = arith.addi %add3A_1249, %iota3A : vector<16xi32>
        %gather3A_1251 = tpu.vector_load_idx %arg6[%add3A_1250, %broadcast_in_dim3A_3] : memref<1024x16xf32, #tpu.memory_space<vmem>>[vector<16xi32>, vector<16xi32>], vector<16xf32>,
        %mul3A_1252 = arith.constant 8 : i32
        %mul3A_1253 = arith.muli %add3A_262, %mul3A_1252 : i32
        %add3A_1254 = arith.constant 0 : i32
        %add3A_1255 = arith.addi %mul3A_1253, %add3A_1254 : i32
        %mul3A_1256 = arith.constant 128 : i32
        %mul3A_1257 = arith.muli %add3A_1255, %mul3A_1256 : i32
        %add3A_1258 = arith.constant 64 : i32
        %add3A_1259 = arith.addi %mul3A_1257, %add3A_1258 : i32
        %add3A_1260 = vector.broadcast %add3A_1259 : i32 to vector<16xi32>
        %add3A_1261 = arith.addi %add3A_1260, %iota3A : vector<16xi32>
        %scatter3A_1262 = arith.constant 0 : i32
        %scatter3A_1263 = arith.constant 0 : i32
        %scatter3A_1264 = tpu.memref_slice %arg7[%scatter3A_1262, %scatter3A_1263] : memref<2x8192xf32, #tpu.memory_space<vmem>> -> memref<1x8192xf32, #tpu.memory_space<vmem>>
        %scatter3A_1265 = tpu.memref_squeeze %scatter3A_1264 : memref<1x8192xf32, #tpu.memory_space<vmem>> -> memref<8192xf32, #tpu.memory_space<vmem>>
        tpu.vector_store_idx %scatter3A_1265[%add3A_1261], %gather3A_1251 : memref<8192xf32, #tpu.memory_space<vmem>>[vector<16xi32>], vector<16xf32>,
        %gather3A_1266 = tpu.vector_load_idx %arg6[%add3A_1250, %broadcast_in_dim3A_5] : memref<1024x16xf32, #tpu.memory_space<vmem>>[vector<16xi32>, vector<16xi32>], vector<16xf32>,
        %mul3A_1267 = arith.constant 8 : i32
        %mul3A_1268 = arith.muli %add3A_262, %mul3A_1267 : i32
        %add3A_1269 = arith.constant 1 : i32
        %add3A_1270 = arith.addi %mul3A_1268, %add3A_1269 : i32
        %mul3A_1271 = arith.constant 128 : i32
        %mul3A_1272 = arith.muli %add3A_1270, %mul3A_1271 : i32
        %add3A_1273 = arith.constant 64 : i32
        %add3A_1274 = arith.addi %mul3A_1272, %add3A_1273 : i32
        %add3A_1275 = vector.broadcast %add3A_1274 : i32 to vector<16xi32>
        %add3A_1276 = arith.addi %add3A_1275, %iota3A : vector<16xi32>
        %scatter3A_1277 = arith.constant 0 : i32
        %scatter3A_1278 = arith.constant 0 : i32
        %scatter3A_1279 = tpu.memref_slice %arg7[%scatter3A_1277, %scatter3A_1278] : memref<2x8192xf32, #tpu.memory_space<vmem>> -> memref<1x8192xf32, #tpu.memory_space<vmem>>
        %scatter3A_1280 = tpu.memref_squeeze %scatter3A_1279 : memref<1x8192xf32, #tpu.memory_space<vmem>> -> memref<8192xf32, #tpu.memory_space<vmem>>
        tpu.vector_store_idx %scatter3A_1280[%add3A_1276], %gather3A_1266 : memref<8192xf32, #tpu.memory_space<vmem>>[vector<16xi32>], vector<16xf32>,
        %gather3A_1281 = tpu.vector_load_idx %arg6[%add3A_1250, %broadcast_in_dim3A_7] : memref<1024x16xf32, #tpu.memory_space<vmem>>[vector<16xi32>, vector<16xi32>], vector<16xf32>,
        %mul3A_1282 = arith.constant 8 : i32
        %mul3A_1283 = arith.muli %add3A_262, %mul3A_1282 : i32
        %add3A_1284 = arith.constant 2 : i32
        %add3A_1285 = arith.addi %mul3A_1283, %add3A_1284 : i32
        %mul3A_1286 = arith.constant 128 : i32
        %mul3A_1287 = arith.muli %add3A_1285, %mul3A_1286 : i32
        %add3A_1288 = arith.constant 64 : i32
        %add3A_1289 = arith.addi %mul3A_1287, %add3A_1288 : i32
        %add3A_1290 = vector.broadcast %add3A_1289 : i32 to vector<16xi32>
        %add3A_1291 = arith.addi %add3A_1290, %iota3A : vector<16xi32>
        %scatter3A_1292 = arith.constant 0 : i32
        %scatter3A_1293 = arith.constant 0 : i32
        %scatter3A_1294 = tpu.memref_slice %arg7[%scatter3A_1292, %scatter3A_1293] : memref<2x8192xf32, #tpu.memory_space<vmem>> -> memref<1x8192xf32, #tpu.memory_space<vmem>>
        %scatter3A_1295 = tpu.memref_squeeze %scatter3A_1294 : memref<1x8192xf32, #tpu.memory_space<vmem>> -> memref<8192xf32, #tpu.memory_space<vmem>>
        tpu.vector_store_idx %scatter3A_1295[%add3A_1291], %gather3A_1281 : memref<8192xf32, #tpu.memory_space<vmem>>[vector<16xi32>], vector<16xf32>,
        %gather3A_1296 = tpu.vector_load_idx %arg6[%add3A_1250, %broadcast_in_dim3A_9] : memref<1024x16xf32, #tpu.memory_space<vmem>>[vector<16xi32>, vector<16xi32>], vector<16xf32>,
        %mul3A_1297 = arith.constant 8 : i32
        %mul3A_1298 = arith.muli %add3A_262, %mul3A_1297 : i32
        %add3A_1299 = arith.constant 3 : i32
        %add3A_1300 = arith.addi %mul3A_1298, %add3A_1299 : i32
        %mul3A_1301 = arith.constant 128 : i32
        %mul3A_1302 = arith.muli %add3A_1300, %mul3A_1301 : i32
        %add3A_1303 = arith.constant 64 : i32
        %add3A_1304 = arith.addi %mul3A_1302, %add3A_1303 : i32
        %add3A_1305 = vector.broadcast %add3A_1304 : i32 to vector<16xi32>
        %add3A_1306 = arith.addi %add3A_1305, %iota3A : vector<16xi32>
        %scatter3A_1307 = arith.constant 0 : i32
        %scatter3A_1308 = arith.constant 0 : i32
        %scatter3A_1309 = tpu.memref_slice %arg7[%scatter3A_1307, %scatter3A_1308] : memref<2x8192xf32, #tpu.memory_space<vmem>> -> memref<1x8192xf32, #tpu.memory_space<vmem>>
        %scatter3A_1310 = tpu.memref_squeeze %scatter3A_1309 : memref<1x8192xf32, #tpu.memory_space<vmem>> -> memref<8192xf32, #tpu.memory_space<vmem>>
        tpu.vector_store_idx %scatter3A_1310[%add3A_1306], %gather3A_1296 : memref<8192xf32, #tpu.memory_space<vmem>>[vector<16xi32>], vector<16xf32>,
        %gather3A_1311 = tpu.vector_load_idx %arg6[%add3A_1250, %broadcast_in_dim3A_11] : memref<1024x16xf32, #tpu.memory_space<vmem>>[vector<16xi32>, vector<16xi32>], vector<16xf32>,
        %mul3A_1312 = arith.constant 8 : i32
        %mul3A_1313 = arith.muli %add3A_262, %mul3A_1312 : i32
        %add3A_1314 = arith.constant 4 : i32
        %add3A_1315 = arith.addi %mul3A_1313, %add3A_1314 : i32
        %mul3A_1316 = arith.constant 128 : i32
        %mul3A_1317 = arith.muli %add3A_1315, %mul3A_1316 : i32
        %add3A_1318 = arith.constant 64 : i32
        %add3A_1319 = arith.addi %mul3A_1317, %add3A_1318 : i32
        %add3A_1320 = vector.broadcast %add3A_1319 : i32 to vector<16xi32>
        %add3A_1321 = arith.addi %add3A_1320, %iota3A : vector<16xi32>
        %scatter3A_1322 = arith.constant 0 : i32
        %scatter3A_1323 = arith.constant 0 : i32
        %scatter3A_1324 = tpu.memref_slice %arg7[%scatter3A_1322, %scatter3A_1323] : memref<2x8192xf32, #tpu.memory_space<vmem>> -> memref<1x8192xf32, #tpu.memory_space<vmem>>
        %scatter3A_1325 = tpu.memref_squeeze %scatter3A_1324 : memref<1x8192xf32, #tpu.memory_space<vmem>> -> memref<8192xf32, #tpu.memory_space<vmem>>
        tpu.vector_store_idx %scatter3A_1325[%add3A_1321], %gather3A_1311 : memref<8192xf32, #tpu.memory_space<vmem>>[vector<16xi32>], vector<16xf32>,
        %gather3A_1326 = tpu.vector_load_idx %arg6[%add3A_1250, %broadcast_in_dim3A_13] : memref<1024x16xf32, #tpu.memory_space<vmem>>[vector<16xi32>, vector<16xi32>], vector<16xf32>,
        %mul3A_1327 = arith.constant 8 : i32
        %mul3A_1328 = arith.muli %add3A_262, %mul3A_1327 : i32
        %add3A_1329 = arith.constant 5 : i32
        %add3A_1330 = arith.addi %mul3A_1328, %add3A_1329 : i32
        %mul3A_1331 = arith.constant 128 : i32
        %mul3A_1332 = arith.muli %add3A_1330, %mul3A_1331 : i32
        %add3A_1333 = arith.constant 64 : i32
        %add3A_1334 = arith.addi %mul3A_1332, %add3A_1333 : i32
        %add3A_1335 = vector.broadcast %add3A_1334 : i32 to vector<16xi32>
        %add3A_1336 = arith.addi %add3A_1335, %iota3A : vector<16xi32>
        %scatter3A_1337 = arith.constant 0 : i32
        %scatter3A_1338 = arith.constant 0 : i32
        %scatter3A_1339 = tpu.memref_slice %arg7[%scatter3A_1337, %scatter3A_1338] : memref<2x8192xf32, #tpu.memory_space<vmem>> -> memref<1x8192xf32, #tpu.memory_space<vmem>>
        %scatter3A_1340 = tpu.memref_squeeze %scatter3A_1339 : memref<1x8192xf32, #tpu.memory_space<vmem>> -> memref<8192xf32, #tpu.memory_space<vmem>>
        tpu.vector_store_idx %scatter3A_1340[%add3A_1336], %gather3A_1326 : memref<8192xf32, #tpu.memory_space<vmem>>[vector<16xi32>], vector<16xf32>,
        %gather3A_1341 = tpu.vector_load_idx %arg6[%add3A_1250, %broadcast_in_dim3A_15] : memref<1024x16xf32, #tpu.memory_space<vmem>>[vector<16xi32>, vector<16xi32>], vector<16xf32>,
        %mul3A_1342 = arith.constant 8 : i32
        %mul3A_1343 = arith.muli %add3A_262, %mul3A_1342 : i32
        %add3A_1344 = arith.constant 6 : i32
        %add3A_1345 = arith.addi %mul3A_1343, %add3A_1344 : i32
        %mul3A_1346 = arith.constant 128 : i32
        %mul3A_1347 = arith.muli %add3A_1345, %mul3A_1346 : i32
        %add3A_1348 = arith.constant 64 : i32
        %add3A_1349 = arith.addi %mul3A_1347, %add3A_1348 : i32
        %add3A_1350 = vector.broadcast %add3A_1349 : i32 to vector<16xi32>
        %add3A_1351 = arith.addi %add3A_1350, %iota3A : vector<16xi32>
        %scatter3A_1352 = arith.constant 0 : i32
        %scatter3A_1353 = arith.constant 0 : i32
        %scatter3A_1354 = tpu.memref_slice %arg7[%scatter3A_1352, %scatter3A_1353] : memref<2x8192xf32, #tpu.memory_space<vmem>> -> memref<1x8192xf32, #tpu.memory_space<vmem>>
        %scatter3A_1355 = tpu.memref_squeeze %scatter3A_1354 : memref<1x8192xf32, #tpu.memory_space<vmem>> -> memref<8192xf32, #tpu.memory_space<vmem>>
        tpu.vector_store_idx %scatter3A_1355[%add3A_1351], %gather3A_1341 : memref<8192xf32, #tpu.memory_space<vmem>>[vector<16xi32>], vector<16xf32>,
        %gather3A_1356 = tpu.vector_load_idx %arg6[%add3A_1250, %broadcast_in_dim3A_17] : memref<1024x16xf32, #tpu.memory_space<vmem>>[vector<16xi32>, vector<16xi32>], vector<16xf32>,
        %mul3A_1357 = arith.constant 8 : i32
        %mul3A_1358 = arith.muli %add3A_262, %mul3A_1357 : i32
        %add3A_1359 = arith.constant 7 : i32
        %add3A_1360 = arith.addi %mul3A_1358, %add3A_1359 : i32
        %mul3A_1361 = arith.constant 128 : i32
        %mul3A_1362 = arith.muli %add3A_1360, %mul3A_1361 : i32
        %add3A_1363 = arith.constant 64 : i32
        %add3A_1364 = arith.addi %mul3A_1362, %add3A_1363 : i32
        %add3A_1365 = vector.broadcast %add3A_1364 : i32 to vector<16xi32>
        %add3A_1366 = arith.addi %add3A_1365, %iota3A : vector<16xi32>
        %scatter3A_1367 = arith.constant 0 : i32
        %scatter3A_1368 = arith.constant 0 : i32
        %scatter3A_1369 = tpu.memref_slice %arg7[%scatter3A_1367, %scatter3A_1368] : memref<2x8192xf32, #tpu.memory_space<vmem>> -> memref<1x8192xf32, #tpu.memory_space<vmem>>
        %scatter3A_1370 = tpu.memref_squeeze %scatter3A_1369 : memref<1x8192xf32, #tpu.memory_space<vmem>> -> memref<8192xf32, #tpu.memory_space<vmem>>
        tpu.vector_store_idx %scatter3A_1370[%add3A_1366], %gather3A_1356 : memref<8192xf32, #tpu.memory_space<vmem>>[vector<16xi32>], vector<16xf32>,
        %gather3A_1371 = tpu.vector_load_idx %arg6[%add3A_1250, %broadcast_in_dim3A_19] : memref<1024x16xf32, #tpu.memory_space<vmem>>[vector<16xi32>, vector<16xi32>], vector<16xf32>,
        %mul3A_1372 = arith.constant 8 : i32
        %mul3A_1373 = arith.muli %add3A_262, %mul3A_1372 : i32
        %add3A_1374 = arith.constant 0 : i32
        %add3A_1375 = arith.addi %mul3A_1373, %add3A_1374 : i32
        %mul3A_1376 = arith.constant 128 : i32
        %mul3A_1377 = arith.muli %add3A_1375, %mul3A_1376 : i32
        %add3A_1378 = arith.constant 64 : i32
        %add3A_1379 = arith.addi %mul3A_1377, %add3A_1378 : i32
        %add3A_1380 = vector.broadcast %add3A_1379 : i32 to vector<16xi32>
        %add3A_1381 = arith.addi %add3A_1380, %iota3A : vector<16xi32>
        %scatter3A_1382 = arith.constant 1 : i32
        %scatter3A_1383 = arith.constant 0 : i32
        %scatter3A_1384 = tpu.memref_slice %arg7[%scatter3A_1382, %scatter3A_1383] : memref<2x8192xf32, #tpu.memory_space<vmem>> -> memref<1x8192xf32, #tpu.memory_space<vmem>>
        %scatter3A_1385 = tpu.memref_squeeze %scatter3A_1384 : memref<1x8192xf32, #tpu.memory_space<vmem>> -> memref<8192xf32, #tpu.memory_space<vmem>>
        tpu.vector_store_idx %scatter3A_1385[%add3A_1381], %gather3A_1371 : memref<8192xf32, #tpu.memory_space<vmem>>[vector<16xi32>], vector<16xf32>,
        %gather3A_1386 = tpu.vector_load_idx %arg6[%add3A_1250, %broadcast_in_dim3A_21] : memref<1024x16xf32, #tpu.memory_space<vmem>>[vector<16xi32>, vector<16xi32>], vector<16xf32>,
        %mul3A_1387 = arith.constant 8 : i32
        %mul3A_1388 = arith.muli %add3A_262, %mul3A_1387 : i32
        %add3A_1389 = arith.constant 1 : i32
        %add3A_1390 = arith.addi %mul3A_1388, %add3A_1389 : i32
        %mul3A_1391 = arith.constant 128 : i32
        %mul3A_1392 = arith.muli %add3A_1390, %mul3A_1391 : i32
        %add3A_1393 = arith.constant 64 : i32
        %add3A_1394 = arith.addi %mul3A_1392, %add3A_1393 : i32
        %add3A_1395 = vector.broadcast %add3A_1394 : i32 to vector<16xi32>
        %add3A_1396 = arith.addi %add3A_1395, %iota3A : vector<16xi32>
        %scatter3A_1397 = arith.constant 1 : i32
        %scatter3A_1398 = arith.constant 0 : i32
        %scatter3A_1399 = tpu.memref_slice %arg7[%scatter3A_1397, %scatter3A_1398] : memref<2x8192xf32, #tpu.memory_space<vmem>> -> memref<1x8192xf32, #tpu.memory_space<vmem>>
        %scatter3A_1400 = tpu.memref_squeeze %scatter3A_1399 : memref<1x8192xf32, #tpu.memory_space<vmem>> -> memref<8192xf32, #tpu.memory_space<vmem>>
        tpu.vector_store_idx %scatter3A_1400[%add3A_1396], %gather3A_1386 : memref<8192xf32, #tpu.memory_space<vmem>>[vector<16xi32>], vector<16xf32>,
        %gather3A_1401 = tpu.vector_load_idx %arg6[%add3A_1250, %broadcast_in_dim3A_23] : memref<1024x16xf32, #tpu.memory_space<vmem>>[vector<16xi32>, vector<16xi32>], vector<16xf32>,
        %mul3A_1402 = arith.constant 8 : i32
        %mul3A_1403 = arith.muli %add3A_262, %mul3A_1402 : i32
        %add3A_1404 = arith.constant 2 : i32
        %add3A_1405 = arith.addi %mul3A_1403, %add3A_1404 : i32
        %mul3A_1406 = arith.constant 128 : i32
        %mul3A_1407 = arith.muli %add3A_1405, %mul3A_1406 : i32
        %add3A_1408 = arith.constant 64 : i32
        %add3A_1409 = arith.addi %mul3A_1407, %add3A_1408 : i32
        %add3A_1410 = vector.broadcast %add3A_1409 : i32 to vector<16xi32>
        %add3A_1411 = arith.addi %add3A_1410, %iota3A : vector<16xi32>
        %scatter3A_1412 = arith.constant 1 : i32
        %scatter3A_1413 = arith.constant 0 : i32
        %scatter3A_1414 = tpu.memref_slice %arg7[%scatter3A_1412, %scatter3A_1413] : memref<2x8192xf32, #tpu.memory_space<vmem>> -> memref<1x8192xf32, #tpu.memory_space<vmem>>
        %scatter3A_1415 = tpu.memref_squeeze %scatter3A_1414 : memref<1x8192xf32, #tpu.memory_space<vmem>> -> memref<8192xf32, #tpu.memory_space<vmem>>
        tpu.vector_store_idx %scatter3A_1415[%add3A_1411], %gather3A_1401 : memref<8192xf32, #tpu.memory_space<vmem>>[vector<16xi32>], vector<16xf32>,
        %gather3A_1416 = tpu.vector_load_idx %arg6[%add3A_1250, %broadcast_in_dim3A_25] : memref<1024x16xf32, #tpu.memory_space<vmem>>[vector<16xi32>, vector<16xi32>], vector<16xf32>,
        %mul3A_1417 = arith.constant 8 : i32
        %mul3A_1418 = arith.muli %add3A_262, %mul3A_1417 : i32
        %add3A_1419 = arith.constant 3 : i32
        %add3A_1420 = arith.addi %mul3A_1418, %add3A_1419 : i32
        %mul3A_1421 = arith.constant 128 : i32
        %mul3A_1422 = arith.muli %add3A_1420, %mul3A_1421 : i32
        %add3A_1423 = arith.constant 64 : i32
        %add3A_1424 = arith.addi %mul3A_1422, %add3A_1423 : i32
        %add3A_1425 = vector.broadcast %add3A_1424 : i32 to vector<16xi32>
        %add3A_1426 = arith.addi %add3A_1425, %iota3A : vector<16xi32>
        %scatter3A_1427 = arith.constant 1 : i32
        %scatter3A_1428 = arith.constant 0 : i32
        %scatter3A_1429 = tpu.memref_slice %arg7[%scatter3A_1427, %scatter3A_1428] : memref<2x8192xf32, #tpu.memory_space<vmem>> -> memref<1x8192xf32, #tpu.memory_space<vmem>>
        %scatter3A_1430 = tpu.memref_squeeze %scatter3A_1429 : memref<1x8192xf32, #tpu.memory_space<vmem>> -> memref<8192xf32, #tpu.memory_space<vmem>>
        tpu.vector_store_idx %scatter3A_1430[%add3A_1426], %gather3A_1416 : memref<8192xf32, #tpu.memory_space<vmem>>[vector<16xi32>], vector<16xf32>,
        %gather3A_1431 = tpu.vector_load_idx %arg6[%add3A_1250, %broadcast_in_dim3A_27] : memref<1024x16xf32, #tpu.memory_space<vmem>>[vector<16xi32>, vector<16xi32>], vector<16xf32>,
        %mul3A_1432 = arith.constant 8 : i32
        %mul3A_1433 = arith.muli %add3A_262, %mul3A_1432 : i32
        %add3A_1434 = arith.constant 4 : i32
        %add3A_1435 = arith.addi %mul3A_1433, %add3A_1434 : i32
        %mul3A_1436 = arith.constant 128 : i32
        %mul3A_1437 = arith.muli %add3A_1435, %mul3A_1436 : i32
        %add3A_1438 = arith.constant 64 : i32
        %add3A_1439 = arith.addi %mul3A_1437, %add3A_1438 : i32
        %add3A_1440 = vector.broadcast %add3A_1439 : i32 to vector<16xi32>
        %add3A_1441 = arith.addi %add3A_1440, %iota3A : vector<16xi32>
        %scatter3A_1442 = arith.constant 1 : i32
        %scatter3A_1443 = arith.constant 0 : i32
        %scatter3A_1444 = tpu.memref_slice %arg7[%scatter3A_1442, %scatter3A_1443] : memref<2x8192xf32, #tpu.memory_space<vmem>> -> memref<1x8192xf32, #tpu.memory_space<vmem>>
        %scatter3A_1445 = tpu.memref_squeeze %scatter3A_1444 : memref<1x8192xf32, #tpu.memory_space<vmem>> -> memref<8192xf32, #tpu.memory_space<vmem>>
        tpu.vector_store_idx %scatter3A_1445[%add3A_1441], %gather3A_1431 : memref<8192xf32, #tpu.memory_space<vmem>>[vector<16xi32>], vector<16xf32>,
        %gather3A_1446 = tpu.vector_load_idx %arg6[%add3A_1250, %broadcast_in_dim3A_29] : memref<1024x16xf32, #tpu.memory_space<vmem>>[vector<16xi32>, vector<16xi32>], vector<16xf32>,
        %mul3A_1447 = arith.constant 8 : i32
        %mul3A_1448 = arith.muli %add3A_262, %mul3A_1447 : i32
        %add3A_1449 = arith.constant 5 : i32
        %add3A_1450 = arith.addi %mul3A_1448, %add3A_1449 : i32
        %mul3A_1451 = arith.constant 128 : i32
        %mul3A_1452 = arith.muli %add3A_1450, %mul3A_1451 : i32
        %add3A_1453 = arith.constant 64 : i32
        %add3A_1454 = arith.addi %mul3A_1452, %add3A_1453 : i32
        %add3A_1455 = vector.broadcast %add3A_1454 : i32 to vector<16xi32>
        %add3A_1456 = arith.addi %add3A_1455, %iota3A : vector<16xi32>
        %scatter3A_1457 = arith.constant 1 : i32
        %scatter3A_1458 = arith.constant 0 : i32
        %scatter3A_1459 = tpu.memref_slice %arg7[%scatter3A_1457, %scatter3A_1458] : memref<2x8192xf32, #tpu.memory_space<vmem>> -> memref<1x8192xf32, #tpu.memory_space<vmem>>
        %scatter3A_1460 = tpu.memref_squeeze %scatter3A_1459 : memref<1x8192xf32, #tpu.memory_space<vmem>> -> memref<8192xf32, #tpu.memory_space<vmem>>
        tpu.vector_store_idx %scatter3A_1460[%add3A_1456], %gather3A_1446 : memref<8192xf32, #tpu.memory_space<vmem>>[vector<16xi32>], vector<16xf32>,
        %gather3A_1461 = tpu.vector_load_idx %arg6[%add3A_1250, %broadcast_in_dim3A_31] : memref<1024x16xf32, #tpu.memory_space<vmem>>[vector<16xi32>, vector<16xi32>], vector<16xf32>,
        %mul3A_1462 = arith.constant 8 : i32
        %mul3A_1463 = arith.muli %add3A_262, %mul3A_1462 : i32
        %add3A_1464 = arith.constant 6 : i32
        %add3A_1465 = arith.addi %mul3A_1463, %add3A_1464 : i32
        %mul3A_1466 = arith.constant 128 : i32
        %mul3A_1467 = arith.muli %add3A_1465, %mul3A_1466 : i32
        %add3A_1468 = arith.constant 64 : i32
        %add3A_1469 = arith.addi %mul3A_1467, %add3A_1468 : i32
        %add3A_1470 = vector.broadcast %add3A_1469 : i32 to vector<16xi32>
        %add3A_1471 = arith.addi %add3A_1470, %iota3A : vector<16xi32>
        %scatter3A_1472 = arith.constant 1 : i32
        %scatter3A_1473 = arith.constant 0 : i32
        %scatter3A_1474 = tpu.memref_slice %arg7[%scatter3A_1472, %scatter3A_1473] : memref<2x8192xf32, #tpu.memory_space<vmem>> -> memref<1x8192xf32, #tpu.memory_space<vmem>>
        %scatter3A_1475 = tpu.memref_squeeze %scatter3A_1474 : memref<1x8192xf32, #tpu.memory_space<vmem>> -> memref<8192xf32, #tpu.memory_space<vmem>>
        tpu.vector_store_idx %scatter3A_1475[%add3A_1471], %gather3A_1461 : memref<8192xf32, #tpu.memory_space<vmem>>[vector<16xi32>], vector<16xf32>,
        %gather3A_1476 = tpu.vector_load_idx %arg6[%add3A_1250, %broadcast_in_dim3A_33] : memref<1024x16xf32, #tpu.memory_space<vmem>>[vector<16xi32>, vector<16xi32>], vector<16xf32>,
        %mul3A_1477 = arith.constant 8 : i32
        %mul3A_1478 = arith.muli %add3A_262, %mul3A_1477 : i32
        %add3A_1479 = arith.constant 7 : i32
        %add3A_1480 = arith.addi %mul3A_1478, %add3A_1479 : i32
        %mul3A_1481 = arith.constant 128 : i32
        %mul3A_1482 = arith.muli %add3A_1480, %mul3A_1481 : i32
        %add3A_1483 = arith.constant 64 : i32
        %add3A_1484 = arith.addi %mul3A_1482, %add3A_1483 : i32
        %add3A_1485 = vector.broadcast %add3A_1484 : i32 to vector<16xi32>
        %add3A_1486 = arith.addi %add3A_1485, %iota3A : vector<16xi32>
        %scatter3A_1487 = arith.constant 1 : i32
        %scatter3A_1488 = arith.constant 0 : i32
        %scatter3A_1489 = tpu.memref_slice %arg7[%scatter3A_1487, %scatter3A_1488] : memref<2x8192xf32, #tpu.memory_space<vmem>> -> memref<1x8192xf32, #tpu.memory_space<vmem>>
        %scatter3A_1490 = tpu.memref_squeeze %scatter3A_1489 : memref<1x8192xf32, #tpu.memory_space<vmem>> -> memref<8192xf32, #tpu.memory_space<vmem>>
        tpu.vector_store_idx %scatter3A_1490[%add3A_1486], %gather3A_1476 : memref<8192xf32, #tpu.memory_space<vmem>>[vector<16xi32>], vector<16xf32>,
        %mul3A_1491 = arith.constant 128 : i32
        %mul3A_1492 = arith.muli %add3A_262, %mul3A_1491 : i32
        %add3A_1493 = arith.constant 80 : i32
        %add3A_1494 = arith.addi %mul3A_1492, %add3A_1493 : i32
        %add3A_1495 = vector.broadcast %add3A_1494 : i32 to vector<16xi32>
        %add3A_1496 = arith.addi %add3A_1495, %iota3A : vector<16xi32>
        %gather3A_1497 = tpu.vector_load_idx %arg6[%add3A_1496, %broadcast_in_dim3A_3] : memref<1024x16xf32, #tpu.memory_space<vmem>>[vector<16xi32>, vector<16xi32>], vector<16xf32>,
        %mul3A_1498 = arith.constant 8 : i32
        %mul3A_1499 = arith.muli %add3A_262, %mul3A_1498 : i32
        %add3A_1500 = arith.constant 0 : i32
        %add3A_1501 = arith.addi %mul3A_1499, %add3A_1500 : i32
        %mul3A_1502 = arith.constant 128 : i32
        %mul3A_1503 = arith.muli %add3A_1501, %mul3A_1502 : i32
        %add3A_1504 = arith.constant 80 : i32
        %add3A_1505 = arith.addi %mul3A_1503, %add3A_1504 : i32
        %add3A_1506 = vector.broadcast %add3A_1505 : i32 to vector<16xi32>
        %add3A_1507 = arith.addi %add3A_1506, %iota3A : vector<16xi32>
        %scatter3A_1508 = arith.constant 0 : i32
        %scatter3A_1509 = arith.constant 0 : i32
        %scatter3A_1510 = tpu.memref_slice %arg7[%scatter3A_1508, %scatter3A_1509] : memref<2x8192xf32, #tpu.memory_space<vmem>> -> memref<1x8192xf32, #tpu.memory_space<vmem>>
        %scatter3A_1511 = tpu.memref_squeeze %scatter3A_1510 : memref<1x8192xf32, #tpu.memory_space<vmem>> -> memref<8192xf32, #tpu.memory_space<vmem>>
        tpu.vector_store_idx %scatter3A_1511[%add3A_1507], %gather3A_1497 : memref<8192xf32, #tpu.memory_space<vmem>>[vector<16xi32>], vector<16xf32>,
        %gather3A_1512 = tpu.vector_load_idx %arg6[%add3A_1496, %broadcast_in_dim3A_5] : memref<1024x16xf32, #tpu.memory_space<vmem>>[vector<16xi32>, vector<16xi32>], vector<16xf32>,
        %mul3A_1513 = arith.constant 8 : i32
        %mul3A_1514 = arith.muli %add3A_262, %mul3A_1513 : i32
        %add3A_1515 = arith.constant 1 : i32
        %add3A_1516 = arith.addi %mul3A_1514, %add3A_1515 : i32
        %mul3A_1517 = arith.constant 128 : i32
        %mul3A_1518 = arith.muli %add3A_1516, %mul3A_1517 : i32
        %add3A_1519 = arith.constant 80 : i32
        %add3A_1520 = arith.addi %mul3A_1518, %add3A_1519 : i32
        %add3A_1521 = vector.broadcast %add3A_1520 : i32 to vector<16xi32>
        %add3A_1522 = arith.addi %add3A_1521, %iota3A : vector<16xi32>
        %scatter3A_1523 = arith.constant 0 : i32
        %scatter3A_1524 = arith.constant 0 : i32
        %scatter3A_1525 = tpu.memref_slice %arg7[%scatter3A_1523, %scatter3A_1524] : memref<2x8192xf32, #tpu.memory_space<vmem>> -> memref<1x8192xf32, #tpu.memory_space<vmem>>
        %scatter3A_1526 = tpu.memref_squeeze %scatter3A_1525 : memref<1x8192xf32, #tpu.memory_space<vmem>> -> memref<8192xf32, #tpu.memory_space<vmem>>
        tpu.vector_store_idx %scatter3A_1526[%add3A_1522], %gather3A_1512 : memref<8192xf32, #tpu.memory_space<vmem>>[vector<16xi32>], vector<16xf32>,
        %gather3A_1527 = tpu.vector_load_idx %arg6[%add3A_1496, %broadcast_in_dim3A_7] : memref<1024x16xf32, #tpu.memory_space<vmem>>[vector<16xi32>, vector<16xi32>], vector<16xf32>,
        %mul3A_1528 = arith.constant 8 : i32
        %mul3A_1529 = arith.muli %add3A_262, %mul3A_1528 : i32
        %add3A_1530 = arith.constant 2 : i32
        %add3A_1531 = arith.addi %mul3A_1529, %add3A_1530 : i32
        %mul3A_1532 = arith.constant 128 : i32
        %mul3A_1533 = arith.muli %add3A_1531, %mul3A_1532 : i32
        %add3A_1534 = arith.constant 80 : i32
        %add3A_1535 = arith.addi %mul3A_1533, %add3A_1534 : i32
        %add3A_1536 = vector.broadcast %add3A_1535 : i32 to vector<16xi32>
        %add3A_1537 = arith.addi %add3A_1536, %iota3A : vector<16xi32>
        %scatter3A_1538 = arith.constant 0 : i32
        %scatter3A_1539 = arith.constant 0 : i32
        %scatter3A_1540 = tpu.memref_slice %arg7[%scatter3A_1538, %scatter3A_1539] : memref<2x8192xf32, #tpu.memory_space<vmem>> -> memref<1x8192xf32, #tpu.memory_space<vmem>>
        %scatter3A_1541 = tpu.memref_squeeze %scatter3A_1540 : memref<1x8192xf32, #tpu.memory_space<vmem>> -> memref<8192xf32, #tpu.memory_space<vmem>>
        tpu.vector_store_idx %scatter3A_1541[%add3A_1537], %gather3A_1527 : memref<8192xf32, #tpu.memory_space<vmem>>[vector<16xi32>], vector<16xf32>,
        %gather3A_1542 = tpu.vector_load_idx %arg6[%add3A_1496, %broadcast_in_dim3A_9] : memref<1024x16xf32, #tpu.memory_space<vmem>>[vector<16xi32>, vector<16xi32>], vector<16xf32>,
        %mul3A_1543 = arith.constant 8 : i32
        %mul3A_1544 = arith.muli %add3A_262, %mul3A_1543 : i32
        %add3A_1545 = arith.constant 3 : i32
        %add3A_1546 = arith.addi %mul3A_1544, %add3A_1545 : i32
        %mul3A_1547 = arith.constant 128 : i32
        %mul3A_1548 = arith.muli %add3A_1546, %mul3A_1547 : i32
        %add3A_1549 = arith.constant 80 : i32
        %add3A_1550 = arith.addi %mul3A_1548, %add3A_1549 : i32
        %add3A_1551 = vector.broadcast %add3A_1550 : i32 to vector<16xi32>
        %add3A_1552 = arith.addi %add3A_1551, %iota3A : vector<16xi32>
        %scatter3A_1553 = arith.constant 0 : i32
        %scatter3A_1554 = arith.constant 0 : i32
        %scatter3A_1555 = tpu.memref_slice %arg7[%scatter3A_1553, %scatter3A_1554] : memref<2x8192xf32, #tpu.memory_space<vmem>> -> memref<1x8192xf32, #tpu.memory_space<vmem>>
        %scatter3A_1556 = tpu.memref_squeeze %scatter3A_1555 : memref<1x8192xf32, #tpu.memory_space<vmem>> -> memref<8192xf32, #tpu.memory_space<vmem>>
        tpu.vector_store_idx %scatter3A_1556[%add3A_1552], %gather3A_1542 : memref<8192xf32, #tpu.memory_space<vmem>>[vector<16xi32>], vector<16xf32>,
        %gather3A_1557 = tpu.vector_load_idx %arg6[%add3A_1496, %broadcast_in_dim3A_11] : memref<1024x16xf32, #tpu.memory_space<vmem>>[vector<16xi32>, vector<16xi32>], vector<16xf32>,
        %mul3A_1558 = arith.constant 8 : i32
        %mul3A_1559 = arith.muli %add3A_262, %mul3A_1558 : i32
        %add3A_1560 = arith.constant 4 : i32
        %add3A_1561 = arith.addi %mul3A_1559, %add3A_1560 : i32
        %mul3A_1562 = arith.constant 128 : i32
        %mul3A_1563 = arith.muli %add3A_1561, %mul3A_1562 : i32
        %add3A_1564 = arith.constant 80 : i32
        %add3A_1565 = arith.addi %mul3A_1563, %add3A_1564 : i32
        %add3A_1566 = vector.broadcast %add3A_1565 : i32 to vector<16xi32>
        %add3A_1567 = arith.addi %add3A_1566, %iota3A : vector<16xi32>
        %scatter3A_1568 = arith.constant 0 : i32
        %scatter3A_1569 = arith.constant 0 : i32
        %scatter3A_1570 = tpu.memref_slice %arg7[%scatter3A_1568, %scatter3A_1569] : memref<2x8192xf32, #tpu.memory_space<vmem>> -> memref<1x8192xf32, #tpu.memory_space<vmem>>
        %scatter3A_1571 = tpu.memref_squeeze %scatter3A_1570 : memref<1x8192xf32, #tpu.memory_space<vmem>> -> memref<8192xf32, #tpu.memory_space<vmem>>
        tpu.vector_store_idx %scatter3A_1571[%add3A_1567], %gather3A_1557 : memref<8192xf32, #tpu.memory_space<vmem>>[vector<16xi32>], vector<16xf32>,
        %gather3A_1572 = tpu.vector_load_idx %arg6[%add3A_1496, %broadcast_in_dim3A_13] : memref<1024x16xf32, #tpu.memory_space<vmem>>[vector<16xi32>, vector<16xi32>], vector<16xf32>,
        %mul3A_1573 = arith.constant 8 : i32
        %mul3A_1574 = arith.muli %add3A_262, %mul3A_1573 : i32
        %add3A_1575 = arith.constant 5 : i32
        %add3A_1576 = arith.addi %mul3A_1574, %add3A_1575 : i32
        %mul3A_1577 = arith.constant 128 : i32
        %mul3A_1578 = arith.muli %add3A_1576, %mul3A_1577 : i32
        %add3A_1579 = arith.constant 80 : i32
        %add3A_1580 = arith.addi %mul3A_1578, %add3A_1579 : i32
        %add3A_1581 = vector.broadcast %add3A_1580 : i32 to vector<16xi32>
        %add3A_1582 = arith.addi %add3A_1581, %iota3A : vector<16xi32>
        %scatter3A_1583 = arith.constant 0 : i32
        %scatter3A_1584 = arith.constant 0 : i32
        %scatter3A_1585 = tpu.memref_slice %arg7[%scatter3A_1583, %scatter3A_1584] : memref<2x8192xf32, #tpu.memory_space<vmem>> -> memref<1x8192xf32, #tpu.memory_space<vmem>>
        %scatter3A_1586 = tpu.memref_squeeze %scatter3A_1585 : memref<1x8192xf32, #tpu.memory_space<vmem>> -> memref<8192xf32, #tpu.memory_space<vmem>>
        tpu.vector_store_idx %scatter3A_1586[%add3A_1582], %gather3A_1572 : memref<8192xf32, #tpu.memory_space<vmem>>[vector<16xi32>], vector<16xf32>,
        %gather3A_1587 = tpu.vector_load_idx %arg6[%add3A_1496, %broadcast_in_dim3A_15] : memref<1024x16xf32, #tpu.memory_space<vmem>>[vector<16xi32>, vector<16xi32>], vector<16xf32>,
        %mul3A_1588 = arith.constant 8 : i32
        %mul3A_1589 = arith.muli %add3A_262, %mul3A_1588 : i32
        %add3A_1590 = arith.constant 6 : i32
        %add3A_1591 = arith.addi %mul3A_1589, %add3A_1590 : i32
        %mul3A_1592 = arith.constant 128 : i32
        %mul3A_1593 = arith.muli %add3A_1591, %mul3A_1592 : i32
        %add3A_1594 = arith.constant 80 : i32
        %add3A_1595 = arith.addi %mul3A_1593, %add3A_1594 : i32
        %add3A_1596 = vector.broadcast %add3A_1595 : i32 to vector<16xi32>
        %add3A_1597 = arith.addi %add3A_1596, %iota3A : vector<16xi32>
        %scatter3A_1598 = arith.constant 0 : i32
        %scatter3A_1599 = arith.constant 0 : i32
        %scatter3A_1600 = tpu.memref_slice %arg7[%scatter3A_1598, %scatter3A_1599] : memref<2x8192xf32, #tpu.memory_space<vmem>> -> memref<1x8192xf32, #tpu.memory_space<vmem>>
        %scatter3A_1601 = tpu.memref_squeeze %scatter3A_1600 : memref<1x8192xf32, #tpu.memory_space<vmem>> -> memref<8192xf32, #tpu.memory_space<vmem>>
        tpu.vector_store_idx %scatter3A_1601[%add3A_1597], %gather3A_1587 : memref<8192xf32, #tpu.memory_space<vmem>>[vector<16xi32>], vector<16xf32>,
        %gather3A_1602 = tpu.vector_load_idx %arg6[%add3A_1496, %broadcast_in_dim3A_17] : memref<1024x16xf32, #tpu.memory_space<vmem>>[vector<16xi32>, vector<16xi32>], vector<16xf32>,
        %mul3A_1603 = arith.constant 8 : i32
        %mul3A_1604 = arith.muli %add3A_262, %mul3A_1603 : i32
        %add3A_1605 = arith.constant 7 : i32
        %add3A_1606 = arith.addi %mul3A_1604, %add3A_1605 : i32
        %mul3A_1607 = arith.constant 128 : i32
        %mul3A_1608 = arith.muli %add3A_1606, %mul3A_1607 : i32
        %add3A_1609 = arith.constant 80 : i32
        %add3A_1610 = arith.addi %mul3A_1608, %add3A_1609 : i32
        %add3A_1611 = vector.broadcast %add3A_1610 : i32 to vector<16xi32>
        %add3A_1612 = arith.addi %add3A_1611, %iota3A : vector<16xi32>
        %scatter3A_1613 = arith.constant 0 : i32
        %scatter3A_1614 = arith.constant 0 : i32
        %scatter3A_1615 = tpu.memref_slice %arg7[%scatter3A_1613, %scatter3A_1614] : memref<2x8192xf32, #tpu.memory_space<vmem>> -> memref<1x8192xf32, #tpu.memory_space<vmem>>
        %scatter3A_1616 = tpu.memref_squeeze %scatter3A_1615 : memref<1x8192xf32, #tpu.memory_space<vmem>> -> memref<8192xf32, #tpu.memory_space<vmem>>
        tpu.vector_store_idx %scatter3A_1616[%add3A_1612], %gather3A_1602 : memref<8192xf32, #tpu.memory_space<vmem>>[vector<16xi32>], vector<16xf32>,
        %gather3A_1617 = tpu.vector_load_idx %arg6[%add3A_1496, %broadcast_in_dim3A_19] : memref<1024x16xf32, #tpu.memory_space<vmem>>[vector<16xi32>, vector<16xi32>], vector<16xf32>,
        %mul3A_1618 = arith.constant 8 : i32
        %mul3A_1619 = arith.muli %add3A_262, %mul3A_1618 : i32
        %add3A_1620 = arith.constant 0 : i32
        %add3A_1621 = arith.addi %mul3A_1619, %add3A_1620 : i32
        %mul3A_1622 = arith.constant 128 : i32
        %mul3A_1623 = arith.muli %add3A_1621, %mul3A_1622 : i32
        %add3A_1624 = arith.constant 80 : i32
        %add3A_1625 = arith.addi %mul3A_1623, %add3A_1624 : i32
        %add3A_1626 = vector.broadcast %add3A_1625 : i32 to vector<16xi32>
        %add3A_1627 = arith.addi %add3A_1626, %iota3A : vector<16xi32>
        %scatter3A_1628 = arith.constant 1 : i32
        %scatter3A_1629 = arith.constant 0 : i32
        %scatter3A_1630 = tpu.memref_slice %arg7[%scatter3A_1628, %scatter3A_1629] : memref<2x8192xf32, #tpu.memory_space<vmem>> -> memref<1x8192xf32, #tpu.memory_space<vmem>>
        %scatter3A_1631 = tpu.memref_squeeze %scatter3A_1630 : memref<1x8192xf32, #tpu.memory_space<vmem>> -> memref<8192xf32, #tpu.memory_space<vmem>>
        tpu.vector_store_idx %scatter3A_1631[%add3A_1627], %gather3A_1617 : memref<8192xf32, #tpu.memory_space<vmem>>[vector<16xi32>], vector<16xf32>,
        %gather3A_1632 = tpu.vector_load_idx %arg6[%add3A_1496, %broadcast_in_dim3A_21] : memref<1024x16xf32, #tpu.memory_space<vmem>>[vector<16xi32>, vector<16xi32>], vector<16xf32>,
        %mul3A_1633 = arith.constant 8 : i32
        %mul3A_1634 = arith.muli %add3A_262, %mul3A_1633 : i32
        %add3A_1635 = arith.constant 1 : i32
        %add3A_1636 = arith.addi %mul3A_1634, %add3A_1635 : i32
        %mul3A_1637 = arith.constant 128 : i32
        %mul3A_1638 = arith.muli %add3A_1636, %mul3A_1637 : i32
        %add3A_1639 = arith.constant 80 : i32
        %add3A_1640 = arith.addi %mul3A_1638, %add3A_1639 : i32
        %add3A_1641 = vector.broadcast %add3A_1640 : i32 to vector<16xi32>
        %add3A_1642 = arith.addi %add3A_1641, %iota3A : vector<16xi32>
        %scatter3A_1643 = arith.constant 1 : i32
        %scatter3A_1644 = arith.constant 0 : i32
        %scatter3A_1645 = tpu.memref_slice %arg7[%scatter3A_1643, %scatter3A_1644] : memref<2x8192xf32, #tpu.memory_space<vmem>> -> memref<1x8192xf32, #tpu.memory_space<vmem>>
        %scatter3A_1646 = tpu.memref_squeeze %scatter3A_1645 : memref<1x8192xf32, #tpu.memory_space<vmem>> -> memref<8192xf32, #tpu.memory_space<vmem>>
        tpu.vector_store_idx %scatter3A_1646[%add3A_1642], %gather3A_1632 : memref<8192xf32, #tpu.memory_space<vmem>>[vector<16xi32>], vector<16xf32>,
        %gather3A_1647 = tpu.vector_load_idx %arg6[%add3A_1496, %broadcast_in_dim3A_23] : memref<1024x16xf32, #tpu.memory_space<vmem>>[vector<16xi32>, vector<16xi32>], vector<16xf32>,
        %mul3A_1648 = arith.constant 8 : i32
        %mul3A_1649 = arith.muli %add3A_262, %mul3A_1648 : i32
        %add3A_1650 = arith.constant 2 : i32
        %add3A_1651 = arith.addi %mul3A_1649, %add3A_1650 : i32
        %mul3A_1652 = arith.constant 128 : i32
        %mul3A_1653 = arith.muli %add3A_1651, %mul3A_1652 : i32
        %add3A_1654 = arith.constant 80 : i32
        %add3A_1655 = arith.addi %mul3A_1653, %add3A_1654 : i32
        %add3A_1656 = vector.broadcast %add3A_1655 : i32 to vector<16xi32>
        %add3A_1657 = arith.addi %add3A_1656, %iota3A : vector<16xi32>
        %scatter3A_1658 = arith.constant 1 : i32
        %scatter3A_1659 = arith.constant 0 : i32
        %scatter3A_1660 = tpu.memref_slice %arg7[%scatter3A_1658, %scatter3A_1659] : memref<2x8192xf32, #tpu.memory_space<vmem>> -> memref<1x8192xf32, #tpu.memory_space<vmem>>
        %scatter3A_1661 = tpu.memref_squeeze %scatter3A_1660 : memref<1x8192xf32, #tpu.memory_space<vmem>> -> memref<8192xf32, #tpu.memory_space<vmem>>
        tpu.vector_store_idx %scatter3A_1661[%add3A_1657], %gather3A_1647 : memref<8192xf32, #tpu.memory_space<vmem>>[vector<16xi32>], vector<16xf32>,
        %gather3A_1662 = tpu.vector_load_idx %arg6[%add3A_1496, %broadcast_in_dim3A_25] : memref<1024x16xf32, #tpu.memory_space<vmem>>[vector<16xi32>, vector<16xi32>], vector<16xf32>,
        %mul3A_1663 = arith.constant 8 : i32
        %mul3A_1664 = arith.muli %add3A_262, %mul3A_1663 : i32
        %add3A_1665 = arith.constant 3 : i32
        %add3A_1666 = arith.addi %mul3A_1664, %add3A_1665 : i32
        %mul3A_1667 = arith.constant 128 : i32
        %mul3A_1668 = arith.muli %add3A_1666, %mul3A_1667 : i32
        %add3A_1669 = arith.constant 80 : i32
        %add3A_1670 = arith.addi %mul3A_1668, %add3A_1669 : i32
        %add3A_1671 = vector.broadcast %add3A_1670 : i32 to vector<16xi32>
        %add3A_1672 = arith.addi %add3A_1671, %iota3A : vector<16xi32>
        %scatter3A_1673 = arith.constant 1 : i32
        %scatter3A_1674 = arith.constant 0 : i32
        %scatter3A_1675 = tpu.memref_slice %arg7[%scatter3A_1673, %scatter3A_1674] : memref<2x8192xf32, #tpu.memory_space<vmem>> -> memref<1x8192xf32, #tpu.memory_space<vmem>>
        %scatter3A_1676 = tpu.memref_squeeze %scatter3A_1675 : memref<1x8192xf32, #tpu.memory_space<vmem>> -> memref<8192xf32, #tpu.memory_space<vmem>>
        tpu.vector_store_idx %scatter3A_1676[%add3A_1672], %gather3A_1662 : memref<8192xf32, #tpu.memory_space<vmem>>[vector<16xi32>], vector<16xf32>,
        %gather3A_1677 = tpu.vector_load_idx %arg6[%add3A_1496, %broadcast_in_dim3A_27] : memref<1024x16xf32, #tpu.memory_space<vmem>>[vector<16xi32>, vector<16xi32>], vector<16xf32>,
        %mul3A_1678 = arith.constant 8 : i32
        %mul3A_1679 = arith.muli %add3A_262, %mul3A_1678 : i32
        %add3A_1680 = arith.constant 4 : i32
        %add3A_1681 = arith.addi %mul3A_1679, %add3A_1680 : i32
        %mul3A_1682 = arith.constant 128 : i32
        %mul3A_1683 = arith.muli %add3A_1681, %mul3A_1682 : i32
        %add3A_1684 = arith.constant 80 : i32
        %add3A_1685 = arith.addi %mul3A_1683, %add3A_1684 : i32
        %add3A_1686 = vector.broadcast %add3A_1685 : i32 to vector<16xi32>
        %add3A_1687 = arith.addi %add3A_1686, %iota3A : vector<16xi32>
        %scatter3A_1688 = arith.constant 1 : i32
        %scatter3A_1689 = arith.constant 0 : i32
        %scatter3A_1690 = tpu.memref_slice %arg7[%scatter3A_1688, %scatter3A_1689] : memref<2x8192xf32, #tpu.memory_space<vmem>> -> memref<1x8192xf32, #tpu.memory_space<vmem>>
        %scatter3A_1691 = tpu.memref_squeeze %scatter3A_1690 : memref<1x8192xf32, #tpu.memory_space<vmem>> -> memref<8192xf32, #tpu.memory_space<vmem>>
        tpu.vector_store_idx %scatter3A_1691[%add3A_1687], %gather3A_1677 : memref<8192xf32, #tpu.memory_space<vmem>>[vector<16xi32>], vector<16xf32>,
        %gather3A_1692 = tpu.vector_load_idx %arg6[%add3A_1496, %broadcast_in_dim3A_29] : memref<1024x16xf32, #tpu.memory_space<vmem>>[vector<16xi32>, vector<16xi32>], vector<16xf32>,
        %mul3A_1693 = arith.constant 8 : i32
        %mul3A_1694 = arith.muli %add3A_262, %mul3A_1693 : i32
        %add3A_1695 = arith.constant 5 : i32
        %add3A_1696 = arith.addi %mul3A_1694, %add3A_1695 : i32
        %mul3A_1697 = arith.constant 128 : i32
        %mul3A_1698 = arith.muli %add3A_1696, %mul3A_1697 : i32
        %add3A_1699 = arith.constant 80 : i32
        %add3A_1700 = arith.addi %mul3A_1698, %add3A_1699 : i32
        %add3A_1701 = vector.broadcast %add3A_1700 : i32 to vector<16xi32>
        %add3A_1702 = arith.addi %add3A_1701, %iota3A : vector<16xi32>
        %scatter3A_1703 = arith.constant 1 : i32
        %scatter3A_1704 = arith.constant 0 : i32
        %scatter3A_1705 = tpu.memref_slice %arg7[%scatter3A_1703, %scatter3A_1704] : memref<2x8192xf32, #tpu.memory_space<vmem>> -> memref<1x8192xf32, #tpu.memory_space<vmem>>
        %scatter3A_1706 = tpu.memref_squeeze %scatter3A_1705 : memref<1x8192xf32, #tpu.memory_space<vmem>> -> memref<8192xf32, #tpu.memory_space<vmem>>
        tpu.vector_store_idx %scatter3A_1706[%add3A_1702], %gather3A_1692 : memref<8192xf32, #tpu.memory_space<vmem>>[vector<16xi32>], vector<16xf32>,
        %gather3A_1707 = tpu.vector_load_idx %arg6[%add3A_1496, %broadcast_in_dim3A_31] : memref<1024x16xf32, #tpu.memory_space<vmem>>[vector<16xi32>, vector<16xi32>], vector<16xf32>,
        %mul3A_1708 = arith.constant 8 : i32
        %mul3A_1709 = arith.muli %add3A_262, %mul3A_1708 : i32
        %add3A_1710 = arith.constant 6 : i32
        %add3A_1711 = arith.addi %mul3A_1709, %add3A_1710 : i32
        %mul3A_1712 = arith.constant 128 : i32
        %mul3A_1713 = arith.muli %add3A_1711, %mul3A_1712 : i32
        %add3A_1714 = arith.constant 80 : i32
        %add3A_1715 = arith.addi %mul3A_1713, %add3A_1714 : i32
        %add3A_1716 = vector.broadcast %add3A_1715 : i32 to vector<16xi32>
        %add3A_1717 = arith.addi %add3A_1716, %iota3A : vector<16xi32>
        %scatter3A_1718 = arith.constant 1 : i32
        %scatter3A_1719 = arith.constant 0 : i32
        %scatter3A_1720 = tpu.memref_slice %arg7[%scatter3A_1718, %scatter3A_1719] : memref<2x8192xf32, #tpu.memory_space<vmem>> -> memref<1x8192xf32, #tpu.memory_space<vmem>>
        %scatter3A_1721 = tpu.memref_squeeze %scatter3A_1720 : memref<1x8192xf32, #tpu.memory_space<vmem>> -> memref<8192xf32, #tpu.memory_space<vmem>>
        tpu.vector_store_idx %scatter3A_1721[%add3A_1717], %gather3A_1707 : memref<8192xf32, #tpu.memory_space<vmem>>[vector<16xi32>], vector<16xf32>,
        %gather3A_1722 = tpu.vector_load_idx %arg6[%add3A_1496, %broadcast_in_dim3A_33] : memref<1024x16xf32, #tpu.memory_space<vmem>>[vector<16xi32>, vector<16xi32>], vector<16xf32>,
        %mul3A_1723 = arith.constant 8 : i32
        %mul3A_1724 = arith.muli %add3A_262, %mul3A_1723 : i32
        %add3A_1725 = arith.constant 7 : i32
        %add3A_1726 = arith.addi %mul3A_1724, %add3A_1725 : i32
        %mul3A_1727 = arith.constant 128 : i32
        %mul3A_1728 = arith.muli %add3A_1726, %mul3A_1727 : i32
        %add3A_1729 = arith.constant 80 : i32
        %add3A_1730 = arith.addi %mul3A_1728, %add3A_1729 : i32
        %add3A_1731 = vector.broadcast %add3A_1730 : i32 to vector<16xi32>
        %add3A_1732 = arith.addi %add3A_1731, %iota3A : vector<16xi32>
        %scatter3A_1733 = arith.constant 1 : i32
        %scatter3A_1734 = arith.constant 0 : i32
        %scatter3A_1735 = tpu.memref_slice %arg7[%scatter3A_1733, %scatter3A_1734] : memref<2x8192xf32, #tpu.memory_space<vmem>> -> memref<1x8192xf32, #tpu.memory_space<vmem>>
        %scatter3A_1736 = tpu.memref_squeeze %scatter3A_1735 : memref<1x8192xf32, #tpu.memory_space<vmem>> -> memref<8192xf32, #tpu.memory_space<vmem>>
        tpu.vector_store_idx %scatter3A_1736[%add3A_1732], %gather3A_1722 : memref<8192xf32, #tpu.memory_space<vmem>>[vector<16xi32>], vector<16xf32>,
        %mul3A_1737 = arith.constant 128 : i32
        %mul3A_1738 = arith.muli %add3A_262, %mul3A_1737 : i32
        %add3A_1739 = arith.constant 96 : i32
        %add3A_1740 = arith.addi %mul3A_1738, %add3A_1739 : i32
        %add3A_1741 = vector.broadcast %add3A_1740 : i32 to vector<16xi32>
        %add3A_1742 = arith.addi %add3A_1741, %iota3A : vector<16xi32>
        %gather3A_1743 = tpu.vector_load_idx %arg6[%add3A_1742, %broadcast_in_dim3A_3] : memref<1024x16xf32, #tpu.memory_space<vmem>>[vector<16xi32>, vector<16xi32>], vector<16xf32>,
        %mul3A_1744 = arith.constant 8 : i32
        %mul3A_1745 = arith.muli %add3A_262, %mul3A_1744 : i32
        %add3A_1746 = arith.constant 0 : i32
        %add3A_1747 = arith.addi %mul3A_1745, %add3A_1746 : i32
        %mul3A_1748 = arith.constant 128 : i32
        %mul3A_1749 = arith.muli %add3A_1747, %mul3A_1748 : i32
        %add3A_1750 = arith.constant 96 : i32
        %add3A_1751 = arith.addi %mul3A_1749, %add3A_1750 : i32
        %add3A_1752 = vector.broadcast %add3A_1751 : i32 to vector<16xi32>
        %add3A_1753 = arith.addi %add3A_1752, %iota3A : vector<16xi32>
        %scatter3A_1754 = arith.constant 0 : i32
        %scatter3A_1755 = arith.constant 0 : i32
        %scatter3A_1756 = tpu.memref_slice %arg7[%scatter3A_1754, %scatter3A_1755] : memref<2x8192xf32, #tpu.memory_space<vmem>> -> memref<1x8192xf32, #tpu.memory_space<vmem>>
        %scatter3A_1757 = tpu.memref_squeeze %scatter3A_1756 : memref<1x8192xf32, #tpu.memory_space<vmem>> -> memref<8192xf32, #tpu.memory_space<vmem>>
        tpu.vector_store_idx %scatter3A_1757[%add3A_1753], %gather3A_1743 : memref<8192xf32, #tpu.memory_space<vmem>>[vector<16xi32>], vector<16xf32>,
        %gather3A_1758 = tpu.vector_load_idx %arg6[%add3A_1742, %broadcast_in_dim3A_5] : memref<1024x16xf32, #tpu.memory_space<vmem>>[vector<16xi32>, vector<16xi32>], vector<16xf32>,
        %mul3A_1759 = arith.constant 8 : i32
        %mul3A_1760 = arith.muli %add3A_262, %mul3A_1759 : i32
        %add3A_1761 = arith.constant 1 : i32
        %add3A_1762 = arith.addi %mul3A_1760, %add3A_1761 : i32
        %mul3A_1763 = arith.constant 128 : i32
        %mul3A_1764 = arith.muli %add3A_1762, %mul3A_1763 : i32
        %add3A_1765 = arith.constant 96 : i32
        %add3A_1766 = arith.addi %mul3A_1764, %add3A_1765 : i32
        %add3A_1767 = vector.broadcast %add3A_1766 : i32 to vector<16xi32>
        %add3A_1768 = arith.addi %add3A_1767, %iota3A : vector<16xi32>
        %scatter3A_1769 = arith.constant 0 : i32
        %scatter3A_1770 = arith.constant 0 : i32
        %scatter3A_1771 = tpu.memref_slice %arg7[%scatter3A_1769, %scatter3A_1770] : memref<2x8192xf32, #tpu.memory_space<vmem>> -> memref<1x8192xf32, #tpu.memory_space<vmem>>
        %scatter3A_1772 = tpu.memref_squeeze %scatter3A_1771 : memref<1x8192xf32, #tpu.memory_space<vmem>> -> memref<8192xf32, #tpu.memory_space<vmem>>
        tpu.vector_store_idx %scatter3A_1772[%add3A_1768], %gather3A_1758 : memref<8192xf32, #tpu.memory_space<vmem>>[vector<16xi32>], vector<16xf32>,
        %gather3A_1773 = tpu.vector_load_idx %arg6[%add3A_1742, %broadcast_in_dim3A_7] : memref<1024x16xf32, #tpu.memory_space<vmem>>[vector<16xi32>, vector<16xi32>], vector<16xf32>,
        %mul3A_1774 = arith.constant 8 : i32
        %mul3A_1775 = arith.muli %add3A_262, %mul3A_1774 : i32
        %add3A_1776 = arith.constant 2 : i32
        %add3A_1777 = arith.addi %mul3A_1775, %add3A_1776 : i32
        %mul3A_1778 = arith.constant 128 : i32
        %mul3A_1779 = arith.muli %add3A_1777, %mul3A_1778 : i32
        %add3A_1780 = arith.constant 96 : i32
        %add3A_1781 = arith.addi %mul3A_1779, %add3A_1780 : i32
        %add3A_1782 = vector.broadcast %add3A_1781 : i32 to vector<16xi32>
        %add3A_1783 = arith.addi %add3A_1782, %iota3A : vector<16xi32>
        %scatter3A_1784 = arith.constant 0 : i32
        %scatter3A_1785 = arith.constant 0 : i32
        %scatter3A_1786 = tpu.memref_slice %arg7[%scatter3A_1784, %scatter3A_1785] : memref<2x8192xf32, #tpu.memory_space<vmem>> -> memref<1x8192xf32, #tpu.memory_space<vmem>>
        %scatter3A_1787 = tpu.memref_squeeze %scatter3A_1786 : memref<1x8192xf32, #tpu.memory_space<vmem>> -> memref<8192xf32, #tpu.memory_space<vmem>>
        tpu.vector_store_idx %scatter3A_1787[%add3A_1783], %gather3A_1773 : memref<8192xf32, #tpu.memory_space<vmem>>[vector<16xi32>], vector<16xf32>,
        %gather3A_1788 = tpu.vector_load_idx %arg6[%add3A_1742, %broadcast_in_dim3A_9] : memref<1024x16xf32, #tpu.memory_space<vmem>>[vector<16xi32>, vector<16xi32>], vector<16xf32>,
        %mul3A_1789 = arith.constant 8 : i32
        %mul3A_1790 = arith.muli %add3A_262, %mul3A_1789 : i32
        %add3A_1791 = arith.constant 3 : i32
        %add3A_1792 = arith.addi %mul3A_1790, %add3A_1791 : i32
        %mul3A_1793 = arith.constant 128 : i32
        %mul3A_1794 = arith.muli %add3A_1792, %mul3A_1793 : i32
        %add3A_1795 = arith.constant 96 : i32
        %add3A_1796 = arith.addi %mul3A_1794, %add3A_1795 : i32
        %add3A_1797 = vector.broadcast %add3A_1796 : i32 to vector<16xi32>
        %add3A_1798 = arith.addi %add3A_1797, %iota3A : vector<16xi32>
        %scatter3A_1799 = arith.constant 0 : i32
        %scatter3A_1800 = arith.constant 0 : i32
        %scatter3A_1801 = tpu.memref_slice %arg7[%scatter3A_1799, %scatter3A_1800] : memref<2x8192xf32, #tpu.memory_space<vmem>> -> memref<1x8192xf32, #tpu.memory_space<vmem>>
        %scatter3A_1802 = tpu.memref_squeeze %scatter3A_1801 : memref<1x8192xf32, #tpu.memory_space<vmem>> -> memref<8192xf32, #tpu.memory_space<vmem>>
        tpu.vector_store_idx %scatter3A_1802[%add3A_1798], %gather3A_1788 : memref<8192xf32, #tpu.memory_space<vmem>>[vector<16xi32>], vector<16xf32>,
        %gather3A_1803 = tpu.vector_load_idx %arg6[%add3A_1742, %broadcast_in_dim3A_11] : memref<1024x16xf32, #tpu.memory_space<vmem>>[vector<16xi32>, vector<16xi32>], vector<16xf32>,
        %mul3A_1804 = arith.constant 8 : i32
        %mul3A_1805 = arith.muli %add3A_262, %mul3A_1804 : i32
        %add3A_1806 = arith.constant 4 : i32
        %add3A_1807 = arith.addi %mul3A_1805, %add3A_1806 : i32
        %mul3A_1808 = arith.constant 128 : i32
        %mul3A_1809 = arith.muli %add3A_1807, %mul3A_1808 : i32
        %add3A_1810 = arith.constant 96 : i32
        %add3A_1811 = arith.addi %mul3A_1809, %add3A_1810 : i32
        %add3A_1812 = vector.broadcast %add3A_1811 : i32 to vector<16xi32>
        %add3A_1813 = arith.addi %add3A_1812, %iota3A : vector<16xi32>
        %scatter3A_1814 = arith.constant 0 : i32
        %scatter3A_1815 = arith.constant 0 : i32
        %scatter3A_1816 = tpu.memref_slice %arg7[%scatter3A_1814, %scatter3A_1815] : memref<2x8192xf32, #tpu.memory_space<vmem>> -> memref<1x8192xf32, #tpu.memory_space<vmem>>
        %scatter3A_1817 = tpu.memref_squeeze %scatter3A_1816 : memref<1x8192xf32, #tpu.memory_space<vmem>> -> memref<8192xf32, #tpu.memory_space<vmem>>
        tpu.vector_store_idx %scatter3A_1817[%add3A_1813], %gather3A_1803 : memref<8192xf32, #tpu.memory_space<vmem>>[vector<16xi32>], vector<16xf32>,
        %gather3A_1818 = tpu.vector_load_idx %arg6[%add3A_1742, %broadcast_in_dim3A_13] : memref<1024x16xf32, #tpu.memory_space<vmem>>[vector<16xi32>, vector<16xi32>], vector<16xf32>,
        %mul3A_1819 = arith.constant 8 : i32
        %mul3A_1820 = arith.muli %add3A_262, %mul3A_1819 : i32
        %add3A_1821 = arith.constant 5 : i32
        %add3A_1822 = arith.addi %mul3A_1820, %add3A_1821 : i32
        %mul3A_1823 = arith.constant 128 : i32
        %mul3A_1824 = arith.muli %add3A_1822, %mul3A_1823 : i32
        %add3A_1825 = arith.constant 96 : i32
        %add3A_1826 = arith.addi %mul3A_1824, %add3A_1825 : i32
        %add3A_1827 = vector.broadcast %add3A_1826 : i32 to vector<16xi32>
        %add3A_1828 = arith.addi %add3A_1827, %iota3A : vector<16xi32>
        %scatter3A_1829 = arith.constant 0 : i32
        %scatter3A_1830 = arith.constant 0 : i32
        %scatter3A_1831 = tpu.memref_slice %arg7[%scatter3A_1829, %scatter3A_1830] : memref<2x8192xf32, #tpu.memory_space<vmem>> -> memref<1x8192xf32, #tpu.memory_space<vmem>>
        %scatter3A_1832 = tpu.memref_squeeze %scatter3A_1831 : memref<1x8192xf32, #tpu.memory_space<vmem>> -> memref<8192xf32, #tpu.memory_space<vmem>>
        tpu.vector_store_idx %scatter3A_1832[%add3A_1828], %gather3A_1818 : memref<8192xf32, #tpu.memory_space<vmem>>[vector<16xi32>], vector<16xf32>,
        %gather3A_1833 = tpu.vector_load_idx %arg6[%add3A_1742, %broadcast_in_dim3A_15] : memref<1024x16xf32, #tpu.memory_space<vmem>>[vector<16xi32>, vector<16xi32>], vector<16xf32>,
        %mul3A_1834 = arith.constant 8 : i32
        %mul3A_1835 = arith.muli %add3A_262, %mul3A_1834 : i32
        %add3A_1836 = arith.constant 6 : i32
        %add3A_1837 = arith.addi %mul3A_1835, %add3A_1836 : i32
        %mul3A_1838 = arith.constant 128 : i32
        %mul3A_1839 = arith.muli %add3A_1837, %mul3A_1838 : i32
        %add3A_1840 = arith.constant 96 : i32
        %add3A_1841 = arith.addi %mul3A_1839, %add3A_1840 : i32
        %add3A_1842 = vector.broadcast %add3A_1841 : i32 to vector<16xi32>
        %add3A_1843 = arith.addi %add3A_1842, %iota3A : vector<16xi32>
        %scatter3A_1844 = arith.constant 0 : i32
        %scatter3A_1845 = arith.constant 0 : i32
        %scatter3A_1846 = tpu.memref_slice %arg7[%scatter3A_1844, %scatter3A_1845] : memref<2x8192xf32, #tpu.memory_space<vmem>> -> memref<1x8192xf32, #tpu.memory_space<vmem>>
        %scatter3A_1847 = tpu.memref_squeeze %scatter3A_1846 : memref<1x8192xf32, #tpu.memory_space<vmem>> -> memref<8192xf32, #tpu.memory_space<vmem>>
        tpu.vector_store_idx %scatter3A_1847[%add3A_1843], %gather3A_1833 : memref<8192xf32, #tpu.memory_space<vmem>>[vector<16xi32>], vector<16xf32>,
        %gather3A_1848 = tpu.vector_load_idx %arg6[%add3A_1742, %broadcast_in_dim3A_17] : memref<1024x16xf32, #tpu.memory_space<vmem>>[vector<16xi32>, vector<16xi32>], vector<16xf32>,
        %mul3A_1849 = arith.constant 8 : i32
        %mul3A_1850 = arith.muli %add3A_262, %mul3A_1849 : i32
        %add3A_1851 = arith.constant 7 : i32
        %add3A_1852 = arith.addi %mul3A_1850, %add3A_1851 : i32
        %mul3A_1853 = arith.constant 128 : i32
        %mul3A_1854 = arith.muli %add3A_1852, %mul3A_1853 : i32
        %add3A_1855 = arith.constant 96 : i32
        %add3A_1856 = arith.addi %mul3A_1854, %add3A_1855 : i32
        %add3A_1857 = vector.broadcast %add3A_1856 : i32 to vector<16xi32>
        %add3A_1858 = arith.addi %add3A_1857, %iota3A : vector<16xi32>
        %scatter3A_1859 = arith.constant 0 : i32
        %scatter3A_1860 = arith.constant 0 : i32
        %scatter3A_1861 = tpu.memref_slice %arg7[%scatter3A_1859, %scatter3A_1860] : memref<2x8192xf32, #tpu.memory_space<vmem>> -> memref<1x8192xf32, #tpu.memory_space<vmem>>
        %scatter3A_1862 = tpu.memref_squeeze %scatter3A_1861 : memref<1x8192xf32, #tpu.memory_space<vmem>> -> memref<8192xf32, #tpu.memory_space<vmem>>
        tpu.vector_store_idx %scatter3A_1862[%add3A_1858], %gather3A_1848 : memref<8192xf32, #tpu.memory_space<vmem>>[vector<16xi32>], vector<16xf32>,
        %gather3A_1863 = tpu.vector_load_idx %arg6[%add3A_1742, %broadcast_in_dim3A_19] : memref<1024x16xf32, #tpu.memory_space<vmem>>[vector<16xi32>, vector<16xi32>], vector<16xf32>,
        %mul3A_1864 = arith.constant 8 : i32
        %mul3A_1865 = arith.muli %add3A_262, %mul3A_1864 : i32
        %add3A_1866 = arith.constant 0 : i32
        %add3A_1867 = arith.addi %mul3A_1865, %add3A_1866 : i32
        %mul3A_1868 = arith.constant 128 : i32
        %mul3A_1869 = arith.muli %add3A_1867, %mul3A_1868 : i32
        %add3A_1870 = arith.constant 96 : i32
        %add3A_1871 = arith.addi %mul3A_1869, %add3A_1870 : i32
        %add3A_1872 = vector.broadcast %add3A_1871 : i32 to vector<16xi32>
        %add3A_1873 = arith.addi %add3A_1872, %iota3A : vector<16xi32>
        %scatter3A_1874 = arith.constant 1 : i32
        %scatter3A_1875 = arith.constant 0 : i32
        %scatter3A_1876 = tpu.memref_slice %arg7[%scatter3A_1874, %scatter3A_1875] : memref<2x8192xf32, #tpu.memory_space<vmem>> -> memref<1x8192xf32, #tpu.memory_space<vmem>>
        %scatter3A_1877 = tpu.memref_squeeze %scatter3A_1876 : memref<1x8192xf32, #tpu.memory_space<vmem>> -> memref<8192xf32, #tpu.memory_space<vmem>>
        tpu.vector_store_idx %scatter3A_1877[%add3A_1873], %gather3A_1863 : memref<8192xf32, #tpu.memory_space<vmem>>[vector<16xi32>], vector<16xf32>,
        %gather3A_1878 = tpu.vector_load_idx %arg6[%add3A_1742, %broadcast_in_dim3A_21] : memref<1024x16xf32, #tpu.memory_space<vmem>>[vector<16xi32>, vector<16xi32>], vector<16xf32>,
        %mul3A_1879 = arith.constant 8 : i32
        %mul3A_1880 = arith.muli %add3A_262, %mul3A_1879 : i32
        %add3A_1881 = arith.constant 1 : i32
        %add3A_1882 = arith.addi %mul3A_1880, %add3A_1881 : i32
        %mul3A_1883 = arith.constant 128 : i32
        %mul3A_1884 = arith.muli %add3A_1882, %mul3A_1883 : i32
        %add3A_1885 = arith.constant 96 : i32
        %add3A_1886 = arith.addi %mul3A_1884, %add3A_1885 : i32
        %add3A_1887 = vector.broadcast %add3A_1886 : i32 to vector<16xi32>
        %add3A_1888 = arith.addi %add3A_1887, %iota3A : vector<16xi32>
        %scatter3A_1889 = arith.constant 1 : i32
        %scatter3A_1890 = arith.constant 0 : i32
        %scatter3A_1891 = tpu.memref_slice %arg7[%scatter3A_1889, %scatter3A_1890] : memref<2x8192xf32, #tpu.memory_space<vmem>> -> memref<1x8192xf32, #tpu.memory_space<vmem>>
        %scatter3A_1892 = tpu.memref_squeeze %scatter3A_1891 : memref<1x8192xf32, #tpu.memory_space<vmem>> -> memref<8192xf32, #tpu.memory_space<vmem>>
        tpu.vector_store_idx %scatter3A_1892[%add3A_1888], %gather3A_1878 : memref<8192xf32, #tpu.memory_space<vmem>>[vector<16xi32>], vector<16xf32>,
        %gather3A_1893 = tpu.vector_load_idx %arg6[%add3A_1742, %broadcast_in_dim3A_23] : memref<1024x16xf32, #tpu.memory_space<vmem>>[vector<16xi32>, vector<16xi32>], vector<16xf32>,
        %mul3A_1894 = arith.constant 8 : i32
        %mul3A_1895 = arith.muli %add3A_262, %mul3A_1894 : i32
        %add3A_1896 = arith.constant 2 : i32
        %add3A_1897 = arith.addi %mul3A_1895, %add3A_1896 : i32
        %mul3A_1898 = arith.constant 128 : i32
        %mul3A_1899 = arith.muli %add3A_1897, %mul3A_1898 : i32
        %add3A_1900 = arith.constant 96 : i32
        %add3A_1901 = arith.addi %mul3A_1899, %add3A_1900 : i32
        %add3A_1902 = vector.broadcast %add3A_1901 : i32 to vector<16xi32>
        %add3A_1903 = arith.addi %add3A_1902, %iota3A : vector<16xi32>
        %scatter3A_1904 = arith.constant 1 : i32
        %scatter3A_1905 = arith.constant 0 : i32
        %scatter3A_1906 = tpu.memref_slice %arg7[%scatter3A_1904, %scatter3A_1905] : memref<2x8192xf32, #tpu.memory_space<vmem>> -> memref<1x8192xf32, #tpu.memory_space<vmem>>
        %scatter3A_1907 = tpu.memref_squeeze %scatter3A_1906 : memref<1x8192xf32, #tpu.memory_space<vmem>> -> memref<8192xf32, #tpu.memory_space<vmem>>
        tpu.vector_store_idx %scatter3A_1907[%add3A_1903], %gather3A_1893 : memref<8192xf32, #tpu.memory_space<vmem>>[vector<16xi32>], vector<16xf32>,
        %gather3A_1908 = tpu.vector_load_idx %arg6[%add3A_1742, %broadcast_in_dim3A_25] : memref<1024x16xf32, #tpu.memory_space<vmem>>[vector<16xi32>, vector<16xi32>], vector<16xf32>,
        %mul3A_1909 = arith.constant 8 : i32
        %mul3A_1910 = arith.muli %add3A_262, %mul3A_1909 : i32
        %add3A_1911 = arith.constant 3 : i32
        %add3A_1912 = arith.addi %mul3A_1910, %add3A_1911 : i32
        %mul3A_1913 = arith.constant 128 : i32
        %mul3A_1914 = arith.muli %add3A_1912, %mul3A_1913 : i32
        %add3A_1915 = arith.constant 96 : i32
        %add3A_1916 = arith.addi %mul3A_1914, %add3A_1915 : i32
        %add3A_1917 = vector.broadcast %add3A_1916 : i32 to vector<16xi32>
        %add3A_1918 = arith.addi %add3A_1917, %iota3A : vector<16xi32>
        %scatter3A_1919 = arith.constant 1 : i32
        %scatter3A_1920 = arith.constant 0 : i32
        %scatter3A_1921 = tpu.memref_slice %arg7[%scatter3A_1919, %scatter3A_1920] : memref<2x8192xf32, #tpu.memory_space<vmem>> -> memref<1x8192xf32, #tpu.memory_space<vmem>>
        %scatter3A_1922 = tpu.memref_squeeze %scatter3A_1921 : memref<1x8192xf32, #tpu.memory_space<vmem>> -> memref<8192xf32, #tpu.memory_space<vmem>>
        tpu.vector_store_idx %scatter3A_1922[%add3A_1918], %gather3A_1908 : memref<8192xf32, #tpu.memory_space<vmem>>[vector<16xi32>], vector<16xf32>,
        %gather3A_1923 = tpu.vector_load_idx %arg6[%add3A_1742, %broadcast_in_dim3A_27] : memref<1024x16xf32, #tpu.memory_space<vmem>>[vector<16xi32>, vector<16xi32>], vector<16xf32>,
        %mul3A_1924 = arith.constant 8 : i32
        %mul3A_1925 = arith.muli %add3A_262, %mul3A_1924 : i32
        %add3A_1926 = arith.constant 4 : i32
        %add3A_1927 = arith.addi %mul3A_1925, %add3A_1926 : i32
        %mul3A_1928 = arith.constant 128 : i32
        %mul3A_1929 = arith.muli %add3A_1927, %mul3A_1928 : i32
        %add3A_1930 = arith.constant 96 : i32
        %add3A_1931 = arith.addi %mul3A_1929, %add3A_1930 : i32
        %add3A_1932 = vector.broadcast %add3A_1931 : i32 to vector<16xi32>
        %add3A_1933 = arith.addi %add3A_1932, %iota3A : vector<16xi32>
        %scatter3A_1934 = arith.constant 1 : i32
        %scatter3A_1935 = arith.constant 0 : i32
        %scatter3A_1936 = tpu.memref_slice %arg7[%scatter3A_1934, %scatter3A_1935] : memref<2x8192xf32, #tpu.memory_space<vmem>> -> memref<1x8192xf32, #tpu.memory_space<vmem>>
        %scatter3A_1937 = tpu.memref_squeeze %scatter3A_1936 : memref<1x8192xf32, #tpu.memory_space<vmem>> -> memref<8192xf32, #tpu.memory_space<vmem>>
        tpu.vector_store_idx %scatter3A_1937[%add3A_1933], %gather3A_1923 : memref<8192xf32, #tpu.memory_space<vmem>>[vector<16xi32>], vector<16xf32>,
        %gather3A_1938 = tpu.vector_load_idx %arg6[%add3A_1742, %broadcast_in_dim3A_29] : memref<1024x16xf32, #tpu.memory_space<vmem>>[vector<16xi32>, vector<16xi32>], vector<16xf32>,
        %mul3A_1939 = arith.constant 8 : i32
        %mul3A_1940 = arith.muli %add3A_262, %mul3A_1939 : i32
        %add3A_1941 = arith.constant 5 : i32
        %add3A_1942 = arith.addi %mul3A_1940, %add3A_1941 : i32
        %mul3A_1943 = arith.constant 128 : i32
        %mul3A_1944 = arith.muli %add3A_1942, %mul3A_1943 : i32
        %add3A_1945 = arith.constant 96 : i32
        %add3A_1946 = arith.addi %mul3A_1944, %add3A_1945 : i32
        %add3A_1947 = vector.broadcast %add3A_1946 : i32 to vector<16xi32>
        %add3A_1948 = arith.addi %add3A_1947, %iota3A : vector<16xi32>
        %scatter3A_1949 = arith.constant 1 : i32
        %scatter3A_1950 = arith.constant 0 : i32
        %scatter3A_1951 = tpu.memref_slice %arg7[%scatter3A_1949, %scatter3A_1950] : memref<2x8192xf32, #tpu.memory_space<vmem>> -> memref<1x8192xf32, #tpu.memory_space<vmem>>
        %scatter3A_1952 = tpu.memref_squeeze %scatter3A_1951 : memref<1x8192xf32, #tpu.memory_space<vmem>> -> memref<8192xf32, #tpu.memory_space<vmem>>
        tpu.vector_store_idx %scatter3A_1952[%add3A_1948], %gather3A_1938 : memref<8192xf32, #tpu.memory_space<vmem>>[vector<16xi32>], vector<16xf32>,
        %gather3A_1953 = tpu.vector_load_idx %arg6[%add3A_1742, %broadcast_in_dim3A_31] : memref<1024x16xf32, #tpu.memory_space<vmem>>[vector<16xi32>, vector<16xi32>], vector<16xf32>,
        %mul3A_1954 = arith.constant 8 : i32
        %mul3A_1955 = arith.muli %add3A_262, %mul3A_1954 : i32
        %add3A_1956 = arith.constant 6 : i32
        %add3A_1957 = arith.addi %mul3A_1955, %add3A_1956 : i32
        %mul3A_1958 = arith.constant 128 : i32
        %mul3A_1959 = arith.muli %add3A_1957, %mul3A_1958 : i32
        %add3A_1960 = arith.constant 96 : i32
        %add3A_1961 = arith.addi %mul3A_1959, %add3A_1960 : i32
        %add3A_1962 = vector.broadcast %add3A_1961 : i32 to vector<16xi32>
        %add3A_1963 = arith.addi %add3A_1962, %iota3A : vector<16xi32>
        %scatter3A_1964 = arith.constant 1 : i32
        %scatter3A_1965 = arith.constant 0 : i32
        %scatter3A_1966 = tpu.memref_slice %arg7[%scatter3A_1964, %scatter3A_1965] : memref<2x8192xf32, #tpu.memory_space<vmem>> -> memref<1x8192xf32, #tpu.memory_space<vmem>>
        %scatter3A_1967 = tpu.memref_squeeze %scatter3A_1966 : memref<1x8192xf32, #tpu.memory_space<vmem>> -> memref<8192xf32, #tpu.memory_space<vmem>>
        tpu.vector_store_idx %scatter3A_1967[%add3A_1963], %gather3A_1953 : memref<8192xf32, #tpu.memory_space<vmem>>[vector<16xi32>], vector<16xf32>,
        %gather3A_1968 = tpu.vector_load_idx %arg6[%add3A_1742, %broadcast_in_dim3A_33] : memref<1024x16xf32, #tpu.memory_space<vmem>>[vector<16xi32>, vector<16xi32>], vector<16xf32>,
        %mul3A_1969 = arith.constant 8 : i32
        %mul3A_1970 = arith.muli %add3A_262, %mul3A_1969 : i32
        %add3A_1971 = arith.constant 7 : i32
        %add3A_1972 = arith.addi %mul3A_1970, %add3A_1971 : i32
        %mul3A_1973 = arith.constant 128 : i32
        %mul3A_1974 = arith.muli %add3A_1972, %mul3A_1973 : i32
        %add3A_1975 = arith.constant 96 : i32
        %add3A_1976 = arith.addi %mul3A_1974, %add3A_1975 : i32
        %add3A_1977 = vector.broadcast %add3A_1976 : i32 to vector<16xi32>
        %add3A_1978 = arith.addi %add3A_1977, %iota3A : vector<16xi32>
        %scatter3A_1979 = arith.constant 1 : i32
        %scatter3A_1980 = arith.constant 0 : i32
        %scatter3A_1981 = tpu.memref_slice %arg7[%scatter3A_1979, %scatter3A_1980] : memref<2x8192xf32, #tpu.memory_space<vmem>> -> memref<1x8192xf32, #tpu.memory_space<vmem>>
        %scatter3A_1982 = tpu.memref_squeeze %scatter3A_1981 : memref<1x8192xf32, #tpu.memory_space<vmem>> -> memref<8192xf32, #tpu.memory_space<vmem>>
        tpu.vector_store_idx %scatter3A_1982[%add3A_1978], %gather3A_1968 : memref<8192xf32, #tpu.memory_space<vmem>>[vector<16xi32>], vector<16xf32>,
        %mul3A_1983 = arith.constant 128 : i32
        %mul3A_1984 = arith.muli %add3A_262, %mul3A_1983 : i32
        %add3A_1985 = arith.constant 112 : i32
        %add3A_1986 = arith.addi %mul3A_1984, %add3A_1985 : i32
        %add3A_1987 = vector.broadcast %add3A_1986 : i32 to vector<16xi32>
        %add3A_1988 = arith.addi %add3A_1987, %iota3A : vector<16xi32>
        %gather3A_1989 = tpu.vector_load_idx %arg6[%add3A_1988, %broadcast_in_dim3A_3] : memref<1024x16xf32, #tpu.memory_space<vmem>>[vector<16xi32>, vector<16xi32>], vector<16xf32>,
        %mul3A_1990 = arith.constant 8 : i32
        %mul3A_1991 = arith.muli %add3A_262, %mul3A_1990 : i32
        %add3A_1992 = arith.constant 0 : i32
        %add3A_1993 = arith.addi %mul3A_1991, %add3A_1992 : i32
        %mul3A_1994 = arith.constant 128 : i32
        %mul3A_1995 = arith.muli %add3A_1993, %mul3A_1994 : i32
        %add3A_1996 = arith.constant 112 : i32
        %add3A_1997 = arith.addi %mul3A_1995, %add3A_1996 : i32
        %add3A_1998 = vector.broadcast %add3A_1997 : i32 to vector<16xi32>
        %add3A_1999 = arith.addi %add3A_1998, %iota3A : vector<16xi32>
        %scatter3A_2000 = arith.constant 0 : i32
        %scatter3A_2001 = arith.constant 0 : i32
        %scatter3A_2002 = tpu.memref_slice %arg7[%scatter3A_2000, %scatter3A_2001] : memref<2x8192xf32, #tpu.memory_space<vmem>> -> memref<1x8192xf32, #tpu.memory_space<vmem>>
        %scatter3A_2003 = tpu.memref_squeeze %scatter3A_2002 : memref<1x8192xf32, #tpu.memory_space<vmem>> -> memref<8192xf32, #tpu.memory_space<vmem>>
        tpu.vector_store_idx %scatter3A_2003[%add3A_1999], %gather3A_1989 : memref<8192xf32, #tpu.memory_space<vmem>>[vector<16xi32>], vector<16xf32>,
        %gather3A_2004 = tpu.vector_load_idx %arg6[%add3A_1988, %broadcast_in_dim3A_5] : memref<1024x16xf32, #tpu.memory_space<vmem>>[vector<16xi32>, vector<16xi32>], vector<16xf32>,
        %mul3A_2005 = arith.constant 8 : i32
        %mul3A_2006 = arith.muli %add3A_262, %mul3A_2005 : i32
        %add3A_2007 = arith.constant 1 : i32
        %add3A_2008 = arith.addi %mul3A_2006, %add3A_2007 : i32
        %mul3A_2009 = arith.constant 128 : i32
        %mul3A_2010 = arith.muli %add3A_2008, %mul3A_2009 : i32
        %add3A_2011 = arith.constant 112 : i32
        %add3A_2012 = arith.addi %mul3A_2010, %add3A_2011 : i32
        %add3A_2013 = vector.broadcast %add3A_2012 : i32 to vector<16xi32>
        %add3A_2014 = arith.addi %add3A_2013, %iota3A : vector<16xi32>
        %scatter3A_2015 = arith.constant 0 : i32
        %scatter3A_2016 = arith.constant 0 : i32
        %scatter3A_2017 = tpu.memref_slice %arg7[%scatter3A_2015, %scatter3A_2016] : memref<2x8192xf32, #tpu.memory_space<vmem>> -> memref<1x8192xf32, #tpu.memory_space<vmem>>
        %scatter3A_2018 = tpu.memref_squeeze %scatter3A_2017 : memref<1x8192xf32, #tpu.memory_space<vmem>> -> memref<8192xf32, #tpu.memory_space<vmem>>
        tpu.vector_store_idx %scatter3A_2018[%add3A_2014], %gather3A_2004 : memref<8192xf32, #tpu.memory_space<vmem>>[vector<16xi32>], vector<16xf32>,
        %gather3A_2019 = tpu.vector_load_idx %arg6[%add3A_1988, %broadcast_in_dim3A_7] : memref<1024x16xf32, #tpu.memory_space<vmem>>[vector<16xi32>, vector<16xi32>], vector<16xf32>,
        %mul3A_2020 = arith.constant 8 : i32
        %mul3A_2021 = arith.muli %add3A_262, %mul3A_2020 : i32
        %add3A_2022 = arith.constant 2 : i32
        %add3A_2023 = arith.addi %mul3A_2021, %add3A_2022 : i32
        %mul3A_2024 = arith.constant 128 : i32
        %mul3A_2025 = arith.muli %add3A_2023, %mul3A_2024 : i32
        %add3A_2026 = arith.constant 112 : i32
        %add3A_2027 = arith.addi %mul3A_2025, %add3A_2026 : i32
        %add3A_2028 = vector.broadcast %add3A_2027 : i32 to vector<16xi32>
        %add3A_2029 = arith.addi %add3A_2028, %iota3A : vector<16xi32>
        %scatter3A_2030 = arith.constant 0 : i32
        %scatter3A_2031 = arith.constant 0 : i32
        %scatter3A_2032 = tpu.memref_slice %arg7[%scatter3A_2030, %scatter3A_2031] : memref<2x8192xf32, #tpu.memory_space<vmem>> -> memref<1x8192xf32, #tpu.memory_space<vmem>>
        %scatter3A_2033 = tpu.memref_squeeze %scatter3A_2032 : memref<1x8192xf32, #tpu.memory_space<vmem>> -> memref<8192xf32, #tpu.memory_space<vmem>>
        tpu.vector_store_idx %scatter3A_2033[%add3A_2029], %gather3A_2019 : memref<8192xf32, #tpu.memory_space<vmem>>[vector<16xi32>], vector<16xf32>,
        %gather3A_2034 = tpu.vector_load_idx %arg6[%add3A_1988, %broadcast_in_dim3A_9] : memref<1024x16xf32, #tpu.memory_space<vmem>>[vector<16xi32>, vector<16xi32>], vector<16xf32>,
        %mul3A_2035 = arith.constant 8 : i32
        %mul3A_2036 = arith.muli %add3A_262, %mul3A_2035 : i32
        %add3A_2037 = arith.constant 3 : i32
        %add3A_2038 = arith.addi %mul3A_2036, %add3A_2037 : i32
        %mul3A_2039 = arith.constant 128 : i32
        %mul3A_2040 = arith.muli %add3A_2038, %mul3A_2039 : i32
        %add3A_2041 = arith.constant 112 : i32
        %add3A_2042 = arith.addi %mul3A_2040, %add3A_2041 : i32
        %add3A_2043 = vector.broadcast %add3A_2042 : i32 to vector<16xi32>
        %add3A_2044 = arith.addi %add3A_2043, %iota3A : vector<16xi32>
        %scatter3A_2045 = arith.constant 0 : i32
        %scatter3A_2046 = arith.constant 0 : i32
        %scatter3A_2047 = tpu.memref_slice %arg7[%scatter3A_2045, %scatter3A_2046] : memref<2x8192xf32, #tpu.memory_space<vmem>> -> memref<1x8192xf32, #tpu.memory_space<vmem>>
        %scatter3A_2048 = tpu.memref_squeeze %scatter3A_2047 : memref<1x8192xf32, #tpu.memory_space<vmem>> -> memref<8192xf32, #tpu.memory_space<vmem>>
        tpu.vector_store_idx %scatter3A_2048[%add3A_2044], %gather3A_2034 : memref<8192xf32, #tpu.memory_space<vmem>>[vector<16xi32>], vector<16xf32>,
        %gather3A_2049 = tpu.vector_load_idx %arg6[%add3A_1988, %broadcast_in_dim3A_11] : memref<1024x16xf32, #tpu.memory_space<vmem>>[vector<16xi32>, vector<16xi32>], vector<16xf32>,
        %mul3A_2050 = arith.constant 8 : i32
        %mul3A_2051 = arith.muli %add3A_262, %mul3A_2050 : i32
        %add3A_2052 = arith.constant 4 : i32
        %add3A_2053 = arith.addi %mul3A_2051, %add3A_2052 : i32
        %mul3A_2054 = arith.constant 128 : i32
        %mul3A_2055 = arith.muli %add3A_2053, %mul3A_2054 : i32
        %add3A_2056 = arith.constant 112 : i32
        %add3A_2057 = arith.addi %mul3A_2055, %add3A_2056 : i32
        %add3A_2058 = vector.broadcast %add3A_2057 : i32 to vector<16xi32>
        %add3A_2059 = arith.addi %add3A_2058, %iota3A : vector<16xi32>
        %scatter3A_2060 = arith.constant 0 : i32
        %scatter3A_2061 = arith.constant 0 : i32
        %scatter3A_2062 = tpu.memref_slice %arg7[%scatter3A_2060, %scatter3A_2061] : memref<2x8192xf32, #tpu.memory_space<vmem>> -> memref<1x8192xf32, #tpu.memory_space<vmem>>
        %scatter3A_2063 = tpu.memref_squeeze %scatter3A_2062 : memref<1x8192xf32, #tpu.memory_space<vmem>> -> memref<8192xf32, #tpu.memory_space<vmem>>
        tpu.vector_store_idx %scatter3A_2063[%add3A_2059], %gather3A_2049 : memref<8192xf32, #tpu.memory_space<vmem>>[vector<16xi32>], vector<16xf32>,
        %gather3A_2064 = tpu.vector_load_idx %arg6[%add3A_1988, %broadcast_in_dim3A_13] : memref<1024x16xf32, #tpu.memory_space<vmem>>[vector<16xi32>, vector<16xi32>], vector<16xf32>,
        %mul3A_2065 = arith.constant 8 : i32
        %mul3A_2066 = arith.muli %add3A_262, %mul3A_2065 : i32
        %add3A_2067 = arith.constant 5 : i32
        %add3A_2068 = arith.addi %mul3A_2066, %add3A_2067 : i32
        %mul3A_2069 = arith.constant 128 : i32
        %mul3A_2070 = arith.muli %add3A_2068, %mul3A_2069 : i32
        %add3A_2071 = arith.constant 112 : i32
        %add3A_2072 = arith.addi %mul3A_2070, %add3A_2071 : i32
        %add3A_2073 = vector.broadcast %add3A_2072 : i32 to vector<16xi32>
        %add3A_2074 = arith.addi %add3A_2073, %iota3A : vector<16xi32>
        %scatter3A_2075 = arith.constant 0 : i32
        %scatter3A_2076 = arith.constant 0 : i32
        %scatter3A_2077 = tpu.memref_slice %arg7[%scatter3A_2075, %scatter3A_2076] : memref<2x8192xf32, #tpu.memory_space<vmem>> -> memref<1x8192xf32, #tpu.memory_space<vmem>>
        %scatter3A_2078 = tpu.memref_squeeze %scatter3A_2077 : memref<1x8192xf32, #tpu.memory_space<vmem>> -> memref<8192xf32, #tpu.memory_space<vmem>>
        tpu.vector_store_idx %scatter3A_2078[%add3A_2074], %gather3A_2064 : memref<8192xf32, #tpu.memory_space<vmem>>[vector<16xi32>], vector<16xf32>,
        %gather3A_2079 = tpu.vector_load_idx %arg6[%add3A_1988, %broadcast_in_dim3A_15] : memref<1024x16xf32, #tpu.memory_space<vmem>>[vector<16xi32>, vector<16xi32>], vector<16xf32>,
        %mul3A_2080 = arith.constant 8 : i32
        %mul3A_2081 = arith.muli %add3A_262, %mul3A_2080 : i32
        %add3A_2082 = arith.constant 6 : i32
        %add3A_2083 = arith.addi %mul3A_2081, %add3A_2082 : i32
        %mul3A_2084 = arith.constant 128 : i32
        %mul3A_2085 = arith.muli %add3A_2083, %mul3A_2084 : i32
        %add3A_2086 = arith.constant 112 : i32
        %add3A_2087 = arith.addi %mul3A_2085, %add3A_2086 : i32
        %add3A_2088 = vector.broadcast %add3A_2087 : i32 to vector<16xi32>
        %add3A_2089 = arith.addi %add3A_2088, %iota3A : vector<16xi32>
        %scatter3A_2090 = arith.constant 0 : i32
        %scatter3A_2091 = arith.constant 0 : i32
        %scatter3A_2092 = tpu.memref_slice %arg7[%scatter3A_2090, %scatter3A_2091] : memref<2x8192xf32, #tpu.memory_space<vmem>> -> memref<1x8192xf32, #tpu.memory_space<vmem>>
        %scatter3A_2093 = tpu.memref_squeeze %scatter3A_2092 : memref<1x8192xf32, #tpu.memory_space<vmem>> -> memref<8192xf32, #tpu.memory_space<vmem>>
        tpu.vector_store_idx %scatter3A_2093[%add3A_2089], %gather3A_2079 : memref<8192xf32, #tpu.memory_space<vmem>>[vector<16xi32>], vector<16xf32>,
        %gather3A_2094 = tpu.vector_load_idx %arg6[%add3A_1988, %broadcast_in_dim3A_17] : memref<1024x16xf32, #tpu.memory_space<vmem>>[vector<16xi32>, vector<16xi32>], vector<16xf32>,
        %mul3A_2095 = arith.constant 8 : i32
        %mul3A_2096 = arith.muli %add3A_262, %mul3A_2095 : i32
        %add3A_2097 = arith.constant 7 : i32
        %add3A_2098 = arith.addi %mul3A_2096, %add3A_2097 : i32
        %mul3A_2099 = arith.constant 128 : i32
        %mul3A_2100 = arith.muli %add3A_2098, %mul3A_2099 : i32
        %add3A_2101 = arith.constant 112 : i32
        %add3A_2102 = arith.addi %mul3A_2100, %add3A_2101 : i32
        %add3A_2103 = vector.broadcast %add3A_2102 : i32 to vector<16xi32>
        %add3A_2104 = arith.addi %add3A_2103, %iota3A : vector<16xi32>
        %scatter3A_2105 = arith.constant 0 : i32
        %scatter3A_2106 = arith.constant 0 : i32
        %scatter3A_2107 = tpu.memref_slice %arg7[%scatter3A_2105, %scatter3A_2106] : memref<2x8192xf32, #tpu.memory_space<vmem>> -> memref<1x8192xf32, #tpu.memory_space<vmem>>
        %scatter3A_2108 = tpu.memref_squeeze %scatter3A_2107 : memref<1x8192xf32, #tpu.memory_space<vmem>> -> memref<8192xf32, #tpu.memory_space<vmem>>
        tpu.vector_store_idx %scatter3A_2108[%add3A_2104], %gather3A_2094 : memref<8192xf32, #tpu.memory_space<vmem>>[vector<16xi32>], vector<16xf32>,
        %gather3A_2109 = tpu.vector_load_idx %arg6[%add3A_1988, %broadcast_in_dim3A_19] : memref<1024x16xf32, #tpu.memory_space<vmem>>[vector<16xi32>, vector<16xi32>], vector<16xf32>,
        %mul3A_2110 = arith.constant 8 : i32
        %mul3A_2111 = arith.muli %add3A_262, %mul3A_2110 : i32
        %add3A_2112 = arith.constant 0 : i32
        %add3A_2113 = arith.addi %mul3A_2111, %add3A_2112 : i32
        %mul3A_2114 = arith.constant 128 : i32
        %mul3A_2115 = arith.muli %add3A_2113, %mul3A_2114 : i32
        %add3A_2116 = arith.constant 112 : i32
        %add3A_2117 = arith.addi %mul3A_2115, %add3A_2116 : i32
        %add3A_2118 = vector.broadcast %add3A_2117 : i32 to vector<16xi32>
        %add3A_2119 = arith.addi %add3A_2118, %iota3A : vector<16xi32>
        %scatter3A_2120 = arith.constant 1 : i32
        %scatter3A_2121 = arith.constant 0 : i32
        %scatter3A_2122 = tpu.memref_slice %arg7[%scatter3A_2120, %scatter3A_2121] : memref<2x8192xf32, #tpu.memory_space<vmem>> -> memref<1x8192xf32, #tpu.memory_space<vmem>>
        %scatter3A_2123 = tpu.memref_squeeze %scatter3A_2122 : memref<1x8192xf32, #tpu.memory_space<vmem>> -> memref<8192xf32, #tpu.memory_space<vmem>>
        tpu.vector_store_idx %scatter3A_2123[%add3A_2119], %gather3A_2109 : memref<8192xf32, #tpu.memory_space<vmem>>[vector<16xi32>], vector<16xf32>,
        %gather3A_2124 = tpu.vector_load_idx %arg6[%add3A_1988, %broadcast_in_dim3A_21] : memref<1024x16xf32, #tpu.memory_space<vmem>>[vector<16xi32>, vector<16xi32>], vector<16xf32>,
        %mul3A_2125 = arith.constant 8 : i32
        %mul3A_2126 = arith.muli %add3A_262, %mul3A_2125 : i32
        %add3A_2127 = arith.constant 1 : i32
        %add3A_2128 = arith.addi %mul3A_2126, %add3A_2127 : i32
        %mul3A_2129 = arith.constant 128 : i32
        %mul3A_2130 = arith.muli %add3A_2128, %mul3A_2129 : i32
        %add3A_2131 = arith.constant 112 : i32
        %add3A_2132 = arith.addi %mul3A_2130, %add3A_2131 : i32
        %add3A_2133 = vector.broadcast %add3A_2132 : i32 to vector<16xi32>
        %add3A_2134 = arith.addi %add3A_2133, %iota3A : vector<16xi32>
        %scatter3A_2135 = arith.constant 1 : i32
        %scatter3A_2136 = arith.constant 0 : i32
        %scatter3A_2137 = tpu.memref_slice %arg7[%scatter3A_2135, %scatter3A_2136] : memref<2x8192xf32, #tpu.memory_space<vmem>> -> memref<1x8192xf32, #tpu.memory_space<vmem>>
        %scatter3A_2138 = tpu.memref_squeeze %scatter3A_2137 : memref<1x8192xf32, #tpu.memory_space<vmem>> -> memref<8192xf32, #tpu.memory_space<vmem>>
        tpu.vector_store_idx %scatter3A_2138[%add3A_2134], %gather3A_2124 : memref<8192xf32, #tpu.memory_space<vmem>>[vector<16xi32>], vector<16xf32>,
        %gather3A_2139 = tpu.vector_load_idx %arg6[%add3A_1988, %broadcast_in_dim3A_23] : memref<1024x16xf32, #tpu.memory_space<vmem>>[vector<16xi32>, vector<16xi32>], vector<16xf32>,
        %mul3A_2140 = arith.constant 8 : i32
        %mul3A_2141 = arith.muli %add3A_262, %mul3A_2140 : i32
        %add3A_2142 = arith.constant 2 : i32
        %add3A_2143 = arith.addi %mul3A_2141, %add3A_2142 : i32
        %mul3A_2144 = arith.constant 128 : i32
        %mul3A_2145 = arith.muli %add3A_2143, %mul3A_2144 : i32
        %add3A_2146 = arith.constant 112 : i32
        %add3A_2147 = arith.addi %mul3A_2145, %add3A_2146 : i32
        %add3A_2148 = vector.broadcast %add3A_2147 : i32 to vector<16xi32>
        %add3A_2149 = arith.addi %add3A_2148, %iota3A : vector<16xi32>
        %scatter3A_2150 = arith.constant 1 : i32
        %scatter3A_2151 = arith.constant 0 : i32
        %scatter3A_2152 = tpu.memref_slice %arg7[%scatter3A_2150, %scatter3A_2151] : memref<2x8192xf32, #tpu.memory_space<vmem>> -> memref<1x8192xf32, #tpu.memory_space<vmem>>
        %scatter3A_2153 = tpu.memref_squeeze %scatter3A_2152 : memref<1x8192xf32, #tpu.memory_space<vmem>> -> memref<8192xf32, #tpu.memory_space<vmem>>
        tpu.vector_store_idx %scatter3A_2153[%add3A_2149], %gather3A_2139 : memref<8192xf32, #tpu.memory_space<vmem>>[vector<16xi32>], vector<16xf32>,
        %gather3A_2154 = tpu.vector_load_idx %arg6[%add3A_1988, %broadcast_in_dim3A_25] : memref<1024x16xf32, #tpu.memory_space<vmem>>[vector<16xi32>, vector<16xi32>], vector<16xf32>,
        %mul3A_2155 = arith.constant 8 : i32
        %mul3A_2156 = arith.muli %add3A_262, %mul3A_2155 : i32
        %add3A_2157 = arith.constant 3 : i32
        %add3A_2158 = arith.addi %mul3A_2156, %add3A_2157 : i32
        %mul3A_2159 = arith.constant 128 : i32
        %mul3A_2160 = arith.muli %add3A_2158, %mul3A_2159 : i32
        %add3A_2161 = arith.constant 112 : i32
        %add3A_2162 = arith.addi %mul3A_2160, %add3A_2161 : i32
        %add3A_2163 = vector.broadcast %add3A_2162 : i32 to vector<16xi32>
        %add3A_2164 = arith.addi %add3A_2163, %iota3A : vector<16xi32>
        %scatter3A_2165 = arith.constant 1 : i32
        %scatter3A_2166 = arith.constant 0 : i32
        %scatter3A_2167 = tpu.memref_slice %arg7[%scatter3A_2165, %scatter3A_2166] : memref<2x8192xf32, #tpu.memory_space<vmem>> -> memref<1x8192xf32, #tpu.memory_space<vmem>>
        %scatter3A_2168 = tpu.memref_squeeze %scatter3A_2167 : memref<1x8192xf32, #tpu.memory_space<vmem>> -> memref<8192xf32, #tpu.memory_space<vmem>>
        tpu.vector_store_idx %scatter3A_2168[%add3A_2164], %gather3A_2154 : memref<8192xf32, #tpu.memory_space<vmem>>[vector<16xi32>], vector<16xf32>,
        %gather3A_2169 = tpu.vector_load_idx %arg6[%add3A_1988, %broadcast_in_dim3A_27] : memref<1024x16xf32, #tpu.memory_space<vmem>>[vector<16xi32>, vector<16xi32>], vector<16xf32>,
        %mul3A_2170 = arith.constant 8 : i32
        %mul3A_2171 = arith.muli %add3A_262, %mul3A_2170 : i32
        %add3A_2172 = arith.constant 4 : i32
        %add3A_2173 = arith.addi %mul3A_2171, %add3A_2172 : i32
        %mul3A_2174 = arith.constant 128 : i32
        %mul3A_2175 = arith.muli %add3A_2173, %mul3A_2174 : i32
        %add3A_2176 = arith.constant 112 : i32
        %add3A_2177 = arith.addi %mul3A_2175, %add3A_2176 : i32
        %add3A_2178 = vector.broadcast %add3A_2177 : i32 to vector<16xi32>
        %add3A_2179 = arith.addi %add3A_2178, %iota3A : vector<16xi32>
        %scatter3A_2180 = arith.constant 1 : i32
        %scatter3A_2181 = arith.constant 0 : i32
        %scatter3A_2182 = tpu.memref_slice %arg7[%scatter3A_2180, %scatter3A_2181] : memref<2x8192xf32, #tpu.memory_space<vmem>> -> memref<1x8192xf32, #tpu.memory_space<vmem>>
        %scatter3A_2183 = tpu.memref_squeeze %scatter3A_2182 : memref<1x8192xf32, #tpu.memory_space<vmem>> -> memref<8192xf32, #tpu.memory_space<vmem>>
        tpu.vector_store_idx %scatter3A_2183[%add3A_2179], %gather3A_2169 : memref<8192xf32, #tpu.memory_space<vmem>>[vector<16xi32>], vector<16xf32>,
        %gather3A_2184 = tpu.vector_load_idx %arg6[%add3A_1988, %broadcast_in_dim3A_29] : memref<1024x16xf32, #tpu.memory_space<vmem>>[vector<16xi32>, vector<16xi32>], vector<16xf32>,
        %mul3A_2185 = arith.constant 8 : i32
        %mul3A_2186 = arith.muli %add3A_262, %mul3A_2185 : i32
        %add3A_2187 = arith.constant 5 : i32
        %add3A_2188 = arith.addi %mul3A_2186, %add3A_2187 : i32
        %mul3A_2189 = arith.constant 128 : i32
        %mul3A_2190 = arith.muli %add3A_2188, %mul3A_2189 : i32
        %add3A_2191 = arith.constant 112 : i32
        %add3A_2192 = arith.addi %mul3A_2190, %add3A_2191 : i32
        %add3A_2193 = vector.broadcast %add3A_2192 : i32 to vector<16xi32>
        %add3A_2194 = arith.addi %add3A_2193, %iota3A : vector<16xi32>
        %scatter3A_2195 = arith.constant 1 : i32
        %scatter3A_2196 = arith.constant 0 : i32
        %scatter3A_2197 = tpu.memref_slice %arg7[%scatter3A_2195, %scatter3A_2196] : memref<2x8192xf32, #tpu.memory_space<vmem>> -> memref<1x8192xf32, #tpu.memory_space<vmem>>
        %scatter3A_2198 = tpu.memref_squeeze %scatter3A_2197 : memref<1x8192xf32, #tpu.memory_space<vmem>> -> memref<8192xf32, #tpu.memory_space<vmem>>
        tpu.vector_store_idx %scatter3A_2198[%add3A_2194], %gather3A_2184 : memref<8192xf32, #tpu.memory_space<vmem>>[vector<16xi32>], vector<16xf32>,
        %gather3A_2199 = tpu.vector_load_idx %arg6[%add3A_1988, %broadcast_in_dim3A_31] : memref<1024x16xf32, #tpu.memory_space<vmem>>[vector<16xi32>, vector<16xi32>], vector<16xf32>,
        %mul3A_2200 = arith.constant 8 : i32
        %mul3A_2201 = arith.muli %add3A_262, %mul3A_2200 : i32
        %add3A_2202 = arith.constant 6 : i32
        %add3A_2203 = arith.addi %mul3A_2201, %add3A_2202 : i32
        %mul3A_2204 = arith.constant 128 : i32
        %mul3A_2205 = arith.muli %add3A_2203, %mul3A_2204 : i32
        %add3A_2206 = arith.constant 112 : i32
        %add3A_2207 = arith.addi %mul3A_2205, %add3A_2206 : i32
        %add3A_2208 = vector.broadcast %add3A_2207 : i32 to vector<16xi32>
        %add3A_2209 = arith.addi %add3A_2208, %iota3A : vector<16xi32>
        %scatter3A_2210 = arith.constant 1 : i32
        %scatter3A_2211 = arith.constant 0 : i32
        %scatter3A_2212 = tpu.memref_slice %arg7[%scatter3A_2210, %scatter3A_2211] : memref<2x8192xf32, #tpu.memory_space<vmem>> -> memref<1x8192xf32, #tpu.memory_space<vmem>>
        %scatter3A_2213 = tpu.memref_squeeze %scatter3A_2212 : memref<1x8192xf32, #tpu.memory_space<vmem>> -> memref<8192xf32, #tpu.memory_space<vmem>>
        tpu.vector_store_idx %scatter3A_2213[%add3A_2209], %gather3A_2199 : memref<8192xf32, #tpu.memory_space<vmem>>[vector<16xi32>], vector<16xf32>,
        %gather3A_2214 = tpu.vector_load_idx %arg6[%add3A_1988, %broadcast_in_dim3A_33] : memref<1024x16xf32, #tpu.memory_space<vmem>>[vector<16xi32>, vector<16xi32>], vector<16xf32>,
        %mul3A_2215 = arith.constant 8 : i32
        %mul3A_2216 = arith.muli %add3A_262, %mul3A_2215 : i32
        %add3A_2217 = arith.constant 7 : i32
        %add3A_2218 = arith.addi %mul3A_2216, %add3A_2217 : i32
        %mul3A_2219 = arith.constant 128 : i32
        %mul3A_2220 = arith.muli %add3A_2218, %mul3A_2219 : i32
        %add3A_2221 = arith.constant 112 : i32
        %add3A_2222 = arith.addi %mul3A_2220, %add3A_2221 : i32
        %add3A_2223 = vector.broadcast %add3A_2222 : i32 to vector<16xi32>
        %add3A_2224 = arith.addi %add3A_2223, %iota3A : vector<16xi32>
        %scatter3A_2225 = arith.constant 1 : i32
        %scatter3A_2226 = arith.constant 0 : i32
        %scatter3A_2227 = tpu.memref_slice %arg7[%scatter3A_2225, %scatter3A_2226] : memref<2x8192xf32, #tpu.memory_space<vmem>> -> memref<1x8192xf32, #tpu.memory_space<vmem>>
        %scatter3A_2228 = tpu.memref_squeeze %scatter3A_2227 : memref<1x8192xf32, #tpu.memory_space<vmem>> -> memref<8192xf32, #tpu.memory_space<vmem>>
        tpu.vector_store_idx %scatter3A_2228[%add3A_2224], %gather3A_2214 : memref<8192xf32, #tpu.memory_space<vmem>>[vector<16xi32>], vector<16xf32>,
      }
      %scan3A_238 = arith.constant 8 : i32
      %mul3A_239 = arith.constant 2 : i32
      %mul3A_240 = arith.muli %select_n3A, %mul3A_239 : i32
      %add3A_241 = arith.constant 0 : i32
      %add3A_242 = arith.addi %mul3A_240, %add3A_241 : i32
      %mul3A_243 = arith.constant 128 : i32
      %mul3A_244 = arith.muli %add3A_242, %mul3A_243 : i32
      %add3A_245 = arith.addi %mul3A_244, %select_n3A_75 : i32
      %mul3A_246 = arith.constant 1024 : i32
      %mul3A_247 = arith.muli %add3A_245, %mul3A_246 : i32
      %mul3A_248 = arith.constant 2 : i32
      %mul3A_249 = arith.muli %select_n3A, %mul3A_248 : i32
      %add3A_250 = arith.constant 1 : i32
      %add3A_251 = arith.addi %mul3A_249, %add3A_250 : i32
      %mul3A_252 = arith.constant 128 : i32
      %mul3A_253 = arith.muli %add3A_251, %mul3A_252 : i32
      %add3A_254 = arith.addi %mul3A_253, %select_n3A_75 : i32
      %mul3A_255 = arith.constant 1024 : i32
      %mul3A_256 = arith.muli %add3A_254, %mul3A_255 : i32
      %run_scoped3A = arith.constant 0 : i32
      "tpu.region"() ({
        %run_scoped3A_258 = tpu.sem_alloc : memref<!tpu.dma_semaphore, #tpu.memory_space<semaphore_mem>>
        %dma_start3A_259 = arith.constant 0 : i32
        %dma_start3A_260 = tpu.memref_slice %arg7[%run_scoped3A, %dma_start3A_259] : memref<2x8192xf32, #tpu.memory_space<vmem>> -> memref<1x8192xf32, #tpu.memory_space<vmem>>
        %dma_start3A_261 = tpu.memref_squeeze %dma_start3A_260 : memref<1x8192xf32, #tpu.memory_space<vmem>> -> memref<8192xf32, #tpu.memory_space<vmem>>
        %dma_start3A_262 = tpu.memref_slice %arg4[%mul3A_247] : memref<13107200xf32, #tpu.memory_space<hbm>> -> memref<8192xf32, #tpu.memory_space<hbm>>
        %dma_start3A_263 = tpu.memref_slice %arg4[%mul3A_247] : memref<13107200xf32, #tpu.memory_space<hbm>> -> memref<8192xf32, #tpu.memory_space<hbm>>
        %dma_start3A_264 = arith.constant 0 : i32
        %dma_start3A_265 = tpu.memref_slice %arg7[%run_scoped3A, %dma_start3A_264] : memref<2x8192xf32, #tpu.memory_space<vmem>> -> memref<1x8192xf32, #tpu.memory_space<vmem>>
        %dma_start3A_266 = tpu.memref_squeeze %dma_start3A_265 : memref<1x8192xf32, #tpu.memory_space<vmem>> -> memref<8192xf32, #tpu.memory_space<vmem>>
        tpu.enqueue_dma source(%dma_start3A_266 : memref<8192xf32, #tpu.memory_space<vmem>>) target(%dma_start3A_263 : memref<8192xf32, #tpu.memory_space<hbm>>) target_semaphore(%run_scoped3A_258 : memref<!tpu.dma_semaphore, #tpu.memory_space<semaphore_mem>>)
        %dma_wait3A_267 = arith.constant 0 : i32
        %dma_wait3A_268 = tpu.memref_slice %arg7[%run_scoped3A, %dma_wait3A_267] : memref<2x8192xf32, #tpu.memory_space<vmem>> -> memref<1x8192xf32, #tpu.memory_space<vmem>>
        %dma_wait3A_269 = tpu.memref_squeeze %dma_wait3A_268 : memref<1x8192xf32, #tpu.memory_space<vmem>> -> memref<8192xf32, #tpu.memory_space<vmem>>
        %dma_wait3A_270 = tpu.memref_slice %arg4[%mul3A_247] : memref<13107200xf32, #tpu.memory_space<hbm>> -> memref<8192xf32, #tpu.memory_space<hbm>>
        %dma_wait3A_271 = tpu.memref_slice %arg4[%mul3A_247] : memref<13107200xf32, #tpu.memory_space<hbm>> -> memref<8192xf32, #tpu.memory_space<hbm>>
        %dma_wait3A_272 = arith.constant 0 : i32
        %dma_wait3A_273 = tpu.memref_slice %arg7[%run_scoped3A, %dma_wait3A_272] : memref<2x8192xf32, #tpu.memory_space<vmem>> -> memref<1x8192xf32, #tpu.memory_space<vmem>>
        %dma_wait3A_274 = tpu.memref_squeeze %dma_wait3A_273 : memref<1x8192xf32, #tpu.memory_space<vmem>> -> memref<8192xf32, #tpu.memory_space<vmem>>
        tpu.wait_dma2 semaphore(%run_scoped3A_258 : memref<!tpu.dma_semaphore, #tpu.memory_space<semaphore_mem>>) src(%dma_wait3A_274 : memref<8192xf32, #tpu.memory_space<vmem>>) dst(%dma_wait3A_271 : memref<8192xf32, #tpu.memory_space<hbm>>)
        tpu.yield
      }) : () -> ()
      %run_scoped3A_257 = arith.constant 1 : i32
      "tpu.region"() ({
        %run_scoped3A_258 = tpu.sem_alloc : memref<!tpu.dma_semaphore, #tpu.memory_space<semaphore_mem>>
        %dma_start3A_259 = arith.constant 0 : i32
        %dma_start3A_260 = tpu.memref_slice %arg7[%run_scoped3A_257, %dma_start3A_259] : memref<2x8192xf32, #tpu.memory_space<vmem>> -> memref<1x8192xf32, #tpu.memory_space<vmem>>
        %dma_start3A_261 = tpu.memref_squeeze %dma_start3A_260 : memref<1x8192xf32, #tpu.memory_space<vmem>> -> memref<8192xf32, #tpu.memory_space<vmem>>
        %dma_start3A_262 = tpu.memref_slice %arg4[%mul3A_256] : memref<13107200xf32, #tpu.memory_space<hbm>> -> memref<8192xf32, #tpu.memory_space<hbm>>
        %dma_start3A_263 = tpu.memref_slice %arg4[%mul3A_256] : memref<13107200xf32, #tpu.memory_space<hbm>> -> memref<8192xf32, #tpu.memory_space<hbm>>
        %dma_start3A_264 = arith.constant 0 : i32
        %dma_start3A_265 = tpu.memref_slice %arg7[%run_scoped3A_257, %dma_start3A_264] : memref<2x8192xf32, #tpu.memory_space<vmem>> -> memref<1x8192xf32, #tpu.memory_space<vmem>>
        %dma_start3A_266 = tpu.memref_squeeze %dma_start3A_265 : memref<1x8192xf32, #tpu.memory_space<vmem>> -> memref<8192xf32, #tpu.memory_space<vmem>>
        tpu.enqueue_dma source(%dma_start3A_266 : memref<8192xf32, #tpu.memory_space<vmem>>) target(%dma_start3A_263 : memref<8192xf32, #tpu.memory_space<hbm>>) target_semaphore(%run_scoped3A_258 : memref<!tpu.dma_semaphore, #tpu.memory_space<semaphore_mem>>)
        %dma_wait3A_267 = arith.constant 0 : i32
        %dma_wait3A_268 = tpu.memref_slice %arg7[%run_scoped3A_257, %dma_wait3A_267] : memref<2x8192xf32, #tpu.memory_space<vmem>> -> memref<1x8192xf32, #tpu.memory_space<vmem>>
        %dma_wait3A_269 = tpu.memref_squeeze %dma_wait3A_268 : memref<1x8192xf32, #tpu.memory_space<vmem>> -> memref<8192xf32, #tpu.memory_space<vmem>>
        %dma_wait3A_270 = tpu.memref_slice %arg4[%mul3A_256] : memref<13107200xf32, #tpu.memory_space<hbm>> -> memref<8192xf32, #tpu.memory_space<hbm>>
        %dma_wait3A_271 = tpu.memref_slice %arg4[%mul3A_256] : memref<13107200xf32, #tpu.memory_space<hbm>> -> memref<8192xf32, #tpu.memory_space<hbm>>
        %dma_wait3A_272 = arith.constant 0 : i32
        %dma_wait3A_273 = tpu.memref_slice %arg7[%run_scoped3A_257, %dma_wait3A_272] : memref<2x8192xf32, #tpu.memory_space<vmem>> -> memref<1x8192xf32, #tpu.memory_space<vmem>>
        %dma_wait3A_274 = tpu.memref_squeeze %dma_wait3A_273 : memref<1x8192xf32, #tpu.memory_space<vmem>> -> memref<8192xf32, #tpu.memory_space<vmem>>
        tpu.wait_dma2 semaphore(%run_scoped3A_258 : memref<!tpu.dma_semaphore, #tpu.memory_space<semaphore_mem>>) src(%dma_wait3A_274 : memref<8192xf32, #tpu.memory_space<vmem>>) dst(%dma_wait3A_271 : memref<8192xf32, #tpu.memory_space<hbm>>)
        tpu.yield
      }) : () -> ()
    }
    %scan3A_37 = arith.constant 25 : i32
    return
  }
}

</mosaic_0001>

<sc_bundles>
// kernel: kernel.3.cloned.1.call-start
scs
__scs_entry_jumppad:
0x0: {  	(pc) =	sbr.rel $0x88, $3  }
0x1: {  	(tag) =	ssettag $0x0;
	lr =	simm.s32 $0x1  }
0x2: {  	[smem:$0x3F9E] =	sst lr;
	_ =	strace $0xD0000000  }
0x3: {  	_ = 	snop  }
0x4: {  	_ = 	snop  }
0x5: {  	_ = 	snop  }
0x6: {  	_ = 	snop  }
0x7: {  	_ = 	snop  }
__scs_overlays_trampoline_lowered:
0x8: {  	[smem:$0x3FAD] =	sst s0  }
0x9: {  	[smem:$0x3FAE] =	sst s1  }
0xa: {  	[smem:$0x3FAF] =	sst s2  }
0xb: {  	[smem:$0x3FB0] =	sst s3  }
0xc: {  	[smem:$0x3FB1] =	sst s4  }
0xd: {  	[smem:$0x3FB2] =	sst s5  }
0xe: {  	[smem:$0x3FB3] =	sst s6  }
0xf: {  	[smem:$0x3FB4] =	sst s7  }
0x10: {  	[smem:$0x3FB5] =	sst s8  }
0x11: {  	[smem:$0x3FB6] =	sst s9;
	s0 =	simm.s32 @!p0 $0x0  }
0x12: {  	s1 =	sld [smem:$0x3F9C];
	s0 =	simm.s32 @p0 $0x1  }
0x13: {  	[smem:$0x3FB7] =	sst s0;
	s0 =	simm.s32 @!p1 $0x0  }
0x14: {  	s2 =	sld [smem:$0x3F9B];
	s0 =	simm.s32 @p1 $0x1  }
0x15: {  	[smem:$0x3FB8] =	sst s0;
	s0 =	simm.s32 @!p2 $0x0  }
0x16: {  	s3 =	sld [smem:$0x3FDB];
	s0 =	simm.s32 @p2 $0x1  }
0x17: {  	s4 =	simm.s32 $0x1BF5;
	[smem:$0x3FBA] =	sst s0  }
0x18: {  	s0 =	sld [smem:$0x3F9D];
	_ =	swait.ge [sflag:s4], $0x0  }
0x19: {  	s7 =	sld [smem:$0x3F9E]  }
0x1a: {  	s8 =	sadd.s32 $0xFFFFE003, lr  }
0x1b: {  	s9 =	sadd.s32 $0xFFFFFEF7, lr;
	s5 =	simm.s32 $0xFFFFFFFF;
	p2 =	slt.u32 s8, $0xFFFFF086  }
0x1c: {  	p1 =	slt.u32 s9, $0xF7A;
	s5 =	simm.s32 @!p2 $0x0  }
0x1d: {  	s5 =	simm.s32 @p1 $0x1;
	p0 =	seq.s32 s7, s2  }
0x1e: {  	s7 =	smul.u32 @!p0 $0xF7A, s2;
	p2 =	seq.s32 @!p0 s5, $0x0  }
0x1f: {  	s9 =	smul.u32 $0xF7A, s1;
	s8 =	simm.s32 @!p0 $0x1BF5;
	p2 =	por !p2, p0  }
0x20: {  	[sflag:s8] =	ssyncset.s32 @!p0 $0xFFFFF086;
	s6 =	sadd.s32 @!p0 s3, s7;
	s7 =	simm.s32 @!p0 $0x108  }
0x21: {  	s3 =	sadd.s32 s3, s9;
	s6 =	sadd.s32 @!p0 $0x88, s6;
	s7 =	simm.s32 @p2 $0x1082  }
0x22: {  	[simem:s7], [sflag:s8] =	dma.local @!p0 [hbm:s6], $0xF7A  }
0x23: {  	s9 =	sor.u32 $0xD0000000, s2;
	s6 =	simm.s32 $0x108;
	_ =	swait.ge @!p0 [sflag:s8], $0x0  }
0x24: {  	s3 =	sadd.s32 $0x88, s3;
	s6 =	simm.s32 @!p1 $0x1082;
	[sflag:s4] =	ssyncset.s32 $0xFFFFF086  }
0x25: {  	[simem:s6], [sflag:s4] =	dma.local [hbm:s3], $0xF7A  }
0x26: {  	[smem:$0x3F9E] =	sst s1;
	(tag) =	ssettag s2;
	_ =	strace s9  }
0x27: {  	s1 =	sld [smem:$0x3FAE]  }
0x28: {  	s2 =	sld [smem:$0x3FAF]  }
0x29: {  	s4 =	sld [smem:$0x3FB1]  }
0x2a: {  	p0 =	seq.s32 s5, $0x0;
	s5 =	sld [smem:$0x3FB2]  }
0x2b: {  	s6 =	sld [smem:$0x3FB3]  }
0x2c: {  	s7 =	sld [smem:$0x3FB4]  }
0x2d: {  	s3 =	simm.s32 $0x108;
	s8 =	sld [smem:$0x3FB5]  }
0x2e: {  	s3 =	simm.s32 @!p0 $0x1082;
	s9 =	sld [smem:$0x3FB6]  }
0x2f: {  	lr =	sadd.s32 s0, s3;
	s0 =	sld [smem:$0x3FAD]  }
0x30: {  	s3 =	sld [smem:$0x3FB0]  }
0x31: {  	[smem:$0x3FB9] =	sst s10  }
0x32: {  	s10 =	sld [smem:$0x3FB7];
	_ =	sdelay $0x3  }
0x33: {  	p0 =	seq.s32 s10, $0x1;
	s10 =	sld [smem:$0x3FB9];
	_ =	sdelay $0x3  }
0x34: {  	[smem:$0x3FB9] =	sst s10  }
0x35: {  	s10 =	sld [smem:$0x3FB8];
	_ =	sdelay $0x3  }
0x36: {  	p1 =	seq.s32 s10, $0x1;
	s10 =	sld [smem:$0x3FB9];
	_ =	sdelay $0x3  }
0x37: {  	[smem:$0x3FB9] =	sst s10  }
0x38: {  	s10 =	sld [smem:$0x3FBA]  }
0x39: {  	_ = 	snop;
	(pc) =	sbr.ind lr, $3  }
0x3a: {  	_ = 	snop  }
0x3b: {  	_ = 	snop  }
0x3c: {  	p2 =	seq.s32 s10, $0x1;
	s10 =	sld [smem:$0x3FB9]  }
0x3d: {  	_ =	shalt  }
0x3e: {  	_ =	shalt  }
0x3f: {  	_ =	shalt  }
0x40: {  	_ =	shalt  }
0x41: {  	_ =	shalt  }
0x42: {  	_ =	shalt  }
0x43: {  	_ =	shalt  }
0x44: {  	_ =	shalt  }
0x45: {  	_ =	shalt  }
0x46: {  	_ =	shalt  }
0x47: {  	_ =	shalt  }
0x48: {  	_ =	shalt  }
0x49: {  	_ =	shalt  }
0x4a: {  	_ =	shalt  }
0x4b: {  	_ =	shalt  }
0x4c: {  	_ =	shalt  }
0x4d: {  	_ =	shalt  }
0x4e: {  	_ =	shalt  }
0x4f: {  	_ =	shalt  }
0x50: {  	_ =	shalt  }
0x51: {  	_ =	shalt  }
0x52: {  	_ =	shalt  }
0x53: {  	_ =	shalt  }
0x54: {  	_ =	shalt  }
0x55: {  	_ =	shalt  }
0x56: {  	_ =	shalt  }
0x57: {  	_ =	shalt  }
0x58: {  	_ =	shalt  }
0x59: {  	_ =	shalt  }
0x5a: {  	_ =	shalt  }
0x5b: {  	_ =	shalt  }
0x5c: {  	_ =	shalt  }
0x5d: {  	_ =	shalt  }
0x5e: {  	_ =	shalt  }
0x5f: {  	_ =	shalt  }
0x60: {  	_ =	shalt  }
0x61: {  	_ =	shalt  }
0x62: {  	_ =	shalt  }
0x63: {  	_ =	shalt  }
0x64: {  	_ =	shalt  }
0x65: {  	_ =	shalt  }
0x66: {  	_ =	shalt  }
0x67: {  	_ =	shalt  }
0x68: {  	_ =	shalt  }
0x69: {  	_ =	shalt  }
0x6a: {  	_ =	shalt  }
0x6b: {  	_ =	shalt  }
0x6c: {  	_ =	shalt  }
0x6d: {  	_ =	shalt  }
0x6e: {  	_ =	shalt  }
0x6f: {  	_ =	shalt  }
0x70: {  	_ =	shalt  }
0x71: {  	_ =	shalt  }
0x72: {  	_ =	shalt  }
0x73: {  	_ =	shalt  }
0x74: {  	_ =	shalt  }
0x75: {  	_ =	shalt  }
0x76: {  	_ =	shalt  }
0x77: {  	_ =	shalt  }
0x78: {  	_ =	shalt  }
0x79: {  	_ =	shalt  }
0x7a: {  	_ =	shalt  }
0x7b: {  	_ =	shalt  }
0x7c: {  	_ =	shalt  }
0x7d: {  	_ =	shalt  }
0x7e: {  	_ =	shalt  }
0x7f: {  	_ =	shalt  }
0x80: {  	_ =	shalt  }
0x81: {  	_ =	shalt  }
0x82: {  	_ =	shalt  }
0x83: {  	_ =	shalt  }
0x84: {  	_ =	shalt  }
0x85: {  	_ =	shalt  }
0x86: {  	_ =	shalt  }
0x87: {  	_ =	shalt  }
.Lfunc_end0:
.L_simem_size_0:
called_computation.1_lowered:
.L_overlay_start_0:
0x88: {  	s2 =	sld [smem:$0x3FD9]  }
0x89: {  	s3 =	sld [smem:$0x3FFE];
	_ =	sdelay $0x1  }
0x8a: {  	s1 =	srdreg.scid  }
0x8b: {  	s0 =	sand.u32 $0x1, s1  }
0x8c: {  	s17 =	sshll.u32 s0, $0xA;
	s2 =	sadd.s32 s3, s2  }
0x8d: {  	s2 =	sadd.s32 s2, s17  }
0x8e: {  	[smem:$0x3FC5] =	sst s2  }
0x8f: {  	_ = 	snop  }
0x90: {  	s2 =	sld [smem:$0x3FD0];
	(tm) =	ssettm $0x1  }
0x91: {  	s18 =	sld [smem:$0x3FFB];
	_ =	sdelay $0x3  }
0x92: {  	_ =	strace s18  }
0x93: {  	s3 =	sld [smem:$0x3FFC];
	_ =	sdelay $0x3  }
0x94: {  	_ =	strace s3  }
0x95: {  	s3 =	sld [smem:$0x3FFD];
	_ =	sdelay $0x3  }
0x96: {  	_ =	strace s3  }
0x97: {  	_ =	strace $0x8FFFFFFF  }
0x98: {  	s19 =	sld [smem:$0x3FDB];
	_ =	sdelay $0x1  }
0x99: {  	s4 =	simm.s32 $_scs_section_size  }
0x9a: {  	s5 =	simm.s32 $_size__tile_overlayer_lowered;
	s6 =	simm.s32 $_tile_overlayer_lowered  }
0x9b: {  	s22 =	simm.s32 $0x1BFF;
	s21 =	sshll.u32 s6, $0x1;
	s3 =	sadd.s32 s4, s19  }
0x9c: {  	s7 =	simm.s32 $0x0;
	s20 =	sshll.u32 s5, $0x1;
	s5 =	sadd.s32 s21, s3  }
0x9d: {  	[timem:s7], [sflag:s22] =	dma.local [hbm:s5], s20  }
0x9e: {  	_ =	swait.ge [sflag:s22], s20  }
0x9f: {  	s4 =	ssub.s32 $0x0, s20;
	[sflag:s22] =	ssyncset.done $0x0  }
0xa0: {  	[sflag:s22] =	ssyncadd.s32 s4;
	_ =	sdelay $0x1  }
0xa1: {  	s23 =	simm.s32 $0x1B8B  }
0xa2: {  	_ =	swait.ge [sflag:s23], $0x1  }
0xa3: {  	[sflag:s23] =	ssyncset.done $0x0  }
0xa4: {  	s25 =	simm.s32 $0x1B8E;
	s24 =	sld [smem:$0x3FFE];
	[sflag:s23] =	ssyncadd.s32 $0xFFFFFFFF  }
0xa5: {  	s26 =	simm.s32 $execute0_lowered;
	[smem:$0x3FD2] =	sst s25  }
0xa6: {  	s5 =	sshll.u32 s26, $0x1;
	_ =	strace $0x80000049;
	[dreg:$0x1] =	wrdreg $0xFFFFFFFF  }
0xa7: {  	s28 =	simm.s32 $_size_execute0_lowered;
	s3 =	sadd.s32 s3, s5;
	[dreg:$0x0] =	wrdreg $0x0  }
0xa8: {  	s5 =	sshll.u32 s28, $0x1;
	[dreg:$0x2] =	wrdreg s3  }
0xa9: {  	[dreg:$0x3] =	wrdreg s5  }
0xaa: {  	[dreg:$0x4] =	wrdreg $0xC0  }
0xab: {  	_ =	task [dreg:s7], $0x5FFFF  }
0xac: {  	[dreg:$0x1] =	wrdreg $0xFFFFFFFF  }
0xad: {  	[dreg:$0x0] =	wrdreg $0x60  }
0xae: {  	[dreg:$0x2] =	wrdreg s24  }
0xaf: {  	[dreg:$0x3] =	wrdreg s2  }
0xb0: {  	[dreg:$0x4] =	wrdreg $0x9  }
0xb1: {  	_ =	task.clear_ibuf [dreg:s7], $0x5FFFF;
	_ =	strace $0x90000049  }
0xb2: {  	s29 =	simm.s32 $0x9;
	_ =	strace $0x8000004B  }
0xb3: {  	_ =	swait.ge [sflag:s29], $0x1  }
0xb4: {  	[sflag:s29] =	ssyncadd.s32 $0xFFFFFFFF  }
0xb5: {  	_ =	strace $0x9000004B  }
0xb6: {  	_ =	sfence  }
0xb7: {  	s30 =	sld [smem:$0x0];
	_ =	sdelay $0x2  }
0xb8: {  	s31 =	sshll.u32 s1, $0xD;
	s1 =	sshrl.u32 s1, $0x2  }
0xb9: {  	s3 =	sand.u32 $0x4000, s31;
	s1 =	sadd.s32 s1, s30  }
0xba: {  	s0 =	sor.u32 s3, s0;
	s1 =	sshll.u32 s1, $0x11  }
0xbb: {  	s0 =	sor.u32 s1, s0  }
0xbc: {  	s0 =	sadd.s32 $0x8F2B, s0  }
0xbd: {  	[sflag:s0] =	ssyncadd.remote.s32 $0x1  }
0xbe: {  	_ =	sfence.sel $0xFFFF  }
0xbf: {  	[dreg:$0x0] =	wrdreg $0xFFFFFFFF;
	(pc) =	sbr.abs _section_cstart, $3  }
0xc0: {  	[dreg:$0x1] =	wrdreg $0xFFFFFFFF  }
0xc1: {  	_ =	task.clear_ibuf [dreg:s7], $0x2FFFF;
	_ =	strace $0x9FFFFFFF  }
0xc2: {  	(tm) =	ssettm $0x7FFFFFFF  }
0xc3: {  	_ =	shalt  }
tec
execute0_lowered:
.L_overlay_start_1:
0x0: {  	(tag) =	ssettag $0x1  }
0x1: {  	s0 =	rddreg [dreg:$0x0]  }
0x2: {  	s1 =	rddreg [dreg:$0x1];
	s3 =	simm.s32 $0x0  }
0x3: {  	s2 =	srdreg.scid;
	s5 =	stileid.u32;
	s9 =	simm.s32 $0x2  }
0x4: {  	s10 =	simm.s32 $0x80;
	s11 =	simm.s32 $0x400;
	s12 =	simm.s32 $0xC00  }
0x5: {  	s13 =	simm.s32 $0x100;
	s14 =	simm.s32 $0x1400;
	s15 =	simm.s32 $0x180  }
0x6: {  	s16 =	simm.s32 $0x1C00;
	s17 =	simm.s32 $0x200;
	s18 =	simm.s32 $0x2400  }
0x7: {  	s19 =	simm.s32 $0x280;
	s20 =	simm.s32 $0x2C00;
	s21 =	simm.s32 $0x300  }
0x8: {  	s22 =	simm.s32 $0x3400;
	s23 =	simm.s32 $0x380;
	s24 =	simm.s32 $0x3C00  }
0x9: {  	s25 =	simm.s32 $0x1;
	s26 =	simm.s32 $0x4400;
	s2 =	sand.u32 $0x1, s2  }
0xa: {  	s28 =	simm.s32 $0x6400;
	s29 =	simm.s32 $0x0;
	s6 =	ssub.s32 $0x2, s2  }
0xb: {  	[smem:$0x7FF] =	sst s3;
	s4 =	sadd.s32 $0xA00, s0;
	s31 =	sshrl.u32 s6, $0x1  }
0xc: {  	s7 =	sshll.u32 s5, $0x1;
	s5 =	sadd.s32 $0x112B400, s0;
	s0 =	ssub.s32 s6, s31  }
0xd: {  	v0 =	vlaneseq.u32;
	_ =	strace $0x8000004A;
	s2 =	sor.u32 s2, s7;
	s0 =	smax.u32 s0, $0x1  }
0xe: {  	v1 =	vmul.u32 $0x10, v0;
	s7 =	sadd.s32 $0x4000, s1;
	s6 =	smul.u32 $0xC8, s2;
	[dreg:$0x3] =	wrdreg s0  }
.LBB2_1:
0xf: {  	s30 =	simm.s32 $0x0  }
.LBB2_2:
0x10: {  	s0 =	sshll.u32 s30, $0x3  }
0x11: {  	s31 =	sadd.s32 s6, s0  }
0x12: {  	s0 =	sshll.u32 s31, $0x4  }
0x13: {  	s0 =	sadd.s32 s5, s0  }
0x14: {  	[tilespmem:s3], [sflag:$0x2] =	stream.linear.gather [hbm4b:s0+s3], $0x400, $0x38;
	[tilespmem:$0x8400] =	vst v63  }
0x15: {  	_ =	swait.ge [sflag:s9], $0x400  }
0x16: {  	[sflag:s9] =	ssyncset.done $0x0  }
0x17: {  	[sflag:s9] =	ssyncadd.s32 $0xFFFFFC00  }
0x18: {  	[tilespmem:s11], [sflag:$0x1] =	stream.indirect.gather [hbm4b:s4+s10], $0x10, s3, s10, $0xb8;
	[tilespmem:$0x8400] =	vst v63  }
0x19: {  	_ = 	snop  }
0x1a: {  	[tilespmem:s12], [sflag:$0x1] =	stream.indirect.gather [hbm4b:s4+s10], $0x10, s10, s10, $0xb8;
	[tilespmem:$0x8400] =	vst v63  }
0x1b: {  	_ = 	snop  }
0x1c: {  	[tilespmem:s14], [sflag:$0x1] =	stream.indirect.gather [hbm4b:s4+s10], $0x10, s13, s10, $0xb8;
	[tilespmem:$0x8400] =	vst v63  }
0x1d: {  	_ = 	snop  }
0x1e: {  	[tilespmem:s16], [sflag:$0x1] =	stream.indirect.gather [hbm4b:s4+s10], $0x10, s15, s10, $0xb8;
	[tilespmem:$0x8400] =	vst v63  }
0x1f: {  	_ = 	snop  }
0x20: {  	[tilespmem:s18], [sflag:$0x1] =	stream.indirect.gather [hbm4b:s4+s10], $0x10, s17, s10, $0xb8;
	[tilespmem:$0x8400] =	vst v63  }
0x21: {  	_ = 	snop  }
0x22: {  	[tilespmem:s20], [sflag:$0x1] =	stream.indirect.gather [hbm4b:s4+s10], $0x10, s19, s10, $0xb8;
	[tilespmem:$0x8400] =	vst v63  }
0x23: {  	_ = 	snop  }
0x24: {  	[tilespmem:s22], [sflag:$0x1] =	stream.indirect.gather [hbm4b:s4+s10], $0x10, s21, s10, $0xb8;
	[tilespmem:$0x8400] =	vst v63  }
0x25: {  	_ = 	snop  }
0x26: {  	[tilespmem:s24], [sflag:$0x1] =	stream.indirect.gather [hbm4b:s4+s10], $0x10, s23, s10, $0xb8;
	[tilespmem:$0x8400] =	vst v63  }
0x27: {  	_ =	swait.ge [sflag:s25], $0x800  }
0x28: {  	[sflag:s25] =	ssyncset.done $0x0  }
0x29: {  	[sflag:s25] =	ssyncadd.s32 $0xFFFFF800  }
0x2a: {  	_ =	swait.ge [sflag:s25], $0x800  }
0x2b: {  	[sflag:s25] =	ssyncset.done $0x0  }
0x2c: {  	[sflag:s25] =	ssyncadd.s32 $0xFFFFF800  }
0x2d: {  	_ =	swait.ge [sflag:s25], $0x800  }
0x2e: {  	[sflag:s25] =	ssyncset.done $0x0  }
0x2f: {  	[sflag:s25] =	ssyncadd.s32 $0xFFFFF800  }
0x30: {  	_ =	swait.ge [sflag:s25], $0x800  }
0x31: {  	[sflag:s25] =	ssyncset.done $0x0  }
0x32: {  	[sflag:s25] =	ssyncadd.s32 $0xFFFFF800  }
0x33: {  	_ =	swait.ge [sflag:s25], $0x800  }
0x34: {  	[sflag:s25] =	ssyncset.done $0x0  }
0x35: {  	[sflag:s25] =	ssyncadd.s32 $0xFFFFF800  }
0x36: {  	_ =	swait.ge [sflag:s25], $0x800  }
0x37: {  	[sflag:s25] =	ssyncset.done $0x0  }
0x38: {  	[sflag:s25] =	ssyncadd.s32 $0xFFFFF800  }
0x39: {  	_ =	swait.ge [sflag:s25], $0x800  }
0x3a: {  	[sflag:s25] =	ssyncset.done $0x0  }
0x3b: {  	[sflag:s25] =	ssyncadd.s32 $0xFFFFF800  }
0x3c: {  	_ =	swait.ge [sflag:s25], $0x800  }
0x3d: {  	[sflag:s25] =	ssyncset.done $0x0  }
0x3e: {  	s2 =	simm.s32 $0x70;
	s0 =	simm.s32 $0x3F0;
	[sflag:s25] =	ssyncadd.s32 $0xFFFFF800  }
.LBB2_3:
0x3f: {  	s8 =	sadd.s32 $0xFFFFFF90, s2  }
0x40: {  	v2 =	vmov s8  }
0x41: {  	v2 =	vshll.u32 v2, $0x4  }
0x42: {  	v2 =	vor.u32 v1, v2;
	_ =	sdelay $0x3  }
0x43: {  	s8 =	sadd.s32 $0xFFFFFC10, s0  }
0x44: {  	v4 =	vor.u32 s8, v0;
	v3 =	vld.idx.msk [tilespmem:v2+s11+$0x0], $0xffff  }
0x45: {  	v5 =	vor.u32 $0x1, v2;
	_ =	sdelay $0x3  }
0x46: {  	s8 =	sadd.s32 $0xFFFFFC90, s0;
	[tilespmem:v4+s26+$0x0] =	vst.idx.msk $0xffff, v3  }
0x47: {  	v42 =	vor.u32 s8, v0;
	v3 =	vld.idx.msk [tilespmem:v5+s11+$0x0], $0xffff  }
0x48: {  	v6 =	vor.u32 $0x2, v2;
	_ =	sdelay $0x3  }
0x49: {  	s8 =	sadd.s32 $0xFFFFFD10, s0;
	[tilespmem:v42+s26+$0x0] =	vst.idx.msk $0xffff, v3  }
0x4a: {  	v43 =	vor.u32 s8, v0;
	v3 =	vld.idx.msk [tilespmem:v6+s11+$0x0], $0xffff  }
0x4b: {  	v7 =	vor.u32 $0x3, v2;
	_ =	sdelay $0x3  }
0x4c: {  	s8 =	sadd.s32 $0xFFFFFD90, s0;
	[tilespmem:v43+s26+$0x0] =	vst.idx.msk $0xffff, v3  }
0x4d: {  	v44 =	vor.u32 s8, v0;
	v3 =	vld.idx.msk [tilespmem:v7+s11+$0x0], $0xffff  }
0x4e: {  	v8 =	vor.u32 $0x4, v2;
	_ =	sdelay $0x3  }
0x4f: {  	s8 =	sadd.s32 $0xFFFFFE10, s0;
	[tilespmem:v44+s26+$0x0] =	vst.idx.msk $0xffff, v3  }
0x50: {  	v45 =	vor.u32 s8, v0;
	v3 =	vld.idx.msk [tilespmem:v8+s11+$0x0], $0xffff  }
0x51: {  	v9 =	vor.u32 $0x5, v2;
	_ =	sdelay $0x3  }
0x52: {  	s8 =	sadd.s32 $0xFFFFFE90, s0;
	[tilespmem:v45+s26+$0x0] =	vst.idx.msk $0xffff, v3  }
0x53: {  	v46 =	vor.u32 s8, v0;
	v3 =	vld.idx.msk [tilespmem:v9+s11+$0x0], $0xffff  }
0x54: {  	v10 =	vor.u32 $0x6, v2;
	_ =	sdelay $0x3  }
0x55: {  	s8 =	sadd.s32 $0xFFFFFF10, s0;
	[tilespmem:v46+s26+$0x0] =	vst.idx.msk $0xffff, v3  }
0x56: {  	v47 =	vor.u32 s8, v0;
	v3 =	vld.idx.msk [tilespmem:v10+s11+$0x0], $0xffff  }
0x57: {  	v11 =	vor.u32 $0x7, v2;
	_ =	sdelay $0x3  }
0x58: {  	s8 =	sadd.s32 $0xFFFFFF90, s0;
	[tilespmem:v47+s26+$0x0] =	vst.idx.msk $0xffff, v3  }
0x59: {  	v48 =	vor.u32 s8, v0;
	v3 =	vld.idx.msk [tilespmem:v11+s11+$0x0], $0xffff  }
0x5a: {  	v12 =	vor.u32 $0x8, v2;
	_ =	sdelay $0x3  }
0x5b: {  	[tilespmem:v48+s26+$0x0] =	vst.idx.msk $0xffff, v3  }
0x5c: {  	v3 =	vld.idx.msk [tilespmem:v12+s11+$0x0], $0xffff  }
0x5d: {  	v49 =	vor.u32 $0x9, v2;
	_ =	sdelay $0x3  }
0x5e: {  	[tilespmem:v4+s28+$0x0] =	vst.idx.msk $0xffff, v3  }
0x5f: {  	v3 =	vld.idx.msk [tilespmem:v49+s11+$0x0], $0xffff  }
0x60: {  	v50 =	vor.u32 $0xA, v2;
	_ =	sdelay $0x3  }
0x61: {  	[tilespmem:v42+s28+$0x0] =	vst.idx.msk $0xffff, v3  }
0x62: {  	v3 =	vld.idx.msk [tilespmem:v50+s11+$0x0], $0xffff  }
0x63: {  	v51 =	vor.u32 $0xB, v2;
	_ =	sdelay $0x3  }
0x64: {  	[tilespmem:v43+s28+$0x0] =	vst.idx.msk $0xffff, v3  }
0x65: {  	v3 =	vld.idx.msk [tilespmem:v51+s11+$0x0], $0xffff  }
0x66: {  	v52 =	vor.u32 $0xC, v2;
	_ =	sdelay $0x3  }
0x67: {  	[tilespmem:v44+s28+$0x0] =	vst.idx.msk $0xffff, v3  }
0x68: {  	v3 =	vld.idx.msk [tilespmem:v52+s11+$0x0], $0xffff  }
0x69: {  	v53 =	vor.u32 $0xD, v2;
	_ =	sdelay $0x3  }
0x6a: {  	[tilespmem:v45+s28+$0x0] =	vst.idx.msk $0xffff, v3  }
0x6b: {  	v3 =	vld.idx.msk [tilespmem:v53+s11+$0x0], $0xffff  }
0x6c: {  	v54 =	vor.u32 $0xE, v2;
	_ =	sdelay $0x3  }
0x6d: {  	[tilespmem:v46+s28+$0x0] =	vst.idx.msk $0xffff, v3  }
0x6e: {  	v3 =	vld.idx.msk [tilespmem:v54+s11+$0x0], $0xffff  }
0x6f: {  	v2 =	vor.u32 $0xF, v2;
	_ =	sdelay $0x2  }
0x70: {  	s8 =	sadd.s32 $0xFFFFFFA0, s2  }
0x71: {  	[tilespmem:v47+s28+$0x0] =	vst.idx.msk $0xffff, v3;
	v3 =	vmov s8  }
0x72: {  	v2 =	vld.idx.msk [tilespmem:v2+s11+$0x0], $0xffff;
	v3 =	vshll.u32 v3, $0x4  }
0x73: {  	v3 =	vor.u32 v1, v3;
	_ =	sdelay $0x3  }
0x74: {  	s8 =	sadd.s32 $0xFFFFFC20, s0;
	[tilespmem:v48+s28+$0x0] =	vst.idx.msk $0xffff, v2  }
0x75: {  	v55 =	vor.u32 s8, v0;
	v2 =	vld.idx.msk [tilespmem:v3+s11+$0x0], $0xffff  }
0x76: {  	v56 =	vor.u32 $0x1, v3;
	_ =	sdelay $0x3  }
0x77: {  	s8 =	sadd.s32 $0xFFFFFCA0, s0;
	[tilespmem:v55+s26+$0x0] =	vst.idx.msk $0xffff, v2  }
0x78: {  	v57 =	vor.u32 s8, v0;
	v2 =	vld.idx.msk [tilespmem:v56+s11+$0x0], $0xffff  }
0x79: {  	v58 =	vor.u32 $0x2, v3;
	_ =	sdelay $0x3  }
0x7a: {  	s8 =	sadd.s32 $0xFFFFFD20, s0;
	[tilespmem:v57+s26+$0x0] =	vst.idx.msk $0xffff, v2  }
0x7b: {  	v59 =	vor.u32 s8, v0;
	v2 =	vld.idx.msk [tilespmem:v58+s11+$0x0], $0xffff  }
0x7c: {  	v60 =	vor.u32 $0x3, v3;
	_ =	sdelay $0x3  }
0x7d: {  	s8 =	sadd.s32 $0xFFFFFDA0, s0;
	[tilespmem:v59+s26+$0x0] =	vst.idx.msk $0xffff, v2  }
0x7e: {  	v61 =	vor.u32 s8, v0;
	v2 =	vld.idx.msk [tilespmem:v60+s11+$0x0], $0xffff  }
0x7f: {  	v62 =	vor.u32 $0x4, v3;
	_ =	sdelay $0x3  }
0x80: {  	s8 =	sadd.s32 $0xFFFFFE20, s0;
	[tilespmem:v61+s26+$0x0] =	vst.idx.msk $0xffff, v2  }
0x81: {  	v63 =	vor.u32 s8, v0;
	v2 =	vld.idx.msk [tilespmem:v62+s11+$0x0], $0xffff  }
0x82: {  	v16 =	vor.u32 $0x5, v3;
	_ =	sdelay $0x3  }
0x83: {  	s8 =	sadd.s32 $0xFFFFFEA0, s0;
	[tilespmem:v63+s26+$0x0] =	vst.idx.msk $0xffff, v2  }
0x84: {  	v17 =	vor.u32 s8, v0;
	v2 =	vld.idx.msk [tilespmem:v16+s11+$0x0], $0xffff  }
0x85: {  	v18 =	vor.u32 $0x6, v3;
	_ =	sdelay $0x3  }
0x86: {  	s8 =	sadd.s32 $0xFFFFFF20, s0;
	[tilespmem:v17+s26+$0x0] =	vst.idx.msk $0xffff, v2  }
0x87: {  	v19 =	vor.u32 s8, v0;
	v2 =	vld.idx.msk [tilespmem:v18+s11+$0x0], $0xffff  }
0x88: {  	v20 =	vor.u32 $0x7, v3;
	_ =	sdelay $0x3  }
0x89: {  	s8 =	sadd.s32 $0xFFFFFFA0, s0;
	[tilespmem:v19+s26+$0x0] =	vst.idx.msk $0xffff, v2  }
0x8a: {  	v21 =	vor.u32 s8, v0;
	v2 =	vld.idx.msk [tilespmem:v20+s11+$0x0], $0xffff  }
0x8b: {  	v22 =	vor.u32 $0x8, v3;
	_ =	sdelay $0x3  }
0x8c: {  	[tilespmem:v21+s26+$0x0] =	vst.idx.msk $0xffff, v2  }
0x8d: {  	v2 =	vld.idx.msk [tilespmem:v22+s11+$0x0], $0xffff  }
0x8e: {  	v23 =	vor.u32 $0x9, v3;
	_ =	sdelay $0x3  }
0x8f: {  	[tilespmem:v55+s28+$0x0] =	vst.idx.msk $0xffff, v2  }
0x90: {  	v2 =	vld.idx.msk [tilespmem:v23+s11+$0x0], $0xffff  }
0x91: {  	v24 =	vor.u32 $0xA, v3;
	_ =	sdelay $0x3  }
0x92: {  	[tilespmem:v57+s28+$0x0] =	vst.idx.msk $0xffff, v2  }
0x93: {  	v2 =	vld.idx.msk [tilespmem:v24+s11+$0x0], $0xffff  }
0x94: {  	v25 =	vor.u32 $0xB, v3;
	_ =	sdelay $0x3  }
0x95: {  	[tilespmem:v59+s28+$0x0] =	vst.idx.msk $0xffff, v2  }
0x96: {  	v2 =	vld.idx.msk [tilespmem:v25+s11+$0x0], $0xffff  }
0x97: {  	v26 =	vor.u32 $0xC, v3;
	_ =	sdelay $0x3  }
0x98: {  	[tilespmem:v61+s28+$0x0] =	vst.idx.msk $0xffff, v2  }
0x99: {  	v2 =	vld.idx.msk [tilespmem:v26+s11+$0x0], $0xffff  }
0x9a: {  	v27 =	vor.u32 $0xD, v3;
	_ =	sdelay $0x3  }
0x9b: {  	[tilespmem:v63+s28+$0x0] =	vst.idx.msk $0xffff, v2  }
0x9c: {  	v2 =	vld.idx.msk [tilespmem:v27+s11+$0x0], $0xffff  }
0x9d: {  	v28 =	vor.u32 $0xE, v3;
	_ =	sdelay $0x3  }
0x9e: {  	[tilespmem:v17+s28+$0x0] =	vst.idx.msk $0xffff, v2  }
0x9f: {  	v2 =	vld.idx.msk [tilespmem:v28+s11+$0x0], $0xffff  }
0xa0: {  	v3 =	vor.u32 $0xF, v3;
	_ =	sdelay $0x2  }
0xa1: {  	s8 =	sadd.s32 $0xFFFFFFB0, s2  }
0xa2: {  	[tilespmem:v19+s28+$0x0] =	vst.idx.msk $0xffff, v2;
	v2 =	vmov s8  }
0xa3: {  	v3 =	vld.idx.msk [tilespmem:v3+s11+$0x0], $0xffff;
	v2 =	vshll.u32 v2, $0x4  }
0xa4: {  	v2 =	vor.u32 v1, v2;
	_ =	sdelay $0x3  }
0xa5: {  	s8 =	sadd.s32 $0xFFFFFC30, s0;
	[tilespmem:v21+s28+$0x0] =	vst.idx.msk $0xffff, v3  }
0xa6: {  	v29 =	vor.u32 s8, v0;
	v3 =	vld.idx.msk [tilespmem:v2+s11+$0x0], $0xffff  }
0xa7: {  	v30 =	vor.u32 $0x1, v2;
	_ =	sdelay $0x3  }
0xa8: {  	s8 =	sadd.s32 $0xFFFFFCB0, s0;
	[tilespmem:v29+s26+$0x0] =	vst.idx.msk $0xffff, v3  }
0xa9: {  	v31 =	vor.u32 s8, v0;
	v3 =	vld.idx.msk [tilespmem:v30+s11+$0x0], $0xffff  }
0xaa: {  	v32 =	vor.u32 $0x2, v2;
	_ =	sdelay $0x3  }
0xab: {  	s8 =	sadd.s32 $0xFFFFFD30, s0;
	[tilespmem:v31+s26+$0x0] =	vst.idx.msk $0xffff, v3  }
0xac: {  	v33 =	vor.u32 s8, v0;
	v3 =	vld.idx.msk [tilespmem:v32+s11+$0x0], $0xffff  }
0xad: {  	v34 =	vor.u32 $0x3, v2;
	_ =	sdelay $0x3  }
0xae: {  	s8 =	sadd.s32 $0xFFFFFDB0, s0;
	[tilespmem:v33+s26+$0x0] =	vst.idx.msk $0xffff, v3  }
0xaf: {  	v35 =	vor.u32 s8, v0;
	v3 =	vld.idx.msk [tilespmem:v34+s11+$0x0], $0xffff  }
0xb0: {  	v36 =	vor.u32 $0x4, v2;
	_ =	sdelay $0x3  }
0xb1: {  	s8 =	sadd.s32 $0xFFFFFE30, s0;
	[tilespmem:v35+s26+$0x0] =	vst.idx.msk $0xffff, v3  }
0xb2: {  	v37 =	vor.u32 s8, v0;
	v3 =	vld.idx.msk [tilespmem:v36+s11+$0x0], $0xffff  }
0xb3: {  	v38 =	vor.u32 $0x5, v2;
	_ =	sdelay $0x3  }
0xb4: {  	s8 =	sadd.s32 $0xFFFFFEB0, s0;
	[tilespmem:v37+s26+$0x0] =	vst.idx.msk $0xffff, v3  }
0xb5: {  	v39 =	vor.u32 s8, v0;
	v3 =	vld.idx.msk [tilespmem:v38+s11+$0x0], $0xffff  }
0xb6: {  	v40 =	vor.u32 $0x6, v2;
	_ =	sdelay $0x3  }
0xb7: {  	s8 =	sadd.s32 $0xFFFFFF30, s0;
	[tilespmem:v39+s26+$0x0] =	vst.idx.msk $0xffff, v3  }
0xb8: {  	v41 =	vor.u32 s8, v0;
	v3 =	vld.idx.msk [tilespmem:v40+s11+$0x0], $0xffff  }
0xb9: {  	v42 =	vor.u32 $0x7, v2;
	_ =	sdelay $0x3  }
0xba: {  	s8 =	sadd.s32 $0xFFFFFFB0, s0;
	[tilespmem:v41+s26+$0x0] =	vst.idx.msk $0xffff, v3  }
0xbb: {  	v43 =	vor.u32 s8, v0;
	v3 =	vld.idx.msk [tilespmem:v42+s11+$0x0], $0xffff  }
0xbc: {  	v44 =	vor.u32 $0x8, v2;
	_ =	sdelay $0x3  }
0xbd: {  	[tilespmem:v43+s26+$0x0] =	vst.idx.msk $0xffff, v3  }
0xbe: {  	v3 =	vld.idx.msk [tilespmem:v44+s11+$0x0], $0xffff  }
0xbf: {  	v45 =	vor.u32 $0x9, v2;
	_ =	sdelay $0x3  }
0xc0: {  	[tilespmem:v29+s28+$0x0] =	vst.idx.msk $0xffff, v3  }
0xc1: {  	v3 =	vld.idx.msk [tilespmem:v45+s11+$0x0], $0xffff  }
0xc2: {  	v46 =	vor.u32 $0xA, v2;
	_ =	sdelay $0x3  }
0xc3: {  	[tilespmem:v31+s28+$0x0] =	vst.idx.msk $0xffff, v3  }
0xc4: {  	v3 =	vld.idx.msk [tilespmem:v46+s11+$0x0], $0xffff  }
0xc5: {  	v47 =	vor.u32 $0xB, v2;
	_ =	sdelay $0x3  }
0xc6: {  	[tilespmem:v33+s28+$0x0] =	vst.idx.msk $0xffff, v3  }
0xc7: {  	v3 =	vld.idx.msk [tilespmem:v47+s11+$0x0], $0xffff  }
0xc8: {  	v48 =	vor.u32 $0xC, v2;
	_ =	sdelay $0x3  }
0xc9: {  	[tilespmem:v35+s28+$0x0] =	vst.idx.msk $0xffff, v3  }
0xca: {  	v3 =	vld.idx.msk [tilespmem:v48+s11+$0x0], $0xffff  }
0xcb: {  	v49 =	vor.u32 $0xD, v2;
	_ =	sdelay $0x3  }
0xcc: {  	[tilespmem:v37+s28+$0x0] =	vst.idx.msk $0xffff, v3  }
0xcd: {  	v3 =	vld.idx.msk [tilespmem:v49+s11+$0x0], $0xffff  }
0xce: {  	v50 =	vor.u32 $0xE, v2;
	_ =	sdelay $0x3  }
0xcf: {  	[tilespmem:v39+s28+$0x0] =	vst.idx.msk $0xffff, v3  }
0xd0: {  	v3 =	vld.idx.msk [tilespmem:v50+s11+$0x0], $0xffff  }
0xd1: {  	v2 =	vor.u32 $0xF, v2;
	_ =	sdelay $0x2  }
0xd2: {  	s8 =	sadd.s32 $0xFFFFFFC0, s2  }
0xd3: {  	[tilespmem:v41+s28+$0x0] =	vst.idx.msk $0xffff, v3;
	v3 =	vmov s8  }
0xd4: {  	v2 =	vld.idx.msk [tilespmem:v2+s11+$0x0], $0xffff;
	v3 =	vshll.u32 v3, $0x4  }
0xd5: {  	v3 =	vor.u32 v1, v3;
	_ =	sdelay $0x3  }
0xd6: {  	s8 =	sadd.s32 $0xFFFFFC40, s0;
	[tilespmem:v43+s28+$0x0] =	vst.idx.msk $0xffff, v2  }
0xd7: {  	v51 =	vor.u32 s8, v0;
	v2 =	vld.idx.msk [tilespmem:v3+s11+$0x0], $0xffff  }
0xd8: {  	v52 =	vor.u32 $0x1, v3;
	_ =	sdelay $0x3  }
0xd9: {  	s8 =	sadd.s32 $0xFFFFFCC0, s0;
	[tilespmem:v51+s26+$0x0] =	vst.idx.msk $0xffff, v2  }
0xda: {  	v53 =	vor.u32 s8, v0;
	v2 =	vld.idx.msk [tilespmem:v52+s11+$0x0], $0xffff  }
0xdb: {  	v54 =	vor.u32 $0x2, v3;
	_ =	sdelay $0x3  }
0xdc: {  	s8 =	sadd.s32 $0xFFFFFD40, s0;
	[tilespmem:v53+s26+$0x0] =	vst.idx.msk $0xffff, v2  }
0xdd: {  	v55 =	vor.u32 s8, v0;
	v2 =	vld.idx.msk [tilespmem:v54+s11+$0x0], $0xffff  }
0xde: {  	v56 =	vor.u32 $0x3, v3;
	_ =	sdelay $0x3  }
0xdf: {  	s8 =	sadd.s32 $0xFFFFFDC0, s0;
	[tilespmem:v55+s26+$0x0] =	vst.idx.msk $0xffff, v2  }
0xe0: {  	v57 =	vor.u32 s8, v0;
	v2 =	vld.idx.msk [tilespmem:v56+s11+$0x0], $0xffff  }
0xe1: {  	v58 =	vor.u32 $0x4, v3;
	_ =	sdelay $0x3  }
0xe2: {  	s8 =	sadd.s32 $0xFFFFFE40, s0;
	[tilespmem:v57+s26+$0x0] =	vst.idx.msk $0xffff, v2  }
0xe3: {  	v59 =	vor.u32 s8, v0;
	v2 =	vld.idx.msk [tilespmem:v58+s11+$0x0], $0xffff  }
0xe4: {  	v60 =	vor.u32 $0x5, v3;
	_ =	sdelay $0x3  }
0xe5: {  	s8 =	sadd.s32 $0xFFFFFEC0, s0;
	[tilespmem:v59+s26+$0x0] =	vst.idx.msk $0xffff, v2  }
0xe6: {  	v61 =	vor.u32 s8, v0;
	v2 =	vld.idx.msk [tilespmem:v60+s11+$0x0], $0xffff  }
0xe7: {  	v62 =	vor.u32 $0x6, v3;
	_ =	sdelay $0x3  }
0xe8: {  	s8 =	sadd.s32 $0xFFFFFF40, s0;
	[tilespmem:v61+s26+$0x0] =	vst.idx.msk $0xffff, v2  }
0xe9: {  	v63 =	vor.u32 s8, v0;
	v2 =	vld.idx.msk [tilespmem:v62+s11+$0x0], $0xffff  }
0xea: {  	v16 =	vor.u32 $0x7, v3;
	_ =	sdelay $0x3  }
0xeb: {  	s8 =	sadd.s32 $0xFFFFFFC0, s0;
	[tilespmem:v63+s26+$0x0] =	vst.idx.msk $0xffff, v2  }
0xec: {  	v17 =	vor.u32 s8, v0;
	v2 =	vld.idx.msk [tilespmem:v16+s11+$0x0], $0xffff  }
0xed: {  	v18 =	vor.u32 $0x8, v3;
	_ =	sdelay $0x3  }
0xee: {  	[tilespmem:v17+s26+$0x0] =	vst.idx.msk $0xffff, v2  }
0xef: {  	v2 =	vld.idx.msk [tilespmem:v18+s11+$0x0], $0xffff  }
0xf0: {  	v19 =	vor.u32 $0x9, v3;
	_ =	sdelay $0x3  }
0xf1: {  	[tilespmem:v51+s28+$0x0] =	vst.idx.msk $0xffff, v2  }
0xf2: {  	v2 =	vld.idx.msk [tilespmem:v19+s11+$0x0], $0xffff  }
0xf3: {  	v20 =	vor.u32 $0xA, v3;
	_ =	sdelay $0x3  }
0xf4: {  	[tilespmem:v53+s28+$0x0] =	vst.idx.msk $0xffff, v2  }
0xf5: {  	v2 =	vld.idx.msk [tilespmem:v20+s11+$0x0], $0xffff  }
0xf6: {  	v21 =	vor.u32 $0xB, v3;
	_ =	sdelay $0x3  }
0xf7: {  	[tilespmem:v55+s28+$0x0] =	vst.idx.msk $0xffff, v2  }
0xf8: {  	v2 =	vld.idx.msk [tilespmem:v21+s11+$0x0], $0xffff  }
0xf9: {  	v22 =	vor.u32 $0xC, v3;
	_ =	sdelay $0x3  }
0xfa: {  	[tilespmem:v57+s28+$0x0] =	vst.idx.msk $0xffff, v2  }
0xfb: {  	v2 =	vld.idx.msk [tilespmem:v22+s11+$0x0], $0xffff  }
0xfc: {  	v23 =	vor.u32 $0xD, v3;
	_ =	sdelay $0x3  }
0xfd: {  	[tilespmem:v59+s28+$0x0] =	vst.idx.msk $0xffff, v2  }
0xfe: {  	v2 =	vld.idx.msk [tilespmem:v23+s11+$0x0], $0xffff  }
0xff: {  	v24 =	vor.u32 $0xE, v3;
	_ =	sdelay $0x3  }
0x100: {  	[tilespmem:v61+s28+$0x0] =	vst.idx.msk $0xffff, v2  }
0x101: {  	v2 =	vld.idx.msk [tilespmem:v24+s11+$0x0], $0xffff  }
0x102: {  	v3 =	vor.u32 $0xF, v3;
	_ =	sdelay $0x2  }
0x103: {  	s8 =	sadd.s32 $0xFFFFFFD0, s2  }
0x104: {  	[tilespmem:v63+s28+$0x0] =	vst.idx.msk $0xffff, v2;
	v2 =	vmov s8  }
0x105: {  	v3 =	vld.idx.msk [tilespmem:v3+s11+$0x0], $0xffff;
	v2 =	vshll.u32 v2, $0x4  }
0x106: {  	v2 =	vor.u32 v1, v2;
	_ =	sdelay $0x3  }
0x107: {  	s8 =	sadd.s32 $0xFFFFFC50, s0;
	[tilespmem:v17+s28+$0x0] =	vst.idx.msk $0xffff, v3  }
0x108: {  	v25 =	vor.u32 s8, v0;
	v3 =	vld.idx.msk [tilespmem:v2+s11+$0x0], $0xffff  }
0x109: {  	v26 =	vor.u32 $0x1, v2;
	_ =	sdelay $0x3  }
0x10a: {  	s8 =	sadd.s32 $0xFFFFFCD0, s0;
	[tilespmem:v25+s26+$0x0] =	vst.idx.msk $0xffff, v3  }
0x10b: {  	v27 =	vor.u32 s8, v0;
	v3 =	vld.idx.msk [tilespmem:v26+s11+$0x0], $0xffff  }
0x10c: {  	v28 =	vor.u32 $0x2, v2;
	_ =	sdelay $0x3  }
0x10d: {  	s8 =	sadd.s32 $0xFFFFFD50, s0;
	[tilespmem:v27+s26+$0x0] =	vst.idx.msk $0xffff, v3  }
0x10e: {  	v29 =	vor.u32 s8, v0;
	v3 =	vld.idx.msk [tilespmem:v28+s11+$0x0], $0xffff  }
0x10f: {  	v30 =	vor.u32 $0x3, v2;
	_ =	sdelay $0x3  }
0x110: {  	s8 =	sadd.s32 $0xFFFFFDD0, s0;
	[tilespmem:v29+s26+$0x0] =	vst.idx.msk $0xffff, v3  }
0x111: {  	v31 =	vor.u32 s8, v0;
	v3 =	vld.idx.msk [tilespmem:v30+s11+$0x0], $0xffff  }
0x112: {  	v32 =	vor.u32 $0x4, v2;
	_ =	sdelay $0x3  }
0x113: {  	s8 =	sadd.s32 $0xFFFFFE50, s0;
	[tilespmem:v31+s26+$0x0] =	vst.idx.msk $0xffff, v3  }
0x114: {  	v33 =	vor.u32 s8, v0;
	v3 =	vld.idx.msk [tilespmem:v32+s11+$0x0], $0xffff  }
0x115: {  	v34 =	vor.u32 $0x5, v2;
	_ =	sdelay $0x3  }
0x116: {  	s8 =	sadd.s32 $0xFFFFFED0, s0;
	[tilespmem:v33+s26+$0x0] =	vst.idx.msk $0xffff, v3  }
0x117: {  	v35 =	vor.u32 s8, v0;
	v3 =	vld.idx.msk [tilespmem:v34+s11+$0x0], $0xffff  }
0x118: {  	v36 =	vor.u32 $0x6, v2;
	_ =	sdelay $0x3  }
0x119: {  	s8 =	sadd.s32 $0xFFFFFF50, s0;
	[tilespmem:v35+s26+$0x0] =	vst.idx.msk $0xffff, v3  }
0x11a: {  	v37 =	vor.u32 s8, v0;
	v3 =	vld.idx.msk [tilespmem:v36+s11+$0x0], $0xffff  }
0x11b: {  	v38 =	vor.u32 $0x7, v2;
	_ =	sdelay $0x3  }
0x11c: {  	s8 =	sadd.s32 $0xFFFFFFD0, s0;
	[tilespmem:v37+s26+$0x0] =	vst.idx.msk $0xffff, v3  }
0x11d: {  	v39 =	vor.u32 s8, v0;
	v3 =	vld.idx.msk [tilespmem:v38+s11+$0x0], $0xffff  }
0x11e: {  	v40 =	vor.u32 $0x8, v2;
	_ =	sdelay $0x3  }
0x11f: {  	[tilespmem:v39+s26+$0x0] =	vst.idx.msk $0xffff, v3  }
0x120: {  	v3 =	vld.idx.msk [tilespmem:v40+s11+$0x0], $0xffff  }
0x121: {  	v41 =	vor.u32 $0x9, v2;
	_ =	sdelay $0x3  }
0x122: {  	[tilespmem:v25+s28+$0x0] =	vst.idx.msk $0xffff, v3  }
0x123: {  	v3 =	vld.idx.msk [tilespmem:v41+s11+$0x0], $0xffff  }
0x124: {  	v42 =	vor.u32 $0xA, v2;
	_ =	sdelay $0x3  }
0x125: {  	[tilespmem:v27+s28+$0x0] =	vst.idx.msk $0xffff, v3  }
0x126: {  	v3 =	vld.idx.msk [tilespmem:v42+s11+$0x0], $0xffff  }
0x127: {  	v43 =	vor.u32 $0xB, v2;
	_ =	sdelay $0x3  }
0x128: {  	[tilespmem:v29+s28+$0x0] =	vst.idx.msk $0xffff, v3  }
0x129: {  	v3 =	vld.idx.msk [tilespmem:v43+s11+$0x0], $0xffff  }
0x12a: {  	v44 =	vor.u32 $0xC, v2;
	_ =	sdelay $0x3  }
0x12b: {  	[tilespmem:v31+s28+$0x0] =	vst.idx.msk $0xffff, v3  }
0x12c: {  	v3 =	vld.idx.msk [tilespmem:v44+s11+$0x0], $0xffff  }
0x12d: {  	v45 =	vor.u32 $0xD, v2;
	_ =	sdelay $0x3  }
0x12e: {  	[tilespmem:v33+s28+$0x0] =	vst.idx.msk $0xffff, v3  }
0x12f: {  	v3 =	vld.idx.msk [tilespmem:v45+s11+$0x0], $0xffff  }
0x130: {  	v46 =	vor.u32 $0xE, v2;
	_ =	sdelay $0x3  }
0x131: {  	[tilespmem:v35+s28+$0x0] =	vst.idx.msk $0xffff, v3  }
0x132: {  	v3 =	vld.idx.msk [tilespmem:v46+s11+$0x0], $0xffff  }
0x133: {  	v2 =	vor.u32 $0xF, v2;
	_ =	sdelay $0x2  }
0x134: {  	s8 =	sadd.s32 $0xFFFFFFE0, s2  }
0x135: {  	[tilespmem:v37+s28+$0x0] =	vst.idx.msk $0xffff, v3;
	v3 =	vmov s8  }
0x136: {  	v2 =	vld.idx.msk [tilespmem:v2+s11+$0x0], $0xffff;
	v3 =	vshll.u32 v3, $0x4  }
0x137: {  	v3 =	vor.u32 v1, v3;
	_ =	sdelay $0x3  }
0x138: {  	s8 =	sadd.s32 $0xFFFFFC60, s0;
	[tilespmem:v39+s28+$0x0] =	vst.idx.msk $0xffff, v2  }
0x139: {  	v47 =	vor.u32 s8, v0;
	v2 =	vld.idx.msk [tilespmem:v3+s11+$0x0], $0xffff  }
0x13a: {  	v48 =	vor.u32 $0x1, v3;
	_ =	sdelay $0x3  }
0x13b: {  	s8 =	sadd.s32 $0xFFFFFCE0, s0;
	[tilespmem:v47+s26+$0x0] =	vst.idx.msk $0xffff, v2  }
0x13c: {  	v49 =	vor.u32 s8, v0;
	v2 =	vld.idx.msk [tilespmem:v48+s11+$0x0], $0xffff  }
0x13d: {  	v50 =	vor.u32 $0x2, v3;
	_ =	sdelay $0x3  }
0x13e: {  	s8 =	sadd.s32 $0xFFFFFD60, s0;
	[tilespmem:v49+s26+$0x0] =	vst.idx.msk $0xffff, v2  }
0x13f: {  	v51 =	vor.u32 s8, v0;
	v2 =	vld.idx.msk [tilespmem:v50+s11+$0x0], $0xffff  }
0x140: {  	v52 =	vor.u32 $0x3, v3;
	_ =	sdelay $0x3  }
0x141: {  	s8 =	sadd.s32 $0xFFFFFDE0, s0;
	[tilespmem:v51+s26+$0x0] =	vst.idx.msk $0xffff, v2  }
0x142: {  	v53 =	vor.u32 s8, v0;
	v2 =	vld.idx.msk [tilespmem:v52+s11+$0x0], $0xffff  }
0x143: {  	v54 =	vor.u32 $0x4, v3;
	_ =	sdelay $0x3  }
0x144: {  	s8 =	sadd.s32 $0xFFFFFE60, s0;
	[tilespmem:v53+s26+$0x0] =	vst.idx.msk $0xffff, v2  }
0x145: {  	v55 =	vor.u32 s8, v0;
	v2 =	vld.idx.msk [tilespmem:v54+s11+$0x0], $0xffff  }
0x146: {  	v56 =	vor.u32 $0x5, v3;
	_ =	sdelay $0x3  }
0x147: {  	s8 =	sadd.s32 $0xFFFFFEE0, s0;
	[tilespmem:v55+s26+$0x0] =	vst.idx.msk $0xffff, v2  }
0x148: {  	v57 =	vor.u32 s8, v0;
	v2 =	vld.idx.msk [tilespmem:v56+s11+$0x0], $0xffff  }
0x149: {  	v58 =	vor.u32 $0x6, v3;
	_ =	sdelay $0x3  }
0x14a: {  	s8 =	sadd.s32 $0xFFFFFF60, s0;
	[tilespmem:v57+s26+$0x0] =	vst.idx.msk $0xffff, v2  }
0x14b: {  	v59 =	vor.u32 s8, v0;
	v2 =	vld.idx.msk [tilespmem:v58+s11+$0x0], $0xffff  }
0x14c: {  	v60 =	vor.u32 $0x7, v3;
	_ =	sdelay $0x3  }
0x14d: {  	s8 =	sadd.s32 $0xFFFFFFE0, s0;
	[tilespmem:v59+s26+$0x0] =	vst.idx.msk $0xffff, v2  }
0x14e: {  	v61 =	vor.u32 s8, v0;
	v2 =	vld.idx.msk [tilespmem:v60+s11+$0x0], $0xffff  }
0x14f: {  	v62 =	vor.u32 $0x8, v3;
	_ =	sdelay $0x3  }
0x150: {  	[tilespmem:v61+s26+$0x0] =	vst.idx.msk $0xffff, v2  }
0x151: {  	v2 =	vld.idx.msk [tilespmem:v62+s11+$0x0], $0xffff  }
0x152: {  	v63 =	vor.u32 $0x9, v3;
	_ =	sdelay $0x3  }
0x153: {  	[tilespmem:v47+s28+$0x0] =	vst.idx.msk $0xffff, v2  }
0x154: {  	v2 =	vld.idx.msk [tilespmem:v63+s11+$0x0], $0xffff  }
0x155: {  	v15 =	vor.u32 $0xA, v3;
	_ =	sdelay $0x3  }
0x156: {  	[tilespmem:v49+s28+$0x0] =	vst.idx.msk $0xffff, v2  }
0x157: {  	v2 =	vld.idx.msk [tilespmem:v15+s11+$0x0], $0xffff  }
0x158: {  	v16 =	vor.u32 $0xB, v3;
	_ =	sdelay $0x3  }
0x159: {  	[tilespmem:v51+s28+$0x0] =	vst.idx.msk $0xffff, v2  }
0x15a: {  	v2 =	vld.idx.msk [tilespmem:v16+s11+$0x0], $0xffff  }
0x15b: {  	v17 =	vor.u32 $0xC, v3;
	_ =	sdelay $0x3  }
0x15c: {  	[tilespmem:v53+s28+$0x0] =	vst.idx.msk $0xffff, v2  }
0x15d: {  	v2 =	vld.idx.msk [tilespmem:v17+s11+$0x0], $0xffff  }
0x15e: {  	v18 =	vor.u32 $0xD, v3;
	_ =	sdelay $0x3  }
0x15f: {  	[tilespmem:v55+s28+$0x0] =	vst.idx.msk $0xffff, v2  }
0x160: {  	v2 =	vld.idx.msk [tilespmem:v18+s11+$0x0], $0xffff  }
0x161: {  	v19 =	vor.u32 $0xE, v3;
	_ =	sdelay $0x3  }
0x162: {  	[tilespmem:v57+s28+$0x0] =	vst.idx.msk $0xffff, v2  }
0x163: {  	v2 =	vld.idx.msk [tilespmem:v19+s11+$0x0], $0xffff  }
0x164: {  	v3 =	vor.u32 $0xF, v3;
	_ =	sdelay $0x2  }
0x165: {  	s8 =	sadd.s32 $0xFFFFFFF0, s2  }
0x166: {  	[tilespmem:v59+s28+$0x0] =	vst.idx.msk $0xffff, v2;
	v2 =	vmov s8  }
0x167: {  	v3 =	vld.idx.msk [tilespmem:v3+s11+$0x0], $0xffff;
	v2 =	vshll.u32 v2, $0x4  }
0x168: {  	v2 =	vor.u32 v1, v2;
	_ =	sdelay $0x3  }
0x169: {  	s8 =	sadd.s32 $0xFFFFFC70, s0;
	[tilespmem:v61+s28+$0x0] =	vst.idx.msk $0xffff, v3  }
0x16a: {  	v20 =	vor.u32 s8, v0;
	v3 =	vld.idx.msk [tilespmem:v2+s11+$0x0], $0xffff  }
0x16b: {  	v21 =	vor.u32 $0x1, v2;
	_ =	sdelay $0x3  }
0x16c: {  	s8 =	sadd.s32 $0xFFFFFCF0, s0;
	[tilespmem:v20+s26+$0x0] =	vst.idx.msk $0xffff, v3  }
0x16d: {  	v22 =	vor.u32 s8, v0;
	v3 =	vld.idx.msk [tilespmem:v21+s11+$0x0], $0xffff  }
0x16e: {  	v23 =	vor.u32 $0x2, v2;
	_ =	sdelay $0x3  }
0x16f: {  	s8 =	sadd.s32 $0xFFFFFD70, s0;
	[tilespmem:v22+s26+$0x0] =	vst.idx.msk $0xffff, v3  }
0x170: {  	v24 =	vor.u32 s8, v0;
	v3 =	vld.idx.msk [tilespmem:v23+s11+$0x0], $0xffff  }
0x171: {  	v25 =	vor.u32 $0x3, v2;
	_ =	sdelay $0x3  }
0x172: {  	s8 =	sadd.s32 $0xFFFFFDF0, s0;
	[tilespmem:v24+s26+$0x0] =	vst.idx.msk $0xffff, v3  }
0x173: {  	v26 =	vor.u32 s8, v0;
	v3 =	vld.idx.msk [tilespmem:v25+s11+$0x0], $0xffff  }
0x174: {  	v27 =	vor.u32 $0x4, v2;
	_ =	sdelay $0x3  }
0x175: {  	s8 =	sadd.s32 $0xFFFFFE70, s0;
	[tilespmem:v26+s26+$0x0] =	vst.idx.msk $0xffff, v3  }
0x176: {  	v28 =	vor.u32 s8, v0;
	v3 =	vld.idx.msk [tilespmem:v27+s11+$0x0], $0xffff  }
0x177: {  	v29 =	vor.u32 $0x5, v2;
	_ =	sdelay $0x3  }
0x178: {  	s8 =	sadd.s32 $0xFFFFFEF0, s0;
	[tilespmem:v28+s26+$0x0] =	vst.idx.msk $0xffff, v3  }
0x179: {  	v30 =	vor.u32 s8, v0;
	v3 =	vld.idx.msk [tilespmem:v29+s11+$0x0], $0xffff  }
0x17a: {  	v31 =	vor.u32 $0x6, v2;
	_ =	sdelay $0x3  }
0x17b: {  	s8 =	sadd.s32 $0xFFFFFF70, s0;
	[tilespmem:v30+s26+$0x0] =	vst.idx.msk $0xffff, v3  }
0x17c: {  	v32 =	vor.u32 s8, v0;
	v3 =	vld.idx.msk [tilespmem:v31+s11+$0x0], $0xffff  }
0x17d: {  	v33 =	vor.u32 $0x7, v2;
	_ =	sdelay $0x3  }
0x17e: {  	s8 =	sadd.s32 $0xFFFFFFF0, s0;
	[tilespmem:v32+s26+$0x0] =	vst.idx.msk $0xffff, v3  }
0x17f: {  	v34 =	vor.u32 s8, v0;
	v3 =	vld.idx.msk [tilespmem:v33+s11+$0x0], $0xffff  }
0x180: {  	v35 =	vor.u32 $0x8, v2;
	_ =	sdelay $0x3  }
0x181: {  	[tilespmem:v34+s26+$0x0] =	vst.idx.msk $0xffff, v3  }
0x182: {  	v3 =	vld.idx.msk [tilespmem:v35+s11+$0x0], $0xffff  }
0x183: {  	v36 =	vor.u32 $0x9, v2;
	_ =	sdelay $0x3  }
0x184: {  	[tilespmem:v20+s28+$0x0] =	vst.idx.msk $0xffff, v3  }
0x185: {  	v3 =	vld.idx.msk [tilespmem:v36+s11+$0x0], $0xffff  }
0x186: {  	v37 =	vor.u32 $0xA, v2;
	_ =	sdelay $0x3  }
0x187: {  	[tilespmem:v22+s28+$0x0] =	vst.idx.msk $0xffff, v3  }
0x188: {  	v3 =	vld.idx.msk [tilespmem:v37+s11+$0x0], $0xffff  }
0x189: {  	v38 =	vor.u32 $0xB, v2;
	_ =	sdelay $0x3  }
0x18a: {  	[tilespmem:v24+s28+$0x0] =	vst.idx.msk $0xffff, v3  }
0x18b: {  	v3 =	vld.idx.msk [tilespmem:v38+s11+$0x0], $0xffff  }
0x18c: {  	v39 =	vor.u32 $0xC, v2;
	_ =	sdelay $0x3  }
0x18d: {  	[tilespmem:v26+s28+$0x0] =	vst.idx.msk $0xffff, v3  }
0x18e: {  	v3 =	vld.idx.msk [tilespmem:v39+s11+$0x0], $0xffff  }
0x18f: {  	v40 =	vor.u32 $0xD, v2;
	_ =	sdelay $0x3  }
0x190: {  	[tilespmem:v28+s28+$0x0] =	vst.idx.msk $0xffff, v3  }
0x191: {  	v3 =	vld.idx.msk [tilespmem:v40+s11+$0x0], $0xffff  }
0x192: {  	v41 =	vor.u32 $0xE, v2;
	_ =	sdelay $0x3  }
0x193: {  	[tilespmem:v30+s28+$0x0] =	vst.idx.msk $0xffff, v3  }
0x194: {  	v3 =	vld.idx.msk [tilespmem:v41+s11+$0x0], $0xffff  }
0x195: {  	v2 =	vor.u32 $0xF, v2;
	_ =	sdelay $0x3  }
0x196: {  	[tilespmem:v32+s28+$0x0] =	vst.idx.msk $0xffff, v3;
	v3 =	vmov s2  }
0x197: {  	v2 =	vld.idx.msk [tilespmem:v2+s11+$0x0], $0xffff;
	v3 =	vshll.u32 v3, $0x4  }
0x198: {  	v3 =	vor.u32 v1, v3;
	_ =	sdelay $0x3  }
0x199: {  	s8 =	sadd.s32 $0xFFFFFC80, s0;
	[tilespmem:v34+s28+$0x0] =	vst.idx.msk $0xffff, v2  }
0x19a: {  	v42 =	vor.u32 s8, v0;
	v2 =	vld.idx.msk [tilespmem:v3+s11+$0x0], $0xffff  }
0x19b: {  	v43 =	vor.u32 $0x1, v3;
	_ =	sdelay $0x3  }
0x19c: {  	s8 =	sadd.s32 $0xFFFFFD00, s0;
	[tilespmem:v42+s26+$0x0] =	vst.idx.msk $0xffff, v2  }
0x19d: {  	v44 =	vor.u32 s8, v0;
	v2 =	vld.idx.msk [tilespmem:v43+s11+$0x0], $0xffff  }
0x19e: {  	v45 =	vor.u32 $0x2, v3;
	_ =	sdelay $0x3  }
0x19f: {  	s8 =	sadd.s32 $0xFFFFFD80, s0;
	[tilespmem:v44+s26+$0x0] =	vst.idx.msk $0xffff, v2  }
0x1a0: {  	v46 =	vor.u32 s8, v0;
	v2 =	vld.idx.msk [tilespmem:v45+s11+$0x0], $0xffff  }
0x1a1: {  	v47 =	vor.u32 $0x3, v3;
	_ =	sdelay $0x3  }
0x1a2: {  	s8 =	sadd.s32 $0xFFFFFE00, s0;
	[tilespmem:v46+s26+$0x0] =	vst.idx.msk $0xffff, v2  }
0x1a3: {  	v48 =	vor.u32 s8, v0;
	v2 =	vld.idx.msk [tilespmem:v47+s11+$0x0], $0xffff  }
0x1a4: {  	v49 =	vor.u32 $0x4, v3;
	_ =	sdelay $0x3  }
0x1a5: {  	s8 =	sadd.s32 $0xFFFFFE80, s0;
	[tilespmem:v48+s26+$0x0] =	vst.idx.msk $0xffff, v2  }
0x1a6: {  	v50 =	vor.u32 s8, v0;
	v2 =	vld.idx.msk [tilespmem:v49+s11+$0x0], $0xffff  }
0x1a7: {  	v51 =	vor.u32 $0x5, v3;
	_ =	sdelay $0x3  }
0x1a8: {  	s8 =	sadd.s32 $0xFFFFFF00, s0;
	[tilespmem:v50+s26+$0x0] =	vst.idx.msk $0xffff, v2  }
0x1a9: {  	v52 =	vor.u32 s8, v0;
	v2 =	vld.idx.msk [tilespmem:v51+s11+$0x0], $0xffff  }
0x1aa: {  	v53 =	vor.u32 $0x6, v3;
	_ =	sdelay $0x3  }
0x1ab: {  	s8 =	sadd.s32 $0xFFFFFF80, s0;
	[tilespmem:v52+s26+$0x0] =	vst.idx.msk $0xffff, v2  }
0x1ac: {  	v54 =	vor.u32 s8, v0;
	v2 =	vld.idx.msk [tilespmem:v53+s11+$0x0], $0xffff  }
0x1ad: {  	v55 =	vor.u32 $0x7, v3;
	_ =	sdelay $0x3  }
0x1ae: {  	[tilespmem:v54+s26+$0x0] =	vst.idx.msk $0xffff, v2  }
0x1af: {  	v56 =	vor.u32 s0, v0;
	v2 =	vld.idx.msk [tilespmem:v55+s11+$0x0], $0xffff  }
0x1b0: {  	v57 =	vor.u32 $0x8, v3;
	_ =	sdelay $0x3  }
0x1b1: {  	[tilespmem:v56+s26+$0x0] =	vst.idx.msk $0xffff, v2  }
0x1b2: {  	v2 =	vld.idx.msk [tilespmem:v57+s11+$0x0], $0xffff  }
0x1b3: {  	v58 =	vor.u32 $0x9, v3;
	_ =	sdelay $0x3  }
0x1b4: {  	[tilespmem:v42+s28+$0x0] =	vst.idx.msk $0xffff, v2  }
0x1b5: {  	v2 =	vld.idx.msk [tilespmem:v58+s11+$0x0], $0xffff  }
0x1b6: {  	v59 =	vor.u32 $0xA, v3;
	_ =	sdelay $0x3  }
0x1b7: {  	[tilespmem:v44+s28+$0x0] =	vst.idx.msk $0xffff, v2  }
0x1b8: {  	v2 =	vld.idx.msk [tilespmem:v59+s11+$0x0], $0xffff  }
0x1b9: {  	v60 =	vor.u32 $0xB, v3;
	_ =	sdelay $0x3  }
0x1ba: {  	[tilespmem:v46+s28+$0x0] =	vst.idx.msk $0xffff, v2  }
0x1bb: {  	v2 =	vld.idx.msk [tilespmem:v60+s11+$0x0], $0xffff  }
0x1bc: {  	v61 =	vor.u32 $0xC, v3;
	_ =	sdelay $0x3  }
0x1bd: {  	[tilespmem:v48+s28+$0x0] =	vst.idx.msk $0xffff, v2  }
0x1be: {  	v2 =	vld.idx.msk [tilespmem:v61+s11+$0x0], $0xffff  }
0x1bf: {  	v62 =	vor.u32 $0xD, v3;
	_ =	sdelay $0x3  }
0x1c0: {  	[tilespmem:v50+s28+$0x0] =	vst.idx.msk $0xffff, v2  }
0x1c1: {  	v2 =	vld.idx.msk [tilespmem:v62+s11+$0x0], $0xffff  }
0x1c2: {  	v63 =	vor.u32 $0xE, v3;
	_ =	sdelay $0x3  }
0x1c3: {  	[tilespmem:v52+s28+$0x0] =	vst.idx.msk $0xffff, v2  }
0x1c4: {  	v2 =	vld.idx.msk [tilespmem:v63+s11+$0x0], $0xffff  }
0x1c5: {  	v3 =	vor.u32 $0xF, v3;
	_ =	sdelay $0x3  }
0x1c6: {  	[tilespmem:v54+s28+$0x0] =	vst.idx.msk $0xffff, v2  }
0x1c7: {  	p0 =	sne.s32 s0, $0x1FF0;
	v2 =	vld.idx.msk [tilespmem:v3+s11+$0x0], $0xffff  }
.Ltmp0:
0x1c8: {  	_ = 	snop;
	(pc) =	sbr.rel @p0 .LBB2_3-.Ltmp0, $2  }
0x1c9: {  	_ =	sdelay $0x2  }
0x1ca: {  	s0 =	sadd.s32 $0x400, s0;
	s2 =	sadd.s32 $0x80, s2;
	[tilespmem:v56+s28+$0x0] =	vst.idx.msk $0xffff, v2  }
0x1cb: {  	s0 =	sshll.u32 s31, $0x8;
	s2 =	sshll.u32 s31, $0x7  }
0x1cc: {  	s0 =	sand.u32 $0x7FFF8000, s0;
	s2 =	sand.u32 $0x3C00, s2  }
0x1cd: {  	s0 =	sor.u32 s2, s0  }
0x1ce: {  	s2 =	sadd.s32 s1, s0  }
0x1cf: {  	[hbm4b:s2+s3] =	stream.linear.scatter [tilespmem:s26], [sflag:$0x2], $0x2000, $0x38;
	[tilespmem:$0x8400] =	vst v63  }
0x1d0: {  	s30 =	sadd.s32 $0x1, s30;
	_ =	swait.ge [sflag:s9], $0x2000  }
0x1d1: {  	p0 =	sne.s32 s30, $0x19;
	[sflag:s9] =	ssyncset.done $0x0  }
.Ltmp1:
0x1d2: {  	s0 =	sadd.s32 s0, s7;
	[sflag:s9] =	ssyncadd.s32 $0xFFFFE000;
	(pc) =	sbr.rel @p0 .LBB2_2-.Ltmp1, $4  }
0x1d3: {  	[hbm4b:s0+s3] =	stream.linear.scatter [tilespmem:s28], [sflag:$0x2], $0x2000, $0x38;
	[tilespmem:$0x8400] =	vst v63  }
0x1d4: {  	_ =	swait.ge [sflag:s9], $0x2000  }
0x1d5: {  	[sflag:s9] =	ssyncset.done $0x0  }
0x1d6: {  	[sflag:s9] =	ssyncadd.s32 $0xFFFFE000  }
0x1d7: {  	s29 =	sadd.s32 $0x1, s29;
	s0 =	rddreg [dreg:$0x3]  }
0x1d8: {  	p0 =	sne.s32 s29, s0  }
.Ltmp2:
0x1d9: {  	_ = 	snop;
	(pc) =	sbr.rel @p0 .LBB2_1-.Ltmp2, $1  }
0x1da: {  	_ =	sdelay $0x3  }
0x1db: {  	_ =	sfence.sel $0x180000  }
0x1dc: {  	[bflag:$0x0] =	sbarrier.arrive $0xFFFF  }
0x1dd: {  	_ =	strace $0x9000004A  }
0x1de: {  	s0 =	stileid.u32;
	[bflag:$0x2] =	sbarrier.arrive $0xFFFF  }
0x1df: {  	p0 =	sne.s32 s0, $0x0;
	s0 =	rddreg [dreg:$0x2]  }
0x1e0: {  	s0 =	sadd.s32 @!p0 $0x100000, s0  }
0x1e1: {  	[sflag:s0] =	ssyncadd.tile.s32 @!p0 $0x1;
	_ =	shalt  }
.Lfunc_end2:
_tile_overlayer_lowered:
.L_overlay_start_2:
0x1e2: {  	(tag) =	ssettag $0x2  }
0x1e3: {  	s0 =	rddreg [dreg:$0x0];
	s2 =	stileid.u32  }
0x1e4: {  	s1 =	rddreg [dreg:$0x1];
	p0 =	sne.s32 s2, $0x0  }
0x1e5: {  	s3 =	rddreg [dreg:$0x2];
	[bflag:$0x3] =	sbarrier.arrive $0xFFFF;
	s2 =	simm.s32 @!p0 $0x1C02  }
0x1e6: {  	[timem:s3], [sflag:s2] =	dma.local @!p0 [hbm:s0], s1  }
0x1e7: {  	s0 =	simm.s32 @!p0 $0x2  }
0x1e8: {  	_ =	swait.ge @!p0 [sflag:s0], s1  }
0x1e9: {  	s1 =	ssub.s32 @!p0 $0x0, s1;
	[sflag:s0] =	ssyncset.done @!p0 $0x0  }
0x1ea: {  	[sflag:s0] =	ssyncadd.s32 @!p0 s1  }
0x1eb: {  	[bflag:$0x3] =	sbarrier.arrive $0xFFFF  }
0x1ec: {  	_ =	shalt  }

// kernel: sparse-core-data-format-call.cloned.1.call-start
scs
called_computation_lowered:
.L_overlay_start_0:
0x0: {  	s1 =	sld [smem:$0x3FD9]  }
0x1: {  	s2 =	sld [smem:$0x3FFE];
	_ =	sdelay $0x1  }
0x2: {  	s3 =	srdreg.scid  }
0x3: {  	s0 =	sand.u32 $0x1, s3  }
0x4: {  	s17 =	sshll.u32 s0, $0xA;
	s1 =	sadd.s32 s2, s1  }
0x5: {  	s1 =	sadd.s32 s1, s17  }
0x6: {  	[smem:$0x3FC5] =	sst s1  }
0x7: {  	_ = 	snop  }
0x8: {  	(tm) =	ssettm $0x1  }
0x9: {  	s18 =	sld [smem:$0x3FFB];
	_ =	sdelay $0x3  }
0xa: {  	_ =	strace s18  }
0xb: {  	s1 =	sld [smem:$0x3FFC];
	_ =	sdelay $0x3  }
0xc: {  	_ =	strace s1  }
0xd: {  	s1 =	sld [smem:$0x3FFD];
	_ =	sdelay $0x3  }
0xe: {  	_ =	strace s1  }
0xf: {  	_ =	strace $0x8FFFFFFF  }
0x10: {  	s19 =	sld [smem:$0x3FDB];
	_ =	sdelay $0x1  }
0x11: {  	s20 =	simm.s32 $_scs_section_size  }
0x12: {  	s4 =	simm.s32 $_size__tile_overlayer_lowered;
	s5 =	simm.s32 $_tile_overlayer_lowered  }
0x13: {  	s23 =	simm.s32 $0x1BFF;
	s22 =	sshll.u32 s5, $0x1;
	s1 =	sadd.s32 s20, s19  }
0x14: {  	s6 =	simm.s32 $0x0;
	s21 =	sshll.u32 s4, $0x1;
	s4 =	sadd.s32 s22, s1  }
0x15: {  	[timem:s6], [sflag:s23] =	dma.local [hbm:s4], s21  }
0x16: {  	_ =	swait.ge [sflag:s23], s21  }
0x17: {  	s2 =	ssub.s32 $0x0, s21;
	[sflag:s23] =	ssyncset.done $0x0  }
0x18: {  	[sflag:s23] =	ssyncadd.s32 s2;
	_ =	sdelay $0x1  }
0x19: {  	s24 =	simm.s32 $0x1B8B  }
0x1a: {  	_ =	swait.ge [sflag:s24], $0x1  }
0x1b: {  	[sflag:s24] =	ssyncset.done $0x0  }
0x1c: {  	s26 =	simm.s32 $0x1B8E;
	s25 =	sld [smem:$0x3FFE];
	[sflag:s24] =	ssyncadd.s32 $0xFFFFFFFF  }
0x1d: {  	s27 =	simm.s32 $execute0_lowered;
	[smem:$0x3FD2] =	sst s26  }
0x1e: {  	s4 =	sshll.u32 s27, $0x1;
	_ =	strace $0x80000046;
	[dreg:$0x1] =	wrdreg $0xFFFFFFFF  }
0x1f: {  	s28 =	simm.s32 $_size_execute0_lowered;
	s1 =	sadd.s32 s1, s4;
	[dreg:$0x0] =	wrdreg $0x0  }
0x20: {  	s4 =	sshll.u32 s28, $0x1;
	[dreg:$0x2] =	wrdreg s1  }
0x21: {  	[dreg:$0x3] =	wrdreg s4  }
0x22: {  	[dreg:$0x4] =	wrdreg $0xC0  }
0x23: {  	_ =	task [dreg:s6], $0x5FFFF  }
0x24: {  	[dreg:$0x1] =	wrdreg $0xFFFFFFFF  }
0x25: {  	[dreg:$0x0] =	wrdreg $0x60  }
0x26: {  	[dreg:$0x2] =	wrdreg s25  }
0x27: {  	[dreg:$0x3] =	wrdreg $0x9  }
0x28: {  	_ =	task.clear_ibuf [dreg:s6], $0x4FFFF;
	_ =	strace $0x90000046  }
0x29: {  	s29 =	simm.s32 $0x9;
	_ =	strace $0x80000048  }
0x2a: {  	_ =	swait.ge [sflag:s29], $0x1  }
0x2b: {  	[sflag:s29] =	ssyncadd.s32 $0xFFFFFFFF  }
0x2c: {  	_ =	strace $0x90000048  }
0x2d: {  	_ =	sfence  }
0x2e: {  	s30 =	sld [smem:$0x0];
	_ =	sdelay $0x2  }
0x2f: {  	s31 =	sshll.u32 s3, $0xD;
	s3 =	sshrl.u32 s3, $0x2  }
0x30: {  	s2 =	sand.u32 $0x4000, s31;
	s1 =	sadd.s32 s3, s30  }
0x31: {  	s0 =	sor.u32 s2, s0;
	s1 =	sshll.u32 s1, $0x11  }
0x32: {  	s0 =	sor.u32 s1, s0  }
0x33: {  	s0 =	sadd.s32 $0x8F2B, s0  }
0x34: {  	[sflag:s0] =	ssyncadd.remote.s32 $0x1  }
0x35: {  	_ =	sfence.sel $0xFFFF  }
0x36: {  	[dreg:$0x0] =	wrdreg $0xFFFFFFFF;
	(pc) =	sbr.abs _section_cstart, $3  }
0x37: {  	[dreg:$0x1] =	wrdreg $0xFFFFFFFF  }
0x38: {  	_ =	task.clear_ibuf [dreg:s6], $0x2FFFF;
	_ =	strace $0x9FFFFFFF  }
0x39: {  	(tm) =	ssettm $0x7FFFFFFF  }
tec
execute0_lowered:
.L_overlay_start_1:
0x0: {  	(tag) =	ssettag $0x1  }
0x1: {  	s0 =	srdreg.scid  }
0x2: {  	s5 =	rddreg [dreg:$0x0];
	s1 =	stileid.u32;
	s4 =	simm.s32 $0x1  }
0x3: {  	s6 =	simm.s32 $0x2;
	s15 =	simm.s32 $0x0;
	p0 =	por $0x0, $0x0  }
0x4: {  	s8 =	simm.s32 $0x80;
	s14 =	simm.s32 $0x0;
	s2 =	sshll.u32 s0, $0x4  }
0x5: {  	s9 =	simm.s32 $0x0;
	s10 =	simm.s32 $0x0;
	s2 =	sand.u32 $0x10, s2  }
.Ltmp0:
0x6: {  	s12 =	simm.s32 $0x0;
	s3 =	sor.u32 s1, s2;
	(pc) =	sbr.rel .LBB1_1-.Ltmp0, $4  }
0x7: {  	s0 =	rddreg [dreg:$0x1];
	_ =	strace $0x80000047;
	s3 =	sshll.u32 s3, $0x7  }
0x8: {  	s13 =	simm.s32 $0x0;
	[sflag:s4] =	ssyncpa.u1 $0x0;
	s7 =	ssub.s32 $0xF4200, s3  }
0x9: {  	s2 =	sadd.s32 $0xA00, s5;
	[sflag:s6] =	ssyncpa.u1 $0x0;
	s6 =	sshrl.u32 s7, $0xC  }
0xa: {  	s5 =	sadd.s32 $0x1E9000, s5;
	s11 =	smov.u32 s3;
	s7 =	sadd.s32 $0x2, s6  }
.LBB1_5:
0xb: {  	p1 =	slt.u32 s13, $0x2  }
0xc: {  	s17 =	smov.u32 s15;
	p2 =	sgt.s32 @!p1 s15, $0xF41C0;
	s16 =	sshra.s32 @!p1 s15, $0x1F  }
0xd: {  	p3 =	sgt.s32 @!p1 s14, $0x70;
	s18 =	sshra.s32 @!p1 s14, $0x1F;
	p2 =	por !p2, p1  }
0xe: {  	s15 =	sand.u32 @!p1 s16, s15;
	p3 =	por !p3, p1;
	s16 =	smov.u32 s14  }
0xf: {  	s14 =	sand.u32 @!p1 s18, s14;
	s17 =	simm.s32 @p2 $0xF41C0;
	s16 =	simm.s32 @p3 $0x70  }
0x10: {  	s15 =	ssub.s32 @!p1 s17, s15;
	s14 =	ssub.s32 @!p1 s16, s14  }
0x11: {  	s18 =	smov.u32 s12;
	s16 =	sadd.s32 @!p1 $0xFFF0BE40, s15;
	s17 =	sadd.s32 @!p1 $0xFFFFFF90, s14  }
0x12: {  	s15 =	ssub.s32 @!p1 $0xF4240, s15;
	p2 =	sgt.s32 @!p1 s16, $0x7F;
	p3 =	sgt.s32 @!p1 s17, $0xF  }
0x13: {  	s14 =	ssub.s32 @!p1 $0x80, s14;
	p2 =	por !p2, p1;
	p3 =	por !p3, p1  }
0x14: {  	s16 =	sadd.s32 $0x1000, s11;
	s15 =	simm.s32 @!p2 $0x0;
	s14 =	simm.s32 @!p3 $0x0  }
0x15: {  	p2 =	sgt.s32 s16, $0xF423F;
	s14 =	smul.u32 @!p1 s14, s15;
	s15 =	sadd.s32 $0x10, s12  }
0x16: {  	s18 =	smov.u32 @p2 s15  }
0x17: {  	s16 =	smov.u32 @p2 s3;
	p2 =	sgt.s32 s18, $0xF  }
0x18: {  	s18 =	simm.s32 @p2 $0x0;
	p2 =	sne.s32 s13, s7  }
.Ltmp1:
0x19: {  	p0 =	por !p0, !p0;
	s17 =	simm.s32 @!p1 $0x2;
	(pc) =	sbr.rel @!p2 .LBB1_6-.Ltmp1, $4  }
0x1a: {  	s15 =	smov.u32 s9;
	s9 =	smov.u32 s11;
	s14 =	sand.u32 @!p1 $0x3FFFFFFF, s14  }
0x1b: {  	s11 =	smov.u32 s16;
	_ =	swait.ge @!p1 [sflag:s17], s14;
	s19 =	ssub.s32 @!p1 $0x0, s14  }
0x1c: {  	s14 =	smov.u32 s10;
	s13 =	sadd.s32 $0x1, s13;
	[sflag:s17] =	ssyncset.done @!p1 $0x0  }
0x1d: {  	s10 =	smov.u32 s12;
	s12 =	smov.u32 s18;
	[sflag:s17] =	ssyncadd.s32 @!p1 s19  }
.LBB1_1:
0x1e: {  	p1 =	sgt.u32 s13, s6  }
0x1f: {  	s16 =	sshrl.u32 @!p1 s12, $0x3  }
0x20: {  	s17 =	sshll.u32 @!p1 s11, $0x3;
	s16 =	smul.u32 @!p1 $0x7A1400, s16  }
0x21: {  	s18 =	sshll.u32 @!p1 s12, $0x7;
	s17 =	sand.u32 @!p1 $0xFFFFFC00, s17  }
0x22: {  	s16 =	sadd.s32 @!p1 s16, s17;
	s17 =	sand.u32 @!p1 $0x380, s18  }
0x23: {  	s18 =	sand.u32 @!p1 $0x7F, s11;
	s16 =	sor.u32 @!p1 s17, s16  }
0x24: {  	s17 =	sor.u32 @!p1 s18, s16  }
0x25: {  	s18 =	smulhi.u32 @!p1 $0x218D6287, s17;
	_ =	sdelay $0x1  }
0x26: {  	s16 =	smulhi.u32 @!p1 $0x218D6287, s16;
	s18 =	sshrl.u32 @!p1 s18, $0x11  }
0x27: {  	s18 =	smul.u32 @!p1 $0xF4280, s18  }
0x28: {  	s19 =	sxor.u32 @!p1 $0xFFFFFFFF, s13;
	s16 =	sshrl.u32 @!p1 s16, $0x11  }
0x29: {  	s19 =	sshll.u32 @!p1 s19, $0xB;
	s16 =	sand.u32 @!p1 $0xF, s16;
	s17 =	ssub.s32 @!p1 s17, s18  }
0x2a: {  	s16 =	smul.u32 @!p1 $0x1E850, s16;
	s18 =	sshrl.u32 @!p1 s17, $0x3;
	s17 =	sand.u32 @!p1 $0x7, s17  }
0x2b: {  	s19 =	sand.u32 @!p1 $0x800, s19;
	s18 =	sadd.s32 @!p1 s2, s18;
	s17 =	sshll.u32 @!p1 s17, $0x12  }
0x2c: {  	s16 =	sadd.s32 @!p1 s16, s18;
	s17 =	sor.u32 @!p1 $0x400, s17;
	s18 =	simm.s32 @!p1 $0x7A1400  }
0x2d: {  	[tilespmem:s19], [sflag:$0x1] =	stream.strided.gather @!p1 [hbm4b:s16+s17], $0x800, s18, s17, $0x38;
	[tilespmem:$0x2100] =	vst v63  }
0x2e: {  	p1 =	seq.s32 s13, $0x0  }
0x2f: {  	p2 =	sge.u32 @!p1 s13, s7  }
0x30: {  	p1 =	por p1, p2  }
.Ltmp2:
0x31: {  	_ = 	snop;
	(pc) =	sbr.rel @p1 .LBB1_5-.Ltmp2, $1  }
0x32: {  	_ =	sdelay $0x3  }
0x33: {  	s16 =	simm.s32 $0x1  }
0x34: {  	_ =	swait.ge [sflag:s4], $0x800;
	s16 =	simm.s32 @!p0 $0x0  }
0x35: {  	[sflag:s4] =	ssyncset.done $0x0;
	s17 =	sshll.u32 s16, $0xB  }
0x36: {  	[sflag:s4] =	ssyncadd.s32 $0xFFFFF800;
	s17 =	sor.u32 $0x40, s17  }
0x37: {  	s16 =	smul.u32 $0x2200, s16;
	v0 =	vld [tilespmem:s17+$0x30]  }
0x38: {  	v1 =	vld [tilespmem:s17+$0xFFFFFFD0]  }
0x39: {  	s16 =	sshrl.u32 s16, $0x2;
	v5 =	vld [tilespmem:s17+$0xFFFFFFE0]  }
0x3a: {  	v6 =	vld [tilespmem:s17+$0xFFFFFFF0];
	s19 =	sor.u32 $0x1000, s16  }
0x3b: {  	s31 =	sand.u32 $0x1, s13;
	v4 =	vld [tilespmem:s17+$0x0];
	s18 =	sadd.s32 $0x0, s19  }
0x3c: {  	v3 =	vld [tilespmem:s17+$0x10];
	s16 =	smul.u32 $0x2200, s31;
	[tilespmem:s18+$0x770 ss:$0x11] =	vst.msk $0xffff, v0  }
0x3d: {  	v2 =	vld [tilespmem:s17+$0x20];
	[tilespmem:s18+$0x110 ss:$0x11] =	vst.msk $0xffff, v1  }
0x3e: {  	s16 =	sshrl.u32 s16, $0x2;
	v1 =	vld [tilespmem:s17+$0xFFFFFFC0];
	[tilespmem:s18+$0x220 ss:$0x11] =	vst.msk $0xffff, v5;
	s17 =	sadd.s32 $0x80, s17  }
0x3f: {  	s20 =	simm.s32 $0x4;
	s21 =	simm.s32 $0x8;
	s16 =	sor.u32 $0x1000, s16;
	[tilespmem:s18+$0x330 ss:$0x11] =	vst.msk $0xffff, v6;
	v0 =	vld [tilespmem:s17+$0x30]  }
.LBB1_3:
0x40: {  	p1 =	sne.s32 s21, $0x3C;
	v5 =	vld [tilespmem:s17+$0xFFFFFFD0];
	[tilespmem:s18+$0x440 ss:$0x11] =	vst.msk $0xffff, v4  }
0x41: {  	v6 =	vld [tilespmem:s17+$0xFFFFFFE0];
	[tilespmem:s18+$0x550 ss:$0x11] =	vst.msk $0xffff, v3  }
0x42: {  	s22 =	sshra.s32 s20, $0x2;
	s20 =	smov.u32 s21;
	v7 =	vld [tilespmem:s17+$0xFFFFFFF0];
	[tilespmem:s18+$0x660 ss:$0x11] =	vst.msk $0xffff, v2  }
.Ltmp3:
0x43: {  	v4 =	vld [tilespmem:s17+$0x0];
	[tilespmem:s18+$0x0 ss:$0x11] =	vst.msk $0xffff, v1;
	s18 =	sadd.s32 s22, s19;
	(pc) =	sbr.rel @p1 .LBB1_3-.Ltmp3, $4  }
0x44: {  	v3 =	vld [tilespmem:s17+$0x10];
	[tilespmem:s18+$0x770 ss:$0x11] =	vst.msk $0xffff, v0  }
0x45: {  	[tilespmem:s18+$0x110 ss:$0x11] =	vst.msk $0xffff, v5;
	v2 =	vld [tilespmem:s17+$0x20]  }
0x46: {  	v1 =	vld [tilespmem:s17+$0xFFFFFFC0];
	[tilespmem:s18+$0x220 ss:$0x11] =	vst.msk $0xffff, v6;
	s17 =	sadd.s32 $0x80, s17  }
0x47: {  	s21 =	sadd.s32 $0x4, s21;
	v0 =	vld [tilespmem:s17+$0x30];
	[tilespmem:s18+$0x330 ss:$0x11] =	vst.msk $0xffff, v7  }
0x48: {  	s21 =	sshll.u32 s9, $0x7;
	s22 =	sshll.u32 s10, $0x3;
	s20 =	sshra.s32 s20, $0x2  }
0x49: {  	p1 =	sgt.s32 s9, $0xF41C0;
	s30 =	sshra.s32 s9, $0x1F;
	s25 =	sshra.s32 s10, $0x1F  }
0x4a: {  	v5 =	vld [tilespmem:s17+$0xFFFFFFD0];
	s28 =	sshrl.u32 s10, $0x3;
	s23 =	sand.u32 $0xFFFFFC00, s21;
	s22 =	sand.u32 $0xFFFFFC00, s22  }
0x4b: {  	[tilespmem:s18+$0x440 ss:$0x11] =	vst.msk $0xffff, v4;
	v58 =	vld [tilespmem:s17+$0xFFFFFFE0];
	s21 =	sand.u32 $0x380, s21;
	s19 =	sadd.s32 s20, s19;
	s22 =	sadd.s32 s22, s23  }
0x4c: {  	v59 =	vld [tilespmem:s17+$0xFFFFFFF0];
	[tilespmem:s18+$0x550 ss:$0x11] =	vst.msk $0xffff, v3;
	s29 =	sor.u32 s21, s22;
	s21 =	smov.u32 s9;
	s22 =	sand.u32 s30, s9  }
0x4d: {  	v60 =	vld [tilespmem:s17+$0x0];
	[tilespmem:s18+$0x660 ss:$0x11] =	vst.msk $0xffff, v2;
	s30 =	sand.u32 $0x7, s10;
	s20 =	sshrl.u32 s29, $0x7;
	s21 =	simm.s32 @!p1 $0xF41C0  }
0x4e: {  	v61 =	vld [tilespmem:s17+$0x10];
	[tilespmem:s18+$0x0 ss:$0x11] =	vst.msk $0xffff, v1;
	p1 =	sgt.s32 s10, $0x70;
	s24 =	ssub.s32 s21, s22;
	s21 =	smov.u32 s10  }
0x4f: {  	v62 =	vld [tilespmem:s17+$0x20];
	[tilespmem:s19+$0x770 ss:$0x11] =	vst.msk $0xffff, v0;
	s31 =	smulhi.u32 $0x218DEF5, s20;
	s22 =	sand.u32 s25, s10;
	s21 =	simm.s32 @!p1 $0x70  }
0x50: {  	v63 =	vld [tilespmem:s17+$0xFFFFFFC0];
	[tilespmem:s19+$0x110 ss:$0x11] =	vst.msk $0xffff, v5;
	s26 =	sadd.s32 $0xFFF0BE40, s24;
	s17 =	ssub.s32 $0xF4240, s24;
	s21 =	ssub.s32 s21, s22  }
0x51: {  	[tilespmem:s19+$0x220 ss:$0x11] =	vst.msk $0xffff, v58;
	s23 =	sshrl.u32 s31, $0xD;
	p1 =	sgt.s32 s26, $0x7F;
	s27 =	sadd.s32 $0xFFFFFF90, s21  }
0x52: {  	[tilespmem:s19+$0x330 ss:$0x11] =	vst.msk $0xffff, v59;
	s23 =	smul.u32 $0xF4240, s23;
	s18 =	ssub.s32 $0x80, s21;
	p2 =	sgt.s32 s27, $0xF  }
.Ltmp4:
0x53: {  	[tilespmem:s19+$0x440 ss:$0x11] =	vst.msk $0xffff, v60;
	s17 =	simm.s32 @p1 $0x0;
	s18 =	simm.s32 @p2 $0x0;
	(pc) =	sbr.rel .LBB1_5-.Ltmp4, $4  }
0x54: {  	s29 =	sand.u32 $0xF, s28;
	[tilespmem:s19+$0x550 ss:$0x11] =	vst.msk $0xffff, v61;
	s20 =	ssub.s32 s20, s23;
	s17 =	smul.u32 s18, s17  }
0x55: {  	[tilespmem:s19+$0x660 ss:$0x11] =	vst.msk $0xffff, v62;
	s21 =	sshll.u32 s30, $0x12;
	s20 =	sshll.u32 s20, $0x4;
	s18 =	sadd.s32 s5, s29  }
0x56: {  	[tilespmem:s19+$0x0 ss:$0x11] =	vst.msk $0xffff, v63;
	s31 =	sor.u32 $0x10, s21;
	s18 =	sadd.s32 s20, s18;
	s17 =	sand.u32 $0x3FFFFFFF, s17  }
0x57: {  	[hbm4b:s18+s31] =	stream.strided.scatter [tilespmem:s16], [sflag:$0x2], s17, s8, s31, $0x8;
	[tilespmem:$0x2100] =	vst v63  }
.LBB1_6:
0x58: {  	_ =	sfence.sel $0x180000  }
0x59: {  	s2 =	simm.s32 $0x1;
	[bflag:$0x0] =	sbarrier.arrive $0xFFFF  }
0x5a: {  	s31 =	simm.s32 $0x2;
	[sflag:s2] =	ssyncpa.u1 $0x1  }
0x5b: {  	[sflag:s31] =	ssyncpa.u1 $0x1  }
0x5c: {  	p0 =	sne.s32 s1, $0x0;
	_ =	strace $0x90000047  }
0x5d: {  	s0 =	sadd.s32 @!p0 $0x100000, s0;
	[bflag:$0x2] =	sbarrier.arrive $0xFFFF  }
0x5e: {  	[sflag:s0] =	ssyncadd.tile.s32 @!p0 $0x1;
	_ =	shalt  }
.Lfunc_end1:
_tile_overlayer_lowered:
.L_overlay_start_2:
0x5f: {  	(tag) =	ssettag $0x2  }
0x60: {  	s0 =	rddreg [dreg:$0x0];
	s2 =	stileid.u32  }
0x61: {  	s1 =	rddreg [dreg:$0x1];
	p0 =	sne.s32 s2, $0x0  }
0x62: {  	s3 =	rddreg [dreg:$0x2];
	[bflag:$0x3] =	sbarrier.arrive $0xFFFF;
	s2 =	simm.s32 @!p0 $0x1C01  }
0x63: {  	[timem:s3], [sflag:s2] =	dma.local @!p0 [hbm:s0], s1  }
0x64: {  	s0 =	simm.s32 @!p0 $0x1  }
0x65: {  	_ =	swait.ge @!p0 [sflag:s0], s1  }
0x66: {  	s1 =	ssub.s32 @!p0 $0x0, s1;
	[sflag:s0] =	ssyncset.done @!p0 $0x0  }
0x67: {  	[sflag:s0] =	ssyncadd.s32 @!p0 s1  }
0x68: {  	[bflag:$0x3] =	sbarrier.arrive $0xFFFF  }
0x69: {  	_ =	shalt  }

</sc_bundles>
